<compile_context>
chip_gen: v7x
topology: tpu7x:2x2x1
jax: 0.10.2.dev20260603
libtpu: 0.0.44.dev20260713+nightly
codegen_flags: <defaults>
</compile_context>

<pallas_src>
import functools

import jax
import jax.numpy as jnp
from jax import lax
from jax.experimental import pallas as pl
from jax.experimental.pallas import tpu as pltpu
from jax.experimental.pallas import tpu_sc as plsc

N_NODES = 100000
N_EDGES = 3200000
D_EDGE = 16

LANES = 128
ROWS_PER_CHUNK = 6
CHUNK_EDGES = LANES * ROWS_PER_CHUNK
N_ROWS = N_EDGES // LANES
NW = 32
ROWS_PER_W = N_ROWS // NW
EXTRA_W = N_ROWS - ROWS_PER_W * NW
FULL_CHUNKS = (ROWS_PER_W // ROWS_PER_CHUNK) // 2 * 2
MAIN_ROWS = FULL_CHUNKS * ROWS_PER_CHUNK
NODES_PER_TILE = N_NODES // 16


def _sc_body(col_hbm, attr_hbm, out_hbm,
             acc, idx0, idx1, at0, at1, sem0, sem1):
    i32 = jnp.int32
    c = lax.axis_index("c").astype(i32)
    s = lax.axis_index("s").astype(i32)
    w = c * i32(16) + s

    idxb = (idx0, idx1)
    attb = (at0, at1)
    sems = (sem0, sem1)

    z = jnp.zeros((D_EDGE,), jnp.float32)

    def zrow(i, carry):
        at0[i] = z
        return carry

    lax.fori_loop(jnp.int32(0), jnp.int32(CHUNK_EDGES), zrow, jnp.int32(0))
    base_n = s * NODES_PER_TILE

    def zcopy(i, carry):
        pltpu.sync_copy(at0.at[pl.ds(i32(0), CHUNK_EDGES)],
                        acc.at[pl.ds(base_n + i * i32(CHUNK_EDGES),
                                     CHUNK_EDGES)])
        return carry

    nfull = NODES_PER_TILE // CHUNK_EDGES
    lax.fori_loop(jnp.int32(0), jnp.int32(nfull), zcopy, jnp.int32(0))
    rem = NODES_PER_TILE - nfull * CHUNK_EDGES
    if rem:
        pltpu.sync_copy(
            at0.at[pl.ds(i32(0), rem)],
            acc.at[pl.ds(base_n + i32(nfull * CHUNK_EDGES), rem)])
    plsc.subcore_barrier()

    base_row = w * i32(ROWS_PER_W) + jnp.minimum(w, i32(EXTRA_W))
    n_rows = i32(ROWS_PER_W) + jnp.where(w < EXTRA_W, i32(1), i32(0))

    def start(kb, b):
        r0 = base_row + kb * i32(ROWS_PER_CHUNK)
        e0 = r0 * i32(LANES)
        for j in range(ROWS_PER_CHUNK):
            pltpu.async_copy(
                col_hbm.at[i32(1), pl.ds(e0 + i32(j * LANES), LANES)],
                idxb[b].at[i32(j)], sems[b])
        pltpu.async_copy(attr_hbm.at[pl.ds(e0, CHUNK_EDGES)],
                         attb[b], sems[b])

    def wait(b):
        for j in range(ROWS_PER_CHUNK):
            pltpu.make_async_copy(col_hbm.at[i32(1), pl.ds(0, LANES)],
                                  idxb[b].at[i32(j)], sems[b]).wait()
        pltpu.make_async_copy(attr_hbm.at[pl.ds(0, CHUNK_EDGES)], attb[b],
                              sems[b]).wait()

    start(0, 0)
    start(1, 1)

    def chunk_pair(i, carry):
        for b in range(2):
            kb = i * jnp.int32(2) + jnp.int32(b)
            wait(b)
            for j in range(ROWS_PER_CHUNK):
                pltpu.sync_copy(attb[b].at[pl.ds(i32(j * LANES), LANES)],
                                acc.at[idxb[b].at[i32(j)]], add=True)
            pl.when(kb + 2 < FULL_CHUNKS)(lambda: start(kb + 2, b))
        return carry

    lax.fori_loop(jnp.int32(0), jnp.int32(FULL_CHUNKS // 2), chunk_pair,
                  jnp.int32(0))

    def tail_row(r, carry):
        rr = base_row + r
        pltpu.async_copy(
            col_hbm.at[jnp.int32(1), pl.ds(rr * jnp.int32(LANES), LANES)],
            idx0.at[jnp.int32(0)], sem0)
        pltpu.async_copy(attr_hbm.at[pl.ds(rr * jnp.int32(LANES), LANES)],
                         at0.at[pl.ds(jnp.int32(0), LANES)], sem0)
        pltpu.make_async_copy(col_hbm.at[jnp.int32(1), pl.ds(0, LANES)],
                              idx0.at[jnp.int32(0)], sem0).wait()
        pltpu.make_async_copy(attr_hbm.at[pl.ds(0, LANES)],
                              at0.at[pl.ds(jnp.int32(0), LANES)],
                              sem0).wait()
        pltpu.sync_copy(at0.at[pl.ds(jnp.int32(0), LANES)],
                        acc.at[idx0.at[jnp.int32(0)]], add=True)
        return carry

    lax.fori_loop(jnp.int32(MAIN_ROWS), n_rows, tail_row, jnp.int32(0))

    plsc.subcore_barrier()

    pltpu.sync_copy(acc.at[pl.ds(base_n, NODES_PER_TILE)],
                    out_hbm.at[c, pl.ds(base_n, NODES_PER_TILE)])


_sc_scatter = functools.partial(
    pl.kernel,
    out_type=jax.ShapeDtypeStruct((2, N_NODES, D_EDGE), jnp.float32),
    mesh=plsc.VectorSubcoreMesh(core_axis_name="c", subcore_axis_name="s",
                                num_cores=2, num_subcores=16),
    compiler_params=pltpu.CompilerParams(use_tc_tiling_on_sc=False,
                                         needs_layout_passes=False),
    scratch_types=[
        pltpu.VMEM_SHARED((N_NODES, D_EDGE), jnp.float32),
        pltpu.VMEM((ROWS_PER_CHUNK, LANES), jnp.int32),
        pltpu.VMEM((ROWS_PER_CHUNK, LANES), jnp.int32),
        pltpu.VMEM((CHUNK_EDGES, D_EDGE), jnp.float32),
        pltpu.VMEM((CHUNK_EDGES, D_EDGE), jnp.float32),
        pltpu.SemaphoreType.DMA,
        pltpu.SemaphoreType.DMA,
    ],
)(_sc_body)


CMB_ROWS = N_NODES // NW
CMB_CHUNK = 625


def _cmb_body(p_hbm, out_hbm, a_v, b_v, o_v, sem):
    i32 = jnp.int32
    c = lax.axis_index("c").astype(i32)
    s = lax.axis_index("s").astype(i32)
    w = c * i32(16) + s
    base = w * i32(CMB_ROWS)

    def chunk(k, carry):
        r0 = base + k * i32(CMB_CHUNK)
        pltpu.async_copy(p_hbm.at[i32(0), pl.ds(r0, CMB_CHUNK)], a_v, sem)
        pltpu.async_copy(p_hbm.at[i32(1), pl.ds(r0, CMB_CHUNK)], b_v, sem)
        pltpu.make_async_copy(p_hbm.at[i32(0), pl.ds(0, CMB_CHUNK)], a_v,
                              sem).wait()
        pltpu.make_async_copy(p_hbm.at[i32(1), pl.ds(0, CMB_CHUNK)], b_v,
                              sem).wait()

        def row(i, cc):
            o_v[i] = a_v[i] + b_v[i]
            return cc

        lax.fori_loop(jnp.int32(0), jnp.int32(CMB_CHUNK), row, jnp.int32(0))
        pltpu.sync_copy(o_v, out_hbm.at[pl.ds(r0, CMB_CHUNK)])
        return carry

    lax.fori_loop(jnp.int32(0), jnp.int32(CMB_ROWS // CMB_CHUNK), chunk,
                  jnp.int32(0))


_sc_combine = functools.partial(
    pl.kernel,
    out_type=jax.ShapeDtypeStruct((N_NODES, D_EDGE), jnp.float32),
    mesh=plsc.VectorSubcoreMesh(core_axis_name="c", subcore_axis_name="s",
                                num_cores=2, num_subcores=16),
    compiler_params=pltpu.CompilerParams(use_tc_tiling_on_sc=False,
                                         needs_layout_passes=False),
    scratch_types=[
        pltpu.VMEM((CMB_CHUNK, D_EDGE), jnp.float32),
        pltpu.VMEM((CMB_CHUNK, D_EDGE), jnp.float32),
        pltpu.VMEM((CMB_CHUNK, D_EDGE), jnp.float32),
        pltpu.SemaphoreType.DMA,
    ],
)(_cmb_body)


def _cast_body(ei_ref, o_ref):
    o_ref[...] = ei_ref[1:2, :].astype(jnp.int32)


def _cast_col(edge_index):
    out = pl.pallas_call(
        _cast_body,
        grid=(25,),
        in_specs=[pl.BlockSpec((2, 128000), lambda i: (jnp.int32(0), i))],
        out_specs=pl.BlockSpec((1, 128000), lambda i: (jnp.int32(0), i)),
        out_shape=jax.ShapeDtypeStruct((1, 25 * 128000), jnp.int32),
    )(edge_index)
    return out.reshape(N_EDGES)


def _combine(p):
    return _sc_combine(p)


@jax.jit
def kernel(x, edge_index, edge_attr, u, batch):
    col = edge_index.astype(jnp.int32)
    partials = _sc_scatter(col, edge_attr)
    return _combine(partials)

# --- scband reference (transcript-rebuilt; emitter-appended) ---
"""Pipeline reference for scband-light-node-update-47218870453040 (READ-ONLY COPY).

The authoritative reference and input builder live on the scoring server;
editing this copy changes nothing except your own understanding.
"""

import jax, jax.numpy as jnp
import numpy as np
jax.config.update("jax_enable_x64", True)

N_NODES = 100000
N_EDGES = 3200000
D_FEAT = 128
D_EDGE = 16

def setup_inputs(seed: int = 0) -> dict:
    key = jax.random.key(seed)
    k1, k2, k3, k4 = jax.random.split(key, 4)
    x = jax.random.normal(k1, (N_NODES, D_FEAT), dtype=jnp.float32)
    edge_index = jax.random.randint(k2, (2, N_EDGES), 0, N_NODES, dtype=jnp.int64)
    edge_attr = jax.random.normal(k3, (N_EDGES, D_EDGE), dtype=jnp.float32)
    u = jax.random.normal(k4, (1, D_EDGE), dtype=jnp.float32)
    batch = jnp.zeros((N_NODES,), dtype=jnp.int64)
    return {"x": x, "edge_index": edge_index, "edge_attr": edge_attr, "u": u, "batch": batch}

def reference(x, edge_index, edge_attr, u, batch):
    # forward: _, col = edge_index; dd = scatter(edge_attr, col, dim=0, reduce='sum')
    col = edge_index[1]
    dd = jax.ops.segment_sum(edge_attr, col, num_segments=N_NODES)
    return dd

if __name__ == "__main__":
    import jax
    _d = setup_inputs()
    print(jax.jit(kernel)(*tuple(_d.values())))

</pallas_src>

<mosaic_0001>
#map = affine_map<(d0, d1) -> (0, 0)>
#map1 = affine_map<(d0, d1) -> (0, 0, 0)>
module attributes {stable_mosaic.version = 14 : i64} {
  func.func @_sc_body(%arg0: i32, %arg1: i32, %arg2: memref<2x3200000xi32, #tpu.memory_space<hbm>>, %arg3: memref<3200000x16xf32, #tpu.memory_space<hbm>>, %arg4: memref<2x100000x16xf32, #tpu.memory_space<hbm>>, %arg5: memref<100000x16xf32, #tpu.memory_space<vmem_shared>>, %arg6: memref<6x128xi32, #tpu.memory_space<vmem>>, %arg7: memref<6x128xi32, #tpu.memory_space<vmem>>, %arg8: memref<768x16xf32, #tpu.memory_space<vmem>>, %arg9: memref<768x16xf32, #tpu.memory_space<vmem>>, %arg10: memref<!tpu.dma_semaphore, #tpu.memory_space<semaphore_mem>>, %arg11: memref<!tpu.dma_semaphore, #tpu.memory_space<semaphore_mem>>) attributes {dimension_semantics = [#tpu.dimension_semantics<core_parallel>, #tpu.dimension_semantics<subcore_parallel>], iteration_bounds = array<i64: 2, 16>, scalar_prefetch = 0 : i64, scratch_operands = 7 : i64, tpu.core_type = #tpu.core_type<sc_vector_subcore>, window_params = [{transform_indices = #map}, {transform_indices = #map}, {transform_indices = #map1}]} {
    %mul3A = arith.constant 16 : i32
    %mul3A_0 = arith.muli %arg0, %mul3A : i32
    %add3A = arith.addi %mul3A_0, %arg1 : i32
    %broadcast_in_dim3A = arith.constant 0.000000e+00 : f32
    %broadcast_in_dim3A_1 = vector.broadcast %broadcast_in_dim3A : f32 to vector<16xf32>
    %while3A = arith.constant 0 : i32
    %while3A_2 = arith.constant 0 : i32
    %while3A_3 = arith.constant 768 : i32
    %while3A_4 = arith.subi %while3A_3, %while3A_2 : i32
    %while3A_5 = arith.addi %while3A_2, %while3A_4 : i32
    %while3A_6 = arith.constant 1 : i32
    %while3A_7 = arith.divsi %while3A_4, %while3A_6 : i32
    %while3A_8 = arith.muli %while3A_7, %while3A_6 : i32
    %while3A_9 = arith.addi %while3A_2, %while3A_8 : i32
    %while3A_10 = arith.constant 1 : i32
    scf.for %while3A_244 = %while3A_2 to %while3A_9 step %while3A_10  : i32 {
      %swap3A = arith.index_cast %while3A_244 : i32 to index
      %swap3A_245 = arith.constant 0 : index
      %swap3A_246 = tpu.vector_load %arg8[%swap3A, %swap3A_245] {strides = array<i32>} : memref<768x16xf32, #tpu.memory_space<vmem>>, vector<16xf32>,
      tpu.vector_store %arg8[%swap3A, %swap3A_245], %broadcast_in_dim3A_1 {strides = array<i32>} : memref<768x16xf32, #tpu.memory_space<vmem>>, vector<16xf32>,
    }
    %while3A_11 = arith.constant 1 : i32
    scf.for %while3A_244 = %while3A_9 to %while3A_5 step %while3A_11  : i32 {
      %swap3A = arith.index_cast %while3A_244 : i32 to index
      %swap3A_245 = arith.constant 0 : index
      %swap3A_246 = tpu.vector_load %arg8[%swap3A, %swap3A_245] {strides = array<i32>} : memref<768x16xf32, #tpu.memory_space<vmem>>, vector<16xf32>,
      tpu.vector_store %arg8[%swap3A, %swap3A_245], %broadcast_in_dim3A_1 {strides = array<i32>} : memref<768x16xf32, #tpu.memory_space<vmem>>, vector<16xf32>,
    }
    %mul3A_12 = arith.constant 6250 : i32
    %mul3A_13 = arith.muli %arg1, %mul3A_12 : i32
    %while3A_14 = arith.constant 0 : i32
    %while3A_15 = arith.constant 0 : i32
    %while3A_16 = arith.constant 8 : i32
    %while3A_17 = arith.subi %while3A_16, %while3A_15 : i32
    %while3A_18 = arith.addi %while3A_15, %while3A_17 : i32
    %while3A_19 = arith.constant 1 : i32
    %while3A_20 = arith.divsi %while3A_17, %while3A_19 : i32
    %while3A_21 = arith.muli %while3A_20, %while3A_19 : i32
    %while3A_22 = arith.addi %while3A_15, %while3A_21 : i32
    %while3A_23 = arith.constant 1 : i32
    scf.for %while3A_244 = %while3A_15 to %while3A_22 step %while3A_23  : i32 {
      %mul3A_245 = arith.constant 768 : i32
      %mul3A_246 = arith.muli %while3A_244, %mul3A_245 : i32
      %add3A_247 = arith.addi %mul3A_13, %mul3A_246 : i32
      %run_scoped3A_248 = arith.constant 0 : i32
      "tpu.region"() ({
        %run_scoped3A_249 = tpu.sem_alloc : memref<!tpu.dma_semaphore, #tpu.memory_space<semaphore_mem>>
        %dma_start3A_250 = arith.constant 0 : i32
        %dma_start3A_251 = tpu.memref_slice %arg8[%run_scoped3A_248, %dma_start3A_250] : memref<768x16xf32, #tpu.memory_space<vmem>> -> memref<768x16xf32, #tpu.memory_space<vmem>>
        %dma_start3A_252 = arith.constant 0 : i32
        %dma_start3A_253 = tpu.memref_slice %arg5[%add3A_247, %dma_start3A_252] : memref<100000x16xf32, #tpu.memory_space<vmem_shared>> -> memref<768x16xf32, #tpu.memory_space<vmem_shared>>
        %dma_start3A_254 = arith.constant 0 : i32
        %dma_start3A_255 = tpu.memref_slice %arg5[%add3A_247, %dma_start3A_254] : memref<100000x16xf32, #tpu.memory_space<vmem_shared>> -> memref<768x16xf32, #tpu.memory_space<vmem_shared>>
        %dma_start3A_256 = arith.constant 0 : i32
        %dma_start3A_257 = tpu.memref_slice %arg8[%run_scoped3A_248, %dma_start3A_256] : memref<768x16xf32, #tpu.memory_space<vmem>> -> memref<768x16xf32, #tpu.memory_space<vmem>>
        tpu.enqueue_dma source(%dma_start3A_257 : memref<768x16xf32, #tpu.memory_space<vmem>>) target(%dma_start3A_255 : memref<768x16xf32, #tpu.memory_space<vmem_shared>>) target_semaphore(%run_scoped3A_249 : memref<!tpu.dma_semaphore, #tpu.memory_space<semaphore_mem>>)
        %dma_wait3A = arith.constant 0 : i32
        %dma_wait3A_258 = tpu.memref_slice %arg8[%run_scoped3A_248, %dma_wait3A] : memref<768x16xf32, #tpu.memory_space<vmem>> -> memref<768x16xf32, #tpu.memory_space<vmem>>
        %dma_wait3A_259 = arith.constant 0 : i32
        %dma_wait3A_260 = tpu.memref_slice %arg5[%add3A_247, %dma_wait3A_259] : memref<100000x16xf32, #tpu.memory_space<vmem_shared>> -> memref<768x16xf32, #tpu.memory_space<vmem_shared>>
        %dma_wait3A_261 = arith.constant 0 : i32
        %dma_wait3A_262 = tpu.memref_slice %arg5[%add3A_247, %dma_wait3A_261] : memref<100000x16xf32, #tpu.memory_space<vmem_shared>> -> memref<768x16xf32, #tpu.memory_space<vmem_shared>>
        %dma_wait3A_263 = arith.constant 0 : i32
        %dma_wait3A_264 = tpu.memref_slice %arg8[%run_scoped3A_248, %dma_wait3A_263] : memref<768x16xf32, #tpu.memory_space<vmem>> -> memref<768x16xf32, #tpu.memory_space<vmem>>
        tpu.wait_dma2 semaphore(%run_scoped3A_249 : memref<!tpu.dma_semaphore, #tpu.memory_space<semaphore_mem>>) src(%dma_wait3A_264 : memref<768x16xf32, #tpu.memory_space<vmem>>) dst(%dma_wait3A_262 : memref<768x16xf32, #tpu.memory_space<vmem_shared>>)
        tpu.yield
      }) : () -> ()
    }
    %while3A_24 = arith.constant 1 : i32
    scf.for %while3A_244 = %while3A_22 to %while3A_18 step %while3A_24  : i32 {
      %mul3A_245 = arith.constant 768 : i32
      %mul3A_246 = arith.muli %while3A_244, %mul3A_245 : i32
      %add3A_247 = arith.addi %mul3A_13, %mul3A_246 : i32
      %run_scoped3A_248 = arith.constant 0 : i32
      "tpu.region"() ({
        %run_scoped3A_249 = tpu.sem_alloc : memref<!tpu.dma_semaphore, #tpu.memory_space<semaphore_mem>>
        %dma_start3A_250 = arith.constant 0 : i32
        %dma_start3A_251 = tpu.memref_slice %arg8[%run_scoped3A_248, %dma_start3A_250] : memref<768x16xf32, #tpu.memory_space<vmem>> -> memref<768x16xf32, #tpu.memory_space<vmem>>
        %dma_start3A_252 = arith.constant 0 : i32
        %dma_start3A_253 = tpu.memref_slice %arg5[%add3A_247, %dma_start3A_252] : memref<100000x16xf32, #tpu.memory_space<vmem_shared>> -> memref<768x16xf32, #tpu.memory_space<vmem_shared>>
        %dma_start3A_254 = arith.constant 0 : i32
        %dma_start3A_255 = tpu.memref_slice %arg5[%add3A_247, %dma_start3A_254] : memref<100000x16xf32, #tpu.memory_space<vmem_shared>> -> memref<768x16xf32, #tpu.memory_space<vmem_shared>>
        %dma_start3A_256 = arith.constant 0 : i32
        %dma_start3A_257 = tpu.memref_slice %arg8[%run_scoped3A_248, %dma_start3A_256] : memref<768x16xf32, #tpu.memory_space<vmem>> -> memref<768x16xf32, #tpu.memory_space<vmem>>
        tpu.enqueue_dma source(%dma_start3A_257 : memref<768x16xf32, #tpu.memory_space<vmem>>) target(%dma_start3A_255 : memref<768x16xf32, #tpu.memory_space<vmem_shared>>) target_semaphore(%run_scoped3A_249 : memref<!tpu.dma_semaphore, #tpu.memory_space<semaphore_mem>>)
        %dma_wait3A = arith.constant 0 : i32
        %dma_wait3A_258 = tpu.memref_slice %arg8[%run_scoped3A_248, %dma_wait3A] : memref<768x16xf32, #tpu.memory_space<vmem>> -> memref<768x16xf32, #tpu.memory_space<vmem>>
        %dma_wait3A_259 = arith.constant 0 : i32
        %dma_wait3A_260 = tpu.memref_slice %arg5[%add3A_247, %dma_wait3A_259] : memref<100000x16xf32, #tpu.memory_space<vmem_shared>> -> memref<768x16xf32, #tpu.memory_space<vmem_shared>>
        %dma_wait3A_261 = arith.constant 0 : i32
        %dma_wait3A_262 = tpu.memref_slice %arg5[%add3A_247, %dma_wait3A_261] : memref<100000x16xf32, #tpu.memory_space<vmem_shared>> -> memref<768x16xf32, #tpu.memory_space<vmem_shared>>
        %dma_wait3A_263 = arith.constant 0 : i32
        %dma_wait3A_264 = tpu.memref_slice %arg8[%run_scoped3A_248, %dma_wait3A_263] : memref<768x16xf32, #tpu.memory_space<vmem>> -> memref<768x16xf32, #tpu.memory_space<vmem>>
        tpu.wait_dma2 semaphore(%run_scoped3A_249 : memref<!tpu.dma_semaphore, #tpu.memory_space<semaphore_mem>>) src(%dma_wait3A_264 : memref<768x16xf32, #tpu.memory_space<vmem>>) dst(%dma_wait3A_262 : memref<768x16xf32, #tpu.memory_space<vmem_shared>>)
        tpu.yield
      }) : () -> ()
    }
    %add3A_25 = arith.constant 6144 : i32
    %add3A_26 = arith.addi %mul3A_13, %add3A_25 : i32
    %run_scoped3A = arith.constant 0 : i32
    "tpu.region"() ({
      %run_scoped3A_244 = tpu.sem_alloc : memref<!tpu.dma_semaphore, #tpu.memory_space<semaphore_mem>>
      %dma_start3A_245 = arith.constant 0 : i32
      %dma_start3A_246 = tpu.memref_slice %arg8[%run_scoped3A, %dma_start3A_245] : memref<768x16xf32, #tpu.memory_space<vmem>> -> memref<106x16xf32, #tpu.memory_space<vmem>>
      %dma_start3A_247 = arith.constant 0 : i32
      %dma_start3A_248 = tpu.memref_slice %arg5[%add3A_26, %dma_start3A_247] : memref<100000x16xf32, #tpu.memory_space<vmem_shared>> -> memref<106x16xf32, #tpu.memory_space<vmem_shared>>
      %dma_start3A_249 = arith.constant 0 : i32
      %dma_start3A_250 = tpu.memref_slice %arg5[%add3A_26, %dma_start3A_249] : memref<100000x16xf32, #tpu.memory_space<vmem_shared>> -> memref<106x16xf32, #tpu.memory_space<vmem_shared>>
      %dma_start3A_251 = arith.constant 0 : i32
      %dma_start3A_252 = tpu.memref_slice %arg8[%run_scoped3A, %dma_start3A_251] : memref<768x16xf32, #tpu.memory_space<vmem>> -> memref<106x16xf32, #tpu.memory_space<vmem>>
      tpu.enqueue_dma source(%dma_start3A_252 : memref<106x16xf32, #tpu.memory_space<vmem>>) target(%dma_start3A_250 : memref<106x16xf32, #tpu.memory_space<vmem_shared>>) target_semaphore(%run_scoped3A_244 : memref<!tpu.dma_semaphore, #tpu.memory_space<semaphore_mem>>)
      %dma_wait3A = arith.constant 0 : i32
      %dma_wait3A_253 = tpu.memref_slice %arg8[%run_scoped3A, %dma_wait3A] : memref<768x16xf32, #tpu.memory_space<vmem>> -> memref<106x16xf32, #tpu.memory_space<vmem>>
      %dma_wait3A_254 = arith.constant 0 : i32
      %dma_wait3A_255 = tpu.memref_slice %arg5[%add3A_26, %dma_wait3A_254] : memref<100000x16xf32, #tpu.memory_space<vmem_shared>> -> memref<106x16xf32, #tpu.memory_space<vmem_shared>>
      %dma_wait3A_256 = arith.constant 0 : i32
      %dma_wait3A_257 = tpu.memref_slice %arg5[%add3A_26, %dma_wait3A_256] : memref<100000x16xf32, #tpu.memory_space<vmem_shared>> -> memref<106x16xf32, #tpu.memory_space<vmem_shared>>
      %dma_wait3A_258 = arith.constant 0 : i32
      %dma_wait3A_259 = tpu.memref_slice %arg8[%run_scoped3A, %dma_wait3A_258] : memref<768x16xf32, #tpu.memory_space<vmem>> -> memref<106x16xf32, #tpu.memory_space<vmem>>
      tpu.wait_dma2 semaphore(%run_scoped3A_244 : memref<!tpu.dma_semaphore, #tpu.memory_space<semaphore_mem>>) src(%dma_wait3A_259 : memref<106x16xf32, #tpu.memory_space<vmem>>) dst(%dma_wait3A_257 : memref<106x16xf32, #tpu.memory_space<vmem_shared>>)
      tpu.yield
    }) : () -> ()
    %barrier3A = arith.constant 0 : index
    tpu.barrier barrier_id(%barrier3A)
    %mul3A_27 = arith.constant 781 : i32
    %mul3A_28 = arith.muli %add3A, %mul3A_27 : i32
    %min3A = arith.constant 8 : i32
    %min3A_29 = arith.minsi %add3A, %min3A : i32
    %add3A_30 = arith.addi %mul3A_28, %min3A_29 : i32
    %lt3A = arith.constant 8 : i32
    %lt3A_31 = arith.cmpi slt, %add3A, %lt3A : i32
    %jit3A = arith.constant 1 : i32
    %jit3A_32 = arith.constant 0 : i32
    %select_n3A = arith.select %lt3A_31, %jit3A, %jit3A_32 : i32
    %add3A_33 = arith.constant 781 : i32
    %add3A_34 = arith.addi %add3A_33, %select_n3A : i32
    %mul3A_35 = arith.constant 0 : i32
    %mul3A_36 = arith.constant 6 : i32
    %mul3A_37 = arith.muli %mul3A_35, %mul3A_36 : i32
    %add3A_38 = arith.addi %add3A_30, %mul3A_37 : i32
    %mul3A_39 = arith.constant 128 : i32
    %mul3A_40 = arith.muli %add3A_38, %mul3A_39 : i32
    %add3A_41 = arith.constant 0 : i32
    %add3A_42 = arith.addi %mul3A_40, %add3A_41 : i32
    %dma_start3A = arith.constant 1 : i32
    %dma_start3A_43 = arith.constant 0 : i32
    %dma_start3A_44 = arith.constant 0 : i32
    %dma_start3A_45 = tpu.memref_slice %arg6[%dma_start3A_43, %dma_start3A_44] : memref<6x128xi32, #tpu.memory_space<vmem>> -> memref<1x128xi32, #tpu.memory_space<vmem>>
    %dma_start3A_46 = tpu.memref_squeeze %dma_start3A_45 : memref<1x128xi32, #tpu.memory_space<vmem>> -> memref<128xi32, #tpu.memory_space<vmem>>
    %dma_start3A_47 = tpu.memref_slice %arg2[%dma_start3A, %add3A_42] : memref<2x3200000xi32, #tpu.memory_space<hbm>> -> memref<1x128xi32, #tpu.memory_space<hbm>>
    %dma_start3A_48 = tpu.memref_squeeze %dma_start3A_47 : memref<1x128xi32, #tpu.memory_space<hbm>> -> memref<128xi32, #tpu.memory_space<hbm>>
    %dma_start3A_49 = arith.constant 0 : i32
    %dma_start3A_50 = tpu.memref_slice %arg6[%dma_start3A_43, %dma_start3A_49] : memref<6x128xi32, #tpu.memory_space<vmem>> -> memref<1x128xi32, #tpu.memory_space<vmem>>
    %dma_start3A_51 = tpu.memref_squeeze %dma_start3A_50 : memref<1x128xi32, #tpu.memory_space<vmem>> -> memref<128xi32, #tpu.memory_space<vmem>>
    %dma_start3A_52 = tpu.memref_slice %arg2[%dma_start3A, %add3A_42] : memref<2x3200000xi32, #tpu.memory_space<hbm>> -> memref<1x128xi32, #tpu.memory_space<hbm>>
    %dma_start3A_53 = tpu.memref_squeeze %dma_start3A_52 : memref<1x128xi32, #tpu.memory_space<hbm>> -> memref<128xi32, #tpu.memory_space<hbm>>
    tpu.enqueue_dma source(%dma_start3A_53 : memref<128xi32, #tpu.memory_space<hbm>>) target(%dma_start3A_51 : memref<128xi32, #tpu.memory_space<vmem>>) target_semaphore(%arg10 : memref<!tpu.dma_semaphore, #tpu.memory_space<semaphore_mem>>)
    %add3A_54 = arith.constant 128 : i32
    %add3A_55 = arith.addi %mul3A_40, %add3A_54 : i32
    %dma_start3A_56 = arith.constant 1 : i32
    %dma_start3A_57 = arith.constant 1 : i32
    %dma_start3A_58 = arith.constant 0 : i32
    %dma_start3A_59 = tpu.memref_slice %arg6[%dma_start3A_57, %dma_start3A_58] : memref<6x128xi32, #tpu.memory_space<vmem>> -> memref<1x128xi32, #tpu.memory_space<vmem>>
    %dma_start3A_60 = tpu.memref_squeeze %dma_start3A_59 : memref<1x128xi32, #tpu.memory_space<vmem>> -> memref<128xi32, #tpu.memory_space<vmem>>
    %dma_start3A_61 = tpu.memref_slice %arg2[%dma_start3A_56, %add3A_55] : memref<2x3200000xi32, #tpu.memory_space<hbm>> -> memref<1x128xi32, #tpu.memory_space<hbm>>
    %dma_start3A_62 = tpu.memref_squeeze %dma_start3A_61 : memref<1x128xi32, #tpu.memory_space<hbm>> -> memref<128xi32, #tpu.memory_space<hbm>>
    %dma_start3A_63 = arith.constant 0 : i32
    %dma_start3A_64 = tpu.memref_slice %arg6[%dma_start3A_57, %dma_start3A_63] : memref<6x128xi32, #tpu.memory_space<vmem>> -> memref<1x128xi32, #tpu.memory_space<vmem>>
    %dma_start3A_65 = tpu.memref_squeeze %dma_start3A_64 : memref<1x128xi32, #tpu.memory_space<vmem>> -> memref<128xi32, #tpu.memory_space<vmem>>
    %dma_start3A_66 = tpu.memref_slice %arg2[%dma_start3A_56, %add3A_55] : memref<2x3200000xi32, #tpu.memory_space<hbm>> -> memref<1x128xi32, #tpu.memory_space<hbm>>
    %dma_start3A_67 = tpu.memref_squeeze %dma_start3A_66 : memref<1x128xi32, #tpu.memory_space<hbm>> -> memref<128xi32, #tpu.memory_space<hbm>>
    tpu.enqueue_dma source(%dma_start3A_67 : memref<128xi32, #tpu.memory_space<hbm>>) target(%dma_start3A_65 : memref<128xi32, #tpu.memory_space<vmem>>) target_semaphore(%arg10 : memref<!tpu.dma_semaphore, #tpu.memory_space<semaphore_mem>>)
    %add3A_68 = arith.constant 256 : i32
    %add3A_69 = arith.addi %mul3A_40, %add3A_68 : i32
    %dma_start3A_70 = arith.constant 1 : i32
    %dma_start3A_71 = arith.constant 2 : i32
    %dma_start3A_72 = arith.constant 0 : i32
    %dma_start3A_73 = tpu.memref_slice %arg6[%dma_start3A_71, %dma_start3A_72] : memref<6x128xi32, #tpu.memory_space<vmem>> -> memref<1x128xi32, #tpu.memory_space<vmem>>
    %dma_start3A_74 = tpu.memref_squeeze %dma_start3A_73 : memref<1x128xi32, #tpu.memory_space<vmem>> -> memref<128xi32, #tpu.memory_space<vmem>>
    %dma_start3A_75 = tpu.memref_slice %arg2[%dma_start3A_70, %add3A_69] : memref<2x3200000xi32, #tpu.memory_space<hbm>> -> memref<1x128xi32, #tpu.memory_space<hbm>>
    %dma_start3A_76 = tpu.memref_squeeze %dma_start3A_75 : memref<1x128xi32, #tpu.memory_space<hbm>> -> memref<128xi32, #tpu.memory_space<hbm>>
    %dma_start3A_77 = arith.constant 0 : i32
    %dma_start3A_78 = tpu.memref_slice %arg6[%dma_start3A_71, %dma_start3A_77] : memref<6x128xi32, #tpu.memory_space<vmem>> -> memref<1x128xi32, #tpu.memory_space<vmem>>
    %dma_start3A_79 = tpu.memref_squeeze %dma_start3A_78 : memref<1x128xi32, #tpu.memory_space<vmem>> -> memref<128xi32, #tpu.memory_space<vmem>>
    %dma_start3A_80 = tpu.memref_slice %arg2[%dma_start3A_70, %add3A_69] : memref<2x3200000xi32, #tpu.memory_space<hbm>> -> memref<1x128xi32, #tpu.memory_space<hbm>>
    %dma_start3A_81 = tpu.memref_squeeze %dma_start3A_80 : memref<1x128xi32, #tpu.memory_space<hbm>> -> memref<128xi32, #tpu.memory_space<hbm>>
    tpu.enqueue_dma source(%dma_start3A_81 : memref<128xi32, #tpu.memory_space<hbm>>) target(%dma_start3A_79 : memref<128xi32, #tpu.memory_space<vmem>>) target_semaphore(%arg10 : memref<!tpu.dma_semaphore, #tpu.memory_space<semaphore_mem>>)
    %add3A_82 = arith.constant 384 : i32
    %add3A_83 = arith.addi %mul3A_40, %add3A_82 : i32
    %dma_start3A_84 = arith.constant 1 : i32
    %dma_start3A_85 = arith.constant 3 : i32
    %dma_start3A_86 = arith.constant 0 : i32
    %dma_start3A_87 = tpu.memref_slice %arg6[%dma_start3A_85, %dma_start3A_86] : memref<6x128xi32, #tpu.memory_space<vmem>> -> memref<1x128xi32, #tpu.memory_space<vmem>>
    %dma_start3A_88 = tpu.memref_squeeze %dma_start3A_87 : memref<1x128xi32, #tpu.memory_space<vmem>> -> memref<128xi32, #tpu.memory_space<vmem>>
    %dma_start3A_89 = tpu.memref_slice %arg2[%dma_start3A_84, %add3A_83] : memref<2x3200000xi32, #tpu.memory_space<hbm>> -> memref<1x128xi32, #tpu.memory_space<hbm>>
    %dma_start3A_90 = tpu.memref_squeeze %dma_start3A_89 : memref<1x128xi32, #tpu.memory_space<hbm>> -> memref<128xi32, #tpu.memory_space<hbm>>
    %dma_start3A_91 = arith.constant 0 : i32
    %dma_start3A_92 = tpu.memref_slice %arg6[%dma_start3A_85, %dma_start3A_91] : memref<6x128xi32, #tpu.memory_space<vmem>> -> memref<1x128xi32, #tpu.memory_space<vmem>>
    %dma_start3A_93 = tpu.memref_squeeze %dma_start3A_92 : memref<1x128xi32, #tpu.memory_space<vmem>> -> memref<128xi32, #tpu.memory_space<vmem>>
    %dma_start3A_94 = tpu.memref_slice %arg2[%dma_start3A_84, %add3A_83] : memref<2x3200000xi32, #tpu.memory_space<hbm>> -> memref<1x128xi32, #tpu.memory_space<hbm>>
    %dma_start3A_95 = tpu.memref_squeeze %dma_start3A_94 : memref<1x128xi32, #tpu.memory_space<hbm>> -> memref<128xi32, #tpu.memory_space<hbm>>
    tpu.enqueue_dma source(%dma_start3A_95 : memref<128xi32, #tpu.memory_space<hbm>>) target(%dma_start3A_93 : memref<128xi32, #tpu.memory_space<vmem>>) target_semaphore(%arg10 : memref<!tpu.dma_semaphore, #tpu.memory_space<semaphore_mem>>)
    %add3A_96 = arith.constant 512 : i32
    %add3A_97 = arith.addi %mul3A_40, %add3A_96 : i32
    %dma_start3A_98 = arith.constant 1 : i32
    %dma_start3A_99 = arith.constant 4 : i32
    %dma_start3A_100 = arith.constant 0 : i32
    %dma_start3A_101 = tpu.memref_slice %arg6[%dma_start3A_99, %dma_start3A_100] : memref<6x128xi32, #tpu.memory_space<vmem>> -> memref<1x128xi32, #tpu.memory_space<vmem>>
    %dma_start3A_102 = tpu.memref_squeeze %dma_start3A_101 : memref<1x128xi32, #tpu.memory_space<vmem>> -> memref<128xi32, #tpu.memory_space<vmem>>
    %dma_start3A_103 = tpu.memref_slice %arg2[%dma_start3A_98, %add3A_97] : memref<2x3200000xi32, #tpu.memory_space<hbm>> -> memref<1x128xi32, #tpu.memory_space<hbm>>
    %dma_start3A_104 = tpu.memref_squeeze %dma_start3A_103 : memref<1x128xi32, #tpu.memory_space<hbm>> -> memref<128xi32, #tpu.memory_space<hbm>>
    %dma_start3A_105 = arith.constant 0 : i32
    %dma_start3A_106 = tpu.memref_slice %arg6[%dma_start3A_99, %dma_start3A_105] : memref<6x128xi32, #tpu.memory_space<vmem>> -> memref<1x128xi32, #tpu.memory_space<vmem>>
    %dma_start3A_107 = tpu.memref_squeeze %dma_start3A_106 : memref<1x128xi32, #tpu.memory_space<vmem>> -> memref<128xi32, #tpu.memory_space<vmem>>
    %dma_start3A_108 = tpu.memref_slice %arg2[%dma_start3A_98, %add3A_97] : memref<2x3200000xi32, #tpu.memory_space<hbm>> -> memref<1x128xi32, #tpu.memory_space<hbm>>
    %dma_start3A_109 = tpu.memref_squeeze %dma_start3A_108 : memref<1x128xi32, #tpu.memory_space<hbm>> -> memref<128xi32, #tpu.memory_space<hbm>>
    tpu.enqueue_dma source(%dma_start3A_109 : memref<128xi32, #tpu.memory_space<hbm>>) target(%dma_start3A_107 : memref<128xi32, #tpu.memory_space<vmem>>) target_semaphore(%arg10 : memref<!tpu.dma_semaphore, #tpu.memory_space<semaphore_mem>>)
    %add3A_110 = arith.constant 640 : i32
    %add3A_111 = arith.addi %mul3A_40, %add3A_110 : i32
    %dma_start3A_112 = arith.constant 1 : i32
    %dma_start3A_113 = arith.constant 5 : i32
    %dma_start3A_114 = arith.constant 0 : i32
    %dma_start3A_115 = tpu.memref_slice %arg6[%dma_start3A_113, %dma_start3A_114] : memref<6x128xi32, #tpu.memory_space<vmem>> -> memref<1x128xi32, #tpu.memory_space<vmem>>
    %dma_start3A_116 = tpu.memref_squeeze %dma_start3A_115 : memref<1x128xi32, #tpu.memory_space<vmem>> -> memref<128xi32, #tpu.memory_space<vmem>>
    %dma_start3A_117 = tpu.memref_slice %arg2[%dma_start3A_112, %add3A_111] : memref<2x3200000xi32, #tpu.memory_space<hbm>> -> memref<1x128xi32, #tpu.memory_space<hbm>>
    %dma_start3A_118 = tpu.memref_squeeze %dma_start3A_117 : memref<1x128xi32, #tpu.memory_space<hbm>> -> memref<128xi32, #tpu.memory_space<hbm>>
    %dma_start3A_119 = arith.constant 0 : i32
    %dma_start3A_120 = tpu.memref_slice %arg6[%dma_start3A_113, %dma_start3A_119] : memref<6x128xi32, #tpu.memory_space<vmem>> -> memref<1x128xi32, #tpu.memory_space<vmem>>
    %dma_start3A_121 = tpu.memref_squeeze %dma_start3A_120 : memref<1x128xi32, #tpu.memory_space<vmem>> -> memref<128xi32, #tpu.memory_space<vmem>>
    %dma_start3A_122 = tpu.memref_slice %arg2[%dma_start3A_112, %add3A_111] : memref<2x3200000xi32, #tpu.memory_space<hbm>> -> memref<1x128xi32, #tpu.memory_space<hbm>>
    %dma_start3A_123 = tpu.memref_squeeze %dma_start3A_122 : memref<1x128xi32, #tpu.memory_space<hbm>> -> memref<128xi32, #tpu.memory_space<hbm>>
    tpu.enqueue_dma source(%dma_start3A_123 : memref<128xi32, #tpu.memory_space<hbm>>) target(%dma_start3A_121 : memref<128xi32, #tpu.memory_space<vmem>>) target_semaphore(%arg10 : memref<!tpu.dma_semaphore, #tpu.memory_space<semaphore_mem>>)
    %dma_start3A_124 = arith.constant 0 : i32
    %dma_start3A_125 = tpu.memref_slice %arg3[%mul3A_40, %dma_start3A_124] : memref<3200000x16xf32, #tpu.memory_space<hbm>> -> memref<768x16xf32, #tpu.memory_space<hbm>>
    %dma_start3A_126 = arith.constant 0 : i32
    %dma_start3A_127 = tpu.memref_slice %arg3[%mul3A_40, %dma_start3A_126] : memref<3200000x16xf32, #tpu.memory_space<hbm>> -> memref<768x16xf32, #tpu.memory_space<hbm>>
    tpu.enqueue_dma source(%dma_start3A_127 : memref<768x16xf32, #tpu.memory_space<hbm>>) target(%arg8 : memref<768x16xf32, #tpu.memory_space<vmem>>) target_semaphore(%arg10 : memref<!tpu.dma_semaphore, #tpu.memory_space<semaphore_mem>>)
    %mul3A_128 = arith.constant 1 : i32
    %mul3A_129 = arith.constant 6 : i32
    %mul3A_130 = arith.muli %mul3A_128, %mul3A_129 : i32
    %add3A_131 = arith.addi %add3A_30, %mul3A_130 : i32
    %mul3A_132 = arith.constant 128 : i32
    %mul3A_133 = arith.muli %add3A_131, %mul3A_132 : i32
    %add3A_134 = arith.constant 0 : i32
    %add3A_135 = arith.addi %mul3A_133, %add3A_134 : i32
    %dma_start3A_136 = arith.constant 1 : i32
    %dma_start3A_137 = arith.constant 0 : i32
    %dma_start3A_138 = arith.constant 0 : i32
    %dma_start3A_139 = tpu.memref_slice %arg7[%dma_start3A_137, %dma_start3A_138] : memref<6x128xi32, #tpu.memory_space<vmem>> -> memref<1x128xi32, #tpu.memory_space<vmem>>
    %dma_start3A_140 = tpu.memref_squeeze %dma_start3A_139 : memref<1x128xi32, #tpu.memory_space<vmem>> -> memref<128xi32, #tpu.memory_space<vmem>>
    %dma_start3A_141 = tpu.memref_slice %arg2[%dma_start3A_136, %add3A_135] : memref<2x3200000xi32, #tpu.memory_space<hbm>> -> memref<1x128xi32, #tpu.memory_space<hbm>>
    %dma_start3A_142 = tpu.memref_squeeze %dma_start3A_141 : memref<1x128xi32, #tpu.memory_space<hbm>> -> memref<128xi32, #tpu.memory_space<hbm>>
    %dma_start3A_143 = arith.constant 0 : i32
    %dma_start3A_144 = tpu.memref_slice %arg7[%dma_start3A_137, %dma_start3A_143] : memref<6x128xi32, #tpu.memory_space<vmem>> -> memref<1x128xi32, #tpu.memory_space<vmem>>
    %dma_start3A_145 = tpu.memref_squeeze %dma_start3A_144 : memref<1x128xi32, #tpu.memory_space<vmem>> -> memref<128xi32, #tpu.memory_space<vmem>>
    %dma_start3A_146 = tpu.memref_slice %arg2[%dma_start3A_136, %add3A_135] : memref<2x3200000xi32, #tpu.memory_space<hbm>> -> memref<1x128xi32, #tpu.memory_space<hbm>>
    %dma_start3A_147 = tpu.memref_squeeze %dma_start3A_146 : memref<1x128xi32, #tpu.memory_space<hbm>> -> memref<128xi32, #tpu.memory_space<hbm>>
    tpu.enqueue_dma source(%dma_start3A_147 : memref<128xi32, #tpu.memory_space<hbm>>) target(%dma_start3A_145 : memref<128xi32, #tpu.memory_space<vmem>>) target_semaphore(%arg11 : memref<!tpu.dma_semaphore, #tpu.memory_space<semaphore_mem>>)
    %add3A_148 = arith.constant 128 : i32
    %add3A_149 = arith.addi %mul3A_133, %add3A_148 : i32
    %dma_start3A_150 = arith.constant 1 : i32
    %dma_start3A_151 = arith.constant 1 : i32
    %dma_start3A_152 = arith.constant 0 : i32
    %dma_start3A_153 = tpu.memref_slice %arg7[%dma_start3A_151, %dma_start3A_152] : memref<6x128xi32, #tpu.memory_space<vmem>> -> memref<1x128xi32, #tpu.memory_space<vmem>>
    %dma_start3A_154 = tpu.memref_squeeze %dma_start3A_153 : memref<1x128xi32, #tpu.memory_space<vmem>> -> memref<128xi32, #tpu.memory_space<vmem>>
    %dma_start3A_155 = tpu.memref_slice %arg2[%dma_start3A_150, %add3A_149] : memref<2x3200000xi32, #tpu.memory_space<hbm>> -> memref<1x128xi32, #tpu.memory_space<hbm>>
    %dma_start3A_156 = tpu.memref_squeeze %dma_start3A_155 : memref<1x128xi32, #tpu.memory_space<hbm>> -> memref<128xi32, #tpu.memory_space<hbm>>
    %dma_start3A_157 = arith.constant 0 : i32
    %dma_start3A_158 = tpu.memref_slice %arg7[%dma_start3A_151, %dma_start3A_157] : memref<6x128xi32, #tpu.memory_space<vmem>> -> memref<1x128xi32, #tpu.memory_space<vmem>>
    %dma_start3A_159 = tpu.memref_squeeze %dma_start3A_158 : memref<1x128xi32, #tpu.memory_space<vmem>> -> memref<128xi32, #tpu.memory_space<vmem>>
    %dma_start3A_160 = tpu.memref_slice %arg2[%dma_start3A_150, %add3A_149] : memref<2x3200000xi32, #tpu.memory_space<hbm>> -> memref<1x128xi32, #tpu.memory_space<hbm>>
    %dma_start3A_161 = tpu.memref_squeeze %dma_start3A_160 : memref<1x128xi32, #tpu.memory_space<hbm>> -> memref<128xi32, #tpu.memory_space<hbm>>
    tpu.enqueue_dma source(%dma_start3A_161 : memref<128xi32, #tpu.memory_space<hbm>>) target(%dma_start3A_159 : memref<128xi32, #tpu.memory_space<vmem>>) target_semaphore(%arg11 : memref<!tpu.dma_semaphore, #tpu.memory_space<semaphore_mem>>)
    %add3A_162 = arith.constant 256 : i32
    %add3A_163 = arith.addi %mul3A_133, %add3A_162 : i32
    %dma_start3A_164 = arith.constant 1 : i32
    %dma_start3A_165 = arith.constant 2 : i32
    %dma_start3A_166 = arith.constant 0 : i32
    %dma_start3A_167 = tpu.memref_slice %arg7[%dma_start3A_165, %dma_start3A_166] : memref<6x128xi32, #tpu.memory_space<vmem>> -> memref<1x128xi32, #tpu.memory_space<vmem>>
    %dma_start3A_168 = tpu.memref_squeeze %dma_start3A_167 : memref<1x128xi32, #tpu.memory_space<vmem>> -> memref<128xi32, #tpu.memory_space<vmem>>
    %dma_start3A_169 = tpu.memref_slice %arg2[%dma_start3A_164, %add3A_163] : memref<2x3200000xi32, #tpu.memory_space<hbm>> -> memref<1x128xi32, #tpu.memory_space<hbm>>
    %dma_start3A_170 = tpu.memref_squeeze %dma_start3A_169 : memref<1x128xi32, #tpu.memory_space<hbm>> -> memref<128xi32, #tpu.memory_space<hbm>>
    %dma_start3A_171 = arith.constant 0 : i32
    %dma_start3A_172 = tpu.memref_slice %arg7[%dma_start3A_165, %dma_start3A_171] : memref<6x128xi32, #tpu.memory_space<vmem>> -> memref<1x128xi32, #tpu.memory_space<vmem>>
    %dma_start3A_173 = tpu.memref_squeeze %dma_start3A_172 : memref<1x128xi32, #tpu.memory_space<vmem>> -> memref<128xi32, #tpu.memory_space<vmem>>
    %dma_start3A_174 = tpu.memref_slice %arg2[%dma_start3A_164, %add3A_163] : memref<2x3200000xi32, #tpu.memory_space<hbm>> -> memref<1x128xi32, #tpu.memory_space<hbm>>
    %dma_start3A_175 = tpu.memref_squeeze %dma_start3A_174 : memref<1x128xi32, #tpu.memory_space<hbm>> -> memref<128xi32, #tpu.memory_space<hbm>>
    tpu.enqueue_dma source(%dma_start3A_175 : memref<128xi32, #tpu.memory_space<hbm>>) target(%dma_start3A_173 : memref<128xi32, #tpu.memory_space<vmem>>) target_semaphore(%arg11 : memref<!tpu.dma_semaphore, #tpu.memory_space<semaphore_mem>>)
    %add3A_176 = arith.constant 384 : i32
    %add3A_177 = arith.addi %mul3A_133, %add3A_176 : i32
    %dma_start3A_178 = arith.constant 1 : i32
    %dma_start3A_179 = arith.constant 3 : i32
    %dma_start3A_180 = arith.constant 0 : i32
    %dma_start3A_181 = tpu.memref_slice %arg7[%dma_start3A_179, %dma_start3A_180] : memref<6x128xi32, #tpu.memory_space<vmem>> -> memref<1x128xi32, #tpu.memory_space<vmem>>
    %dma_start3A_182 = tpu.memref_squeeze %dma_start3A_181 : memref<1x128xi32, #tpu.memory_space<vmem>> -> memref<128xi32, #tpu.memory_space<vmem>>
    %dma_start3A_183 = tpu.memref_slice %arg2[%dma_start3A_178, %add3A_177] : memref<2x3200000xi32, #tpu.memory_space<hbm>> -> memref<1x128xi32, #tpu.memory_space<hbm>>
    %dma_start3A_184 = tpu.memref_squeeze %dma_start3A_183 : memref<1x128xi32, #tpu.memory_space<hbm>> -> memref<128xi32, #tpu.memory_space<hbm>>
    %dma_start3A_185 = arith.constant 0 : i32
    %dma_start3A_186 = tpu.memref_slice %arg7[%dma_start3A_179, %dma_start3A_185] : memref<6x128xi32, #tpu.memory_space<vmem>> -> memref<1x128xi32, #tpu.memory_space<vmem>>
    %dma_start3A_187 = tpu.memref_squeeze %dma_start3A_186 : memref<1x128xi32, #tpu.memory_space<vmem>> -> memref<128xi32, #tpu.memory_space<vmem>>
    %dma_start3A_188 = tpu.memref_slice %arg2[%dma_start3A_178, %add3A_177] : memref<2x3200000xi32, #tpu.memory_space<hbm>> -> memref<1x128xi32, #tpu.memory_space<hbm>>
    %dma_start3A_189 = tpu.memref_squeeze %dma_start3A_188 : memref<1x128xi32, #tpu.memory_space<hbm>> -> memref<128xi32, #tpu.memory_space<hbm>>
    tpu.enqueue_dma source(%dma_start3A_189 : memref<128xi32, #tpu.memory_space<hbm>>) target(%dma_start3A_187 : memref<128xi32, #tpu.memory_space<vmem>>) target_semaphore(%arg11 : memref<!tpu.dma_semaphore, #tpu.memory_space<semaphore_mem>>)
    %add3A_190 = arith.constant 512 : i32
    %add3A_191 = arith.addi %mul3A_133, %add3A_190 : i32
    %dma_start3A_192 = arith.constant 1 : i32
    %dma_start3A_193 = arith.constant 4 : i32
    %dma_start3A_194 = arith.constant 0 : i32
    %dma_start3A_195 = tpu.memref_slice %arg7[%dma_start3A_193, %dma_start3A_194] : memref<6x128xi32, #tpu.memory_space<vmem>> -> memref<1x128xi32, #tpu.memory_space<vmem>>
    %dma_start3A_196 = tpu.memref_squeeze %dma_start3A_195 : memref<1x128xi32, #tpu.memory_space<vmem>> -> memref<128xi32, #tpu.memory_space<vmem>>
    %dma_start3A_197 = tpu.memref_slice %arg2[%dma_start3A_192, %add3A_191] : memref<2x3200000xi32, #tpu.memory_space<hbm>> -> memref<1x128xi32, #tpu.memory_space<hbm>>
    %dma_start3A_198 = tpu.memref_squeeze %dma_start3A_197 : memref<1x128xi32, #tpu.memory_space<hbm>> -> memref<128xi32, #tpu.memory_space<hbm>>
    %dma_start3A_199 = arith.constant 0 : i32
    %dma_start3A_200 = tpu.memref_slice %arg7[%dma_start3A_193, %dma_start3A_199] : memref<6x128xi32, #tpu.memory_space<vmem>> -> memref<1x128xi32, #tpu.memory_space<vmem>>
    %dma_start3A_201 = tpu.memref_squeeze %dma_start3A_200 : memref<1x128xi32, #tpu.memory_space<vmem>> -> memref<128xi32, #tpu.memory_space<vmem>>
    %dma_start3A_202 = tpu.memref_slice %arg2[%dma_start3A_192, %add3A_191] : memref<2x3200000xi32, #tpu.memory_space<hbm>> -> memref<1x128xi32, #tpu.memory_space<hbm>>
    %dma_start3A_203 = tpu.memref_squeeze %dma_start3A_202 : memref<1x128xi32, #tpu.memory_space<hbm>> -> memref<128xi32, #tpu.memory_space<hbm>>
    tpu.enqueue_dma source(%dma_start3A_203 : memref<128xi32, #tpu.memory_space<hbm>>) target(%dma_start3A_201 : memref<128xi32, #tpu.memory_space<vmem>>) target_semaphore(%arg11 : memref<!tpu.dma_semaphore, #tpu.memory_space<semaphore_mem>>)
    %add3A_204 = arith.constant 640 : i32
    %add3A_205 = arith.addi %mul3A_133, %add3A_204 : i32
    %dma_start3A_206 = arith.constant 1 : i32
    %dma_start3A_207 = arith.constant 5 : i32
    %dma_start3A_208 = arith.constant 0 : i32
    %dma_start3A_209 = tpu.memref_slice %arg7[%dma_start3A_207, %dma_start3A_208] : memref<6x128xi32, #tpu.memory_space<vmem>> -> memref<1x128xi32, #tpu.memory_space<vmem>>
    %dma_start3A_210 = tpu.memref_squeeze %dma_start3A_209 : memref<1x128xi32, #tpu.memory_space<vmem>> -> memref<128xi32, #tpu.memory_space<vmem>>
    %dma_start3A_211 = tpu.memref_slice %arg2[%dma_start3A_206, %add3A_205] : memref<2x3200000xi32, #tpu.memory_space<hbm>> -> memref<1x128xi32, #tpu.memory_space<hbm>>
    %dma_start3A_212 = tpu.memref_squeeze %dma_start3A_211 : memref<1x128xi32, #tpu.memory_space<hbm>> -> memref<128xi32, #tpu.memory_space<hbm>>
    %dma_start3A_213 = arith.constant 0 : i32
    %dma_start3A_214 = tpu.memref_slice %arg7[%dma_start3A_207, %dma_start3A_213] : memref<6x128xi32, #tpu.memory_space<vmem>> -> memref<1x128xi32, #tpu.memory_space<vmem>>
    %dma_start3A_215 = tpu.memref_squeeze %dma_start3A_214 : memref<1x128xi32, #tpu.memory_space<vmem>> -> memref<128xi32, #tpu.memory_space<vmem>>
    %dma_start3A_216 = tpu.memref_slice %arg2[%dma_start3A_206, %add3A_205] : memref<2x3200000xi32, #tpu.memory_space<hbm>> -> memref<1x128xi32, #tpu.memory_space<hbm>>
    %dma_start3A_217 = tpu.memref_squeeze %dma_start3A_216 : memref<1x128xi32, #tpu.memory_space<hbm>> -> memref<128xi32, #tpu.memory_space<hbm>>
    tpu.enqueue_dma source(%dma_start3A_217 : memref<128xi32, #tpu.memory_space<hbm>>) target(%dma_start3A_215 : memref<128xi32, #tpu.memory_space<vmem>>) target_semaphore(%arg11 : memref<!tpu.dma_semaphore, #tpu.memory_space<semaphore_mem>>)
    %dma_start3A_218 = arith.constant 0 : i32
    %dma_start3A_219 = tpu.memref_slice %arg3[%mul3A_133, %dma_start3A_218] : memref<3200000x16xf32, #tpu.memory_space<hbm>> -> memref<768x16xf32, #tpu.memory_space<hbm>>
    %dma_start3A_220 = arith.constant 0 : i32
    %dma_start3A_221 = tpu.memref_slice %arg3[%mul3A_133, %dma_start3A_220] : memref<3200000x16xf32, #tpu.memory_space<hbm>> -> memref<768x16xf32, #tpu.memory_space<hbm>>
    tpu.enqueue_dma source(%dma_start3A_221 : memref<768x16xf32, #tpu.memory_space<hbm>>) target(%arg9 : memref<768x16xf32, #tpu.memory_space<vmem>>) target_semaphore(%arg11 : memref<!tpu.dma_semaphore, #tpu.memory_space<semaphore_mem>>)
    %while3A_222 = arith.constant 0 : i32
    %while3A_223 = arith.constant 0 : i32
    %while3A_224 = arith.constant 65 : i32
    %while3A_225 = arith.subi %while3A_224, %while3A_223 : i32
    %while3A_226 = arith.addi %while3A_223, %while3A_225 : i32
    %while3A_227 = arith.constant 1 : i32
    %while3A_228 = arith.divsi %while3A_225, %while3A_227 : i32
    %while3A_229 = arith.muli %while3A_228, %while3A_227 : i32
    %while3A_230 = arith.addi %while3A_223, %while3A_229 : i32
    %while3A_231 = arith.constant 1 : i32
    scf.for %while3A_244 = %while3A_223 to %while3A_230 step %while3A_231  : i32 {
      %mul3A_245 = arith.constant 2 : i32
      %mul3A_246 = arith.muli %while3A_244, %mul3A_245 : i32
      %add3A_247 = arith.constant 0 : i32
      %add3A_248 = arith.addi %mul3A_246, %add3A_247 : i32
      %dma_wait3A = arith.constant 1 : i32
      %dma_wait3A_249 = arith.constant 0 : i32
      %dma_wait3A_250 = arith.constant 0 : i32
      %dma_wait3A_251 = tpu.memref_slice %arg6[%dma_wait3A_249, %dma_wait3A_250] : memref<6x128xi32, #tpu.memory_space<vmem>> -> memref<1x128xi32, #tpu.memory_space<vmem>>
      %dma_wait3A_252 = tpu.memref_squeeze %dma_wait3A_251 : memref<1x128xi32, #tpu.memory_space<vmem>> -> memref<128xi32, #tpu.memory_space<vmem>>
      %dma_wait3A_253 = arith.constant 0 : i32
      %dma_wait3A_254 = tpu.memref_slice %arg2[%dma_wait3A, %dma_wait3A_253] : memref<2x3200000xi32, #tpu.memory_space<hbm>> -> memref<1x128xi32, #tpu.memory_space<hbm>>
      %dma_wait3A_255 = tpu.memref_squeeze %dma_wait3A_254 : memref<1x128xi32, #tpu.memory_space<hbm>> -> memref<128xi32, #tpu.memory_space<hbm>>
      %dma_wait3A_256 = arith.constant 0 : i32
      %dma_wait3A_257 = tpu.memref_slice %arg6[%dma_wait3A_249, %dma_wait3A_256] : memref<6x128xi32, #tpu.memory_space<vmem>> -> memref<1x128xi32, #tpu.memory_space<vmem>>
      %dma_wait3A_258 = tpu.memref_squeeze %dma_wait3A_257 : memref<1x128xi32, #tpu.memory_space<vmem>> -> memref<128xi32, #tpu.memory_space<vmem>>
      %dma_wait3A_259 = arith.constant 0 : i32
      %dma_wait3A_260 = tpu.memref_slice %arg2[%dma_wait3A, %dma_wait3A_259] : memref<2x3200000xi32, #tpu.memory_space<hbm>> -> memref<1x128xi32, #tpu.memory_space<hbm>>
      %dma_wait3A_261 = tpu.memref_squeeze %dma_wait3A_260 : memref<1x128xi32, #tpu.memory_space<hbm>> -> memref<128xi32, #tpu.memory_space<hbm>>
      tpu.wait_dma2 semaphore(%arg10 : memref<!tpu.dma_semaphore, #tpu.memory_space<semaphore_mem>>) src(%dma_wait3A_261 : memref<128xi32, #tpu.memory_space<hbm>>) dst(%dma_wait3A_258 : memref<128xi32, #tpu.memory_space<vmem>>)
      %dma_wait3A_262 = arith.constant 1 : i32
      %dma_wait3A_263 = arith.constant 1 : i32
      %dma_wait3A_264 = arith.constant 0 : i32
      %dma_wait3A_265 = tpu.memref_slice %arg6[%dma_wait3A_263, %dma_wait3A_264] : memref<6x128xi32, #tpu.memory_space<vmem>> -> memref<1x128xi32, #tpu.memory_space<vmem>>
      %dma_wait3A_266 = tpu.memref_squeeze %dma_wait3A_265 : memref<1x128xi32, #tpu.memory_space<vmem>> -> memref<128xi32, #tpu.memory_space<vmem>>
      %dma_wait3A_267 = arith.constant 0 : i32
      %dma_wait3A_268 = tpu.memref_slice %arg2[%dma_wait3A_262, %dma_wait3A_267] : memref<2x3200000xi32, #tpu.memory_space<hbm>> -> memref<1x128xi32, #tpu.memory_space<hbm>>
      %dma_wait3A_269 = tpu.memref_squeeze %dma_wait3A_268 : memref<1x128xi32, #tpu.memory_space<hbm>> -> memref<128xi32, #tpu.memory_space<hbm>>
      %dma_wait3A_270 = arith.constant 0 : i32
      %dma_wait3A_271 = tpu.memref_slice %arg6[%dma_wait3A_263, %dma_wait3A_270] : memref<6x128xi32, #tpu.memory_space<vmem>> -> memref<1x128xi32, #tpu.memory_space<vmem>>
      %dma_wait3A_272 = tpu.memref_squeeze %dma_wait3A_271 : memref<1x128xi32, #tpu.memory_space<vmem>> -> memref<128xi32, #tpu.memory_space<vmem>>
      %dma_wait3A_273 = arith.constant 0 : i32
      %dma_wait3A_274 = tpu.memref_slice %arg2[%dma_wait3A_262, %dma_wait3A_273] : memref<2x3200000xi32, #tpu.memory_space<hbm>> -> memref<1x128xi32, #tpu.memory_space<hbm>>
      %dma_wait3A_275 = tpu.memref_squeeze %dma_wait3A_274 : memref<1x128xi32, #tpu.memory_space<hbm>> -> memref<128xi32, #tpu.memory_space<hbm>>
      tpu.wait_dma2 semaphore(%arg10 : memref<!tpu.dma_semaphore, #tpu.memory_space<semaphore_mem>>) src(%dma_wait3A_275 : memref<128xi32, #tpu.memory_space<hbm>>) dst(%dma_wait3A_272 : memref<128xi32, #tpu.memory_space<vmem>>)
      %dma_wait3A_276 = arith.constant 1 : i32
      %dma_wait3A_277 = arith.constant 2 : i32
      %dma_wait3A_278 = arith.constant 0 : i32
      %dma_wait3A_279 = tpu.memref_slice %arg6[%dma_wait3A_277, %dma_wait3A_278] : memref<6x128xi32, #tpu.memory_space<vmem>> -> memref<1x128xi32, #tpu.memory_space<vmem>>
      %dma_wait3A_280 = tpu.memref_squeeze %dma_wait3A_279 : memref<1x128xi32, #tpu.memory_space<vmem>> -> memref<128xi32, #tpu.memory_space<vmem>>
      %dma_wait3A_281 = arith.constant 0 : i32
      %dma_wait3A_282 = tpu.memref_slice %arg2[%dma_wait3A_276, %dma_wait3A_281] : memref<2x3200000xi32, #tpu.memory_space<hbm>> -> memref<1x128xi32, #tpu.memory_space<hbm>>
      %dma_wait3A_283 = tpu.memref_squeeze %dma_wait3A_282 : memref<1x128xi32, #tpu.memory_space<hbm>> -> memref<128xi32, #tpu.memory_space<hbm>>
      %dma_wait3A_284 = arith.constant 0 : i32
      %dma_wait3A_285 = tpu.memref_slice %arg6[%dma_wait3A_277, %dma_wait3A_284] : memref<6x128xi32, #tpu.memory_space<vmem>> -> memref<1x128xi32, #tpu.memory_space<vmem>>
      %dma_wait3A_286 = tpu.memref_squeeze %dma_wait3A_285 : memref<1x128xi32, #tpu.memory_space<vmem>> -> memref<128xi32, #tpu.memory_space<vmem>>
      %dma_wait3A_287 = arith.constant 0 : i32
      %dma_wait3A_288 = tpu.memref_slice %arg2[%dma_wait3A_276, %dma_wait3A_287] : memref<2x3200000xi32, #tpu.memory_space<hbm>> -> memref<1x128xi32, #tpu.memory_space<hbm>>
      %dma_wait3A_289 = tpu.memref_squeeze %dma_wait3A_288 : memref<1x128xi32, #tpu.memory_space<hbm>> -> memref<128xi32, #tpu.memory_space<hbm>>
      tpu.wait_dma2 semaphore(%arg10 : memref<!tpu.dma_semaphore, #tpu.memory_space<semaphore_mem>>) src(%dma_wait3A_289 : memref<128xi32, #tpu.memory_space<hbm>>) dst(%dma_wait3A_286 : memref<128xi32, #tpu.memory_space<vmem>>)
      %dma_wait3A_290 = arith.constant 1 : i32
      %dma_wait3A_291 = arith.constant 3 : i32
      %dma_wait3A_292 = arith.constant 0 : i32
      %dma_wait3A_293 = tpu.memref_slice %arg6[%dma_wait3A_291, %dma_wait3A_292] : memref<6x128xi32, #tpu.memory_space<vmem>> -> memref<1x128xi32, #tpu.memory_space<vmem>>
      %dma_wait3A_294 = tpu.memref_squeeze %dma_wait3A_293 : memref<1x128xi32, #tpu.memory_space<vmem>> -> memref<128xi32, #tpu.memory_space<vmem>>
      %dma_wait3A_295 = arith.constant 0 : i32
      %dma_wait3A_296 = tpu.memref_slice %arg2[%dma_wait3A_290, %dma_wait3A_295] : memref<2x3200000xi32, #tpu.memory_space<hbm>> -> memref<1x128xi32, #tpu.memory_space<hbm>>
      %dma_wait3A_297 = tpu.memref_squeeze %dma_wait3A_296 : memref<1x128xi32, #tpu.memory_space<hbm>> -> memref<128xi32, #tpu.memory_space<hbm>>
      %dma_wait3A_298 = arith.constant 0 : i32
      %dma_wait3A_299 = tpu.memref_slice %arg6[%dma_wait3A_291, %dma_wait3A_298] : memref<6x128xi32, #tpu.memory_space<vmem>> -> memref<1x128xi32, #tpu.memory_space<vmem>>
      %dma_wait3A_300 = tpu.memref_squeeze %dma_wait3A_299 : memref<1x128xi32, #tpu.memory_space<vmem>> -> memref<128xi32, #tpu.memory_space<vmem>>
      %dma_wait3A_301 = arith.constant 0 : i32
      %dma_wait3A_302 = tpu.memref_slice %arg2[%dma_wait3A_290, %dma_wait3A_301] : memref<2x3200000xi32, #tpu.memory_space<hbm>> -> memref<1x128xi32, #tpu.memory_space<hbm>>
      %dma_wait3A_303 = tpu.memref_squeeze %dma_wait3A_302 : memref<1x128xi32, #tpu.memory_space<hbm>> -> memref<128xi32, #tpu.memory_space<hbm>>
      tpu.wait_dma2 semaphore(%arg10 : memref<!tpu.dma_semaphore, #tpu.memory_space<semaphore_mem>>) src(%dma_wait3A_303 : memref<128xi32, #tpu.memory_space<hbm>>) dst(%dma_wait3A_300 : memref<128xi32, #tpu.memory_space<vmem>>)
      %dma_wait3A_304 = arith.constant 1 : i32
      %dma_wait3A_305 = arith.constant 4 : i32
      %dma_wait3A_306 = arith.constant 0 : i32
      %dma_wait3A_307 = tpu.memref_slice %arg6[%dma_wait3A_305, %dma_wait3A_306] : memref<6x128xi32, #tpu.memory_space<vmem>> -> memref<1x128xi32, #tpu.memory_space<vmem>>
      %dma_wait3A_308 = tpu.memref_squeeze %dma_wait3A_307 : memref<1x128xi32, #tpu.memory_space<vmem>> -> memref<128xi32, #tpu.memory_space<vmem>>
      %dma_wait3A_309 = arith.constant 0 : i32
      %dma_wait3A_310 = tpu.memref_slice %arg2[%dma_wait3A_304, %dma_wait3A_309] : memref<2x3200000xi32, #tpu.memory_space<hbm>> -> memref<1x128xi32, #tpu.memory_space<hbm>>
      %dma_wait3A_311 = tpu.memref_squeeze %dma_wait3A_310 : memref<1x128xi32, #tpu.memory_space<hbm>> -> memref<128xi32, #tpu.memory_space<hbm>>
      %dma_wait3A_312 = arith.constant 0 : i32
      %dma_wait3A_313 = tpu.memref_slice %arg6[%dma_wait3A_305, %dma_wait3A_312] : memref<6x128xi32, #tpu.memory_space<vmem>> -> memref<1x128xi32, #tpu.memory_space<vmem>>
      %dma_wait3A_314 = tpu.memref_squeeze %dma_wait3A_313 : memref<1x128xi32, #tpu.memory_space<vmem>> -> memref<128xi32, #tpu.memory_space<vmem>>
      %dma_wait3A_315 = arith.constant 0 : i32
      %dma_wait3A_316 = tpu.memref_slice %arg2[%dma_wait3A_304, %dma_wait3A_315] : memref<2x3200000xi32, #tpu.memory_space<hbm>> -> memref<1x128xi32, #tpu.memory_space<hbm>>
      %dma_wait3A_317 = tpu.memref_squeeze %dma_wait3A_316 : memref<1x128xi32, #tpu.memory_space<hbm>> -> memref<128xi32, #tpu.memory_space<hbm>>
      tpu.wait_dma2 semaphore(%arg10 : memref<!tpu.dma_semaphore, #tpu.memory_space<semaphore_mem>>) src(%dma_wait3A_317 : memref<128xi32, #tpu.memory_space<hbm>>) dst(%dma_wait3A_314 : memref<128xi32, #tpu.memory_space<vmem>>)
      %dma_wait3A_318 = arith.constant 1 : i32
      %dma_wait3A_319 = arith.constant 5 : i32
      %dma_wait3A_320 = arith.constant 0 : i32
      %dma_wait3A_321 = tpu.memref_slice %arg6[%dma_wait3A_319, %dma_wait3A_320] : memref<6x128xi32, #tpu.memory_space<vmem>> -> memref<1x128xi32, #tpu.memory_space<vmem>>
      %dma_wait3A_322 = tpu.memref_squeeze %dma_wait3A_321 : memref<1x128xi32, #tpu.memory_space<vmem>> -> memref<128xi32, #tpu.memory_space<vmem>>
      %dma_wait3A_323 = arith.constant 0 : i32
      %dma_wait3A_324 = tpu.memref_slice %arg2[%dma_wait3A_318, %dma_wait3A_323] : memref<2x3200000xi32, #tpu.memory_space<hbm>> -> memref<1x128xi32, #tpu.memory_space<hbm>>
      %dma_wait3A_325 = tpu.memref_squeeze %dma_wait3A_324 : memref<1x128xi32, #tpu.memory_space<hbm>> -> memref<128xi32, #tpu.memory_space<hbm>>
      %dma_wait3A_326 = arith.constant 0 : i32
      %dma_wait3A_327 = tpu.memref_slice %arg6[%dma_wait3A_319, %dma_wait3A_326] : memref<6x128xi32, #tpu.memory_space<vmem>> -> memref<1x128xi32, #tpu.memory_space<vmem>>
      %dma_wait3A_328 = tpu.memref_squeeze %dma_wait3A_327 : memref<1x128xi32, #tpu.memory_space<vmem>> -> memref<128xi32, #tpu.memory_space<vmem>>
      %dma_wait3A_329 = arith.constant 0 : i32
      %dma_wait3A_330 = tpu.memref_slice %arg2[%dma_wait3A_318, %dma_wait3A_329] : memref<2x3200000xi32, #tpu.memory_space<hbm>> -> memref<1x128xi32, #tpu.memory_space<hbm>>
      %dma_wait3A_331 = tpu.memref_squeeze %dma_wait3A_330 : memref<1x128xi32, #tpu.memory_space<hbm>> -> memref<128xi32, #tpu.memory_space<hbm>>
      tpu.wait_dma2 semaphore(%arg10 : memref<!tpu.dma_semaphore, #tpu.memory_space<semaphore_mem>>) src(%dma_wait3A_331 : memref<128xi32, #tpu.memory_space<hbm>>) dst(%dma_wait3A_328 : memref<128xi32, #tpu.memory_space<vmem>>)
      %dma_wait3A_332 = arith.constant 0 : i32
      %dma_wait3A_333 = arith.constant 0 : i32
      %dma_wait3A_334 = tpu.memref_slice %arg3[%dma_wait3A_332, %dma_wait3A_333] : memref<3200000x16xf32, #tpu.memory_space<hbm>> -> memref<768x16xf32, #tpu.memory_space<hbm>>
      %dma_wait3A_335 = arith.constant 0 : i32
      %dma_wait3A_336 = arith.constant 0 : i32
      %dma_wait3A_337 = tpu.memref_slice %arg3[%dma_wait3A_335, %dma_wait3A_336] : memref<3200000x16xf32, #tpu.memory_space<hbm>> -> memref<768x16xf32, #tpu.memory_space<hbm>>
      tpu.wait_dma2 semaphore(%arg10 : memref<!tpu.dma_semaphore, #tpu.memory_space<semaphore_mem>>) src(%dma_wait3A_337 : memref<768x16xf32, #tpu.memory_space<hbm>>) dst(%arg8 : memref<768x16xf32, #tpu.memory_space<vmem>>)
      %run_scoped3A_338 = arith.constant 0 : i32
      %run_scoped3A_339 = arith.constant 0 : i32
      "tpu.region"() ({
        %run_scoped3A_468 = tpu.sem_alloc : memref<!tpu.dma_semaphore, #tpu.memory_space<semaphore_mem>>
        %dma_start3A_469 = arith.constant 0 : i32
        %dma_start3A_470 = tpu.memref_slice %arg8[%run_scoped3A_338, %dma_start3A_469] : memref<768x16xf32, #tpu.memory_space<vmem>> -> memref<128x16xf32, #tpu.memory_space<vmem>>
        %dma_start3A_471 = arith.constant 0 : i32
        %dma_start3A_472 = tpu.memref_slice %arg6[%run_scoped3A_339, %dma_start3A_471] : memref<6x128xi32, #tpu.memory_space<vmem>> -> memref<1x128xi32, #tpu.memory_space<vmem>>
        %dma_start3A_473 = tpu.memref_squeeze %dma_start3A_472 : memref<1x128xi32, #tpu.memory_space<vmem>> -> memref<128xi32, #tpu.memory_space<vmem>>
        %dma_start3A_474 = arith.constant 0 : i32
        %dma_start3A_475 = arith.constant 0 : i32
        %dma_start3A_476 = tpu.memref_slice %arg5[%dma_start3A_474, %dma_start3A_475] : memref<100000x16xf32, #tpu.memory_space<vmem_shared>> -> memref<100000x16xf32, #tpu.memory_space<vmem_shared>>
        tpu.enqueue_indirect_dma source(%dma_start3A_470 : memref<128x16xf32, #tpu.memory_space<vmem>>) target(%dma_start3A_476 : memref<100000x16xf32, #tpu.memory_space<vmem_shared>>) offsets(%dma_start3A_473 : memref<128xi32, #tpu.memory_space<vmem>>) semaphore(%run_scoped3A_468 : memref<!tpu.dma_semaphore, #tpu.memory_space<semaphore_mem>>) {add = true}
        %dma_wait3A_477 = arith.constant 0 : i32
        %dma_wait3A_478 = tpu.memref_slice %arg8[%run_scoped3A_338, %dma_wait3A_477] : memref<768x16xf32, #tpu.memory_space<vmem>> -> memref<128x16xf32, #tpu.memory_space<vmem>>
        %dma_wait3A_479 = arith.constant 0 : i32
        %dma_wait3A_480 = tpu.memref_slice %arg6[%run_scoped3A_339, %dma_wait3A_479] : memref<6x128xi32, #tpu.memory_space<vmem>> -> memref<1x128xi32, #tpu.memory_space<vmem>>
        %dma_wait3A_481 = tpu.memref_squeeze %dma_wait3A_480 : memref<1x128xi32, #tpu.memory_space<vmem>> -> memref<128xi32, #tpu.memory_space<vmem>>
        %dma_wait3A_482 = arith.constant 0 : i32
        %dma_wait3A_483 = arith.constant 0 : i32
        %dma_wait3A_484 = tpu.memref_slice %arg5[%dma_wait3A_482, %dma_wait3A_483] : memref<100000x16xf32, #tpu.memory_space<vmem_shared>> -> memref<100000x16xf32, #tpu.memory_space<vmem_shared>>
        tpu.wait_indirect_dma semaphore(%run_scoped3A_468 : memref<!tpu.dma_semaphore, #tpu.memory_space<semaphore_mem>>) src(%dma_wait3A_478 : memref<128x16xf32, #tpu.memory_space<vmem>>) dst(%dma_wait3A_484 : memref<100000x16xf32, #tpu.memory_space<vmem_shared>>)
        tpu.yield
      }) : () -> ()
      %run_scoped3A_340 = arith.constant 128 : i32
      %run_scoped3A_341 = arith.constant 1 : i32
      "tpu.region"() ({
        %run_scoped3A_468 = tpu.sem_alloc : memref<!tpu.dma_semaphore, #tpu.memory_space<semaphore_mem>>
        %dma_start3A_469 = arith.constant 0 : i32
        %dma_start3A_470 = tpu.memref_slice %arg8[%run_scoped3A_340, %dma_start3A_469] : memref<768x16xf32, #tpu.memory_space<vmem>> -> memref<128x16xf32, #tpu.memory_space<vmem>>
        %dma_start3A_471 = arith.constant 0 : i32
        %dma_start3A_472 = tpu.memref_slice %arg6[%run_scoped3A_341, %dma_start3A_471] : memref<6x128xi32, #tpu.memory_space<vmem>> -> memref<1x128xi32, #tpu.memory_space<vmem>>
        %dma_start3A_473 = tpu.memref_squeeze %dma_start3A_472 : memref<1x128xi32, #tpu.memory_space<vmem>> -> memref<128xi32, #tpu.memory_space<vmem>>
        %dma_start3A_474 = arith.constant 0 : i32
        %dma_start3A_475 = arith.constant 0 : i32
        %dma_start3A_476 = tpu.memref_slice %arg5[%dma_start3A_474, %dma_start3A_475] : memref<100000x16xf32, #tpu.memory_space<vmem_shared>> -> memref<100000x16xf32, #tpu.memory_space<vmem_shared>>
        tpu.enqueue_indirect_dma source(%dma_start3A_470 : memref<128x16xf32, #tpu.memory_space<vmem>>) target(%dma_start3A_476 : memref<100000x16xf32, #tpu.memory_space<vmem_shared>>) offsets(%dma_start3A_473 : memref<128xi32, #tpu.memory_space<vmem>>) semaphore(%run_scoped3A_468 : memref<!tpu.dma_semaphore, #tpu.memory_space<semaphore_mem>>) {add = true}
        %dma_wait3A_477 = arith.constant 0 : i32
        %dma_wait3A_478 = tpu.memref_slice %arg8[%run_scoped3A_340, %dma_wait3A_477] : memref<768x16xf32, #tpu.memory_space<vmem>> -> memref<128x16xf32, #tpu.memory_space<vmem>>
        %dma_wait3A_479 = arith.constant 0 : i32
        %dma_wait3A_480 = tpu.memref_slice %arg6[%run_scoped3A_341, %dma_wait3A_479] : memref<6x128xi32, #tpu.memory_space<vmem>> -> memref<1x128xi32, #tpu.memory_space<vmem>>
        %dma_wait3A_481 = tpu.memref_squeeze %dma_wait3A_480 : memref<1x128xi32, #tpu.memory_space<vmem>> -> memref<128xi32, #tpu.memory_space<vmem>>
        %dma_wait3A_482 = arith.constant 0 : i32
        %dma_wait3A_483 = arith.constant 0 : i32
        %dma_wait3A_484 = tpu.memref_slice %arg5[%dma_wait3A_482, %dma_wait3A_483] : memref<100000x16xf32, #tpu.memory_space<vmem_shared>> -> memref<100000x16xf32, #tpu.memory_space<vmem_shared>>
        tpu.wait_indirect_dma semaphore(%run_scoped3A_468 : memref<!tpu.dma_semaphore, #tpu.memory_space<semaphore_mem>>) src(%dma_wait3A_478 : memref<128x16xf32, #tpu.memory_space<vmem>>) dst(%dma_wait3A_484 : memref<100000x16xf32, #tpu.memory_space<vmem_shared>>)
        tpu.yield
      }) : () -> ()
      %run_scoped3A_342 = arith.constant 256 : i32
      %run_scoped3A_343 = arith.constant 2 : i32
      "tpu.region"() ({
        %run_scoped3A_468 = tpu.sem_alloc : memref<!tpu.dma_semaphore, #tpu.memory_space<semaphore_mem>>
        %dma_start3A_469 = arith.constant 0 : i32
        %dma_start3A_470 = tpu.memref_slice %arg8[%run_scoped3A_342, %dma_start3A_469] : memref<768x16xf32, #tpu.memory_space<vmem>> -> memref<128x16xf32, #tpu.memory_space<vmem>>
        %dma_start3A_471 = arith.constant 0 : i32
        %dma_start3A_472 = tpu.memref_slice %arg6[%run_scoped3A_343, %dma_start3A_471] : memref<6x128xi32, #tpu.memory_space<vmem>> -> memref<1x128xi32, #tpu.memory_space<vmem>>
        %dma_start3A_473 = tpu.memref_squeeze %dma_start3A_472 : memref<1x128xi32, #tpu.memory_space<vmem>> -> memref<128xi32, #tpu.memory_space<vmem>>
        %dma_start3A_474 = arith.constant 0 : i32
        %dma_start3A_475 = arith.constant 0 : i32
        %dma_start3A_476 = tpu.memref_slice %arg5[%dma_start3A_474, %dma_start3A_475] : memref<100000x16xf32, #tpu.memory_space<vmem_shared>> -> memref<100000x16xf32, #tpu.memory_space<vmem_shared>>
        tpu.enqueue_indirect_dma source(%dma_start3A_470 : memref<128x16xf32, #tpu.memory_space<vmem>>) target(%dma_start3A_476 : memref<100000x16xf32, #tpu.memory_space<vmem_shared>>) offsets(%dma_start3A_473 : memref<128xi32, #tpu.memory_space<vmem>>) semaphore(%run_scoped3A_468 : memref<!tpu.dma_semaphore, #tpu.memory_space<semaphore_mem>>) {add = true}
        %dma_wait3A_477 = arith.constant 0 : i32
        %dma_wait3A_478 = tpu.memref_slice %arg8[%run_scoped3A_342, %dma_wait3A_477] : memref<768x16xf32, #tpu.memory_space<vmem>> -> memref<128x16xf32, #tpu.memory_space<vmem>>
        %dma_wait3A_479 = arith.constant 0 : i32
        %dma_wait3A_480 = tpu.memref_slice %arg6[%run_scoped3A_343, %dma_wait3A_479] : memref<6x128xi32, #tpu.memory_space<vmem>> -> memref<1x128xi32, #tpu.memory_space<vmem>>
        %dma_wait3A_481 = tpu.memref_squeeze %dma_wait3A_480 : memref<1x128xi32, #tpu.memory_space<vmem>> -> memref<128xi32, #tpu.memory_space<vmem>>
        %dma_wait3A_482 = arith.constant 0 : i32
        %dma_wait3A_483 = arith.constant 0 : i32
        %dma_wait3A_484 = tpu.memref_slice %arg5[%dma_wait3A_482, %dma_wait3A_483] : memref<100000x16xf32, #tpu.memory_space<vmem_shared>> -> memref<100000x16xf32, #tpu.memory_space<vmem_shared>>
        tpu.wait_indirect_dma semaphore(%run_scoped3A_468 : memref<!tpu.dma_semaphore, #tpu.memory_space<semaphore_mem>>) src(%dma_wait3A_478 : memref<128x16xf32, #tpu.memory_space<vmem>>) dst(%dma_wait3A_484 : memref<100000x16xf32, #tpu.memory_space<vmem_shared>>)
        tpu.yield
      }) : () -> ()
      %run_scoped3A_344 = arith.constant 384 : i32
      %run_scoped3A_345 = arith.constant 3 : i32
      "tpu.region"() ({
        %run_scoped3A_468 = tpu.sem_alloc : memref<!tpu.dma_semaphore, #tpu.memory_space<semaphore_mem>>
        %dma_start3A_469 = arith.constant 0 : i32
        %dma_start3A_470 = tpu.memref_slice %arg8[%run_scoped3A_344, %dma_start3A_469] : memref<768x16xf32, #tpu.memory_space<vmem>> -> memref<128x16xf32, #tpu.memory_space<vmem>>
        %dma_start3A_471 = arith.constant 0 : i32
        %dma_start3A_472 = tpu.memref_slice %arg6[%run_scoped3A_345, %dma_start3A_471] : memref<6x128xi32, #tpu.memory_space<vmem>> -> memref<1x128xi32, #tpu.memory_space<vmem>>
        %dma_start3A_473 = tpu.memref_squeeze %dma_start3A_472 : memref<1x128xi32, #tpu.memory_space<vmem>> -> memref<128xi32, #tpu.memory_space<vmem>>
        %dma_start3A_474 = arith.constant 0 : i32
        %dma_start3A_475 = arith.constant 0 : i32
        %dma_start3A_476 = tpu.memref_slice %arg5[%dma_start3A_474, %dma_start3A_475] : memref<100000x16xf32, #tpu.memory_space<vmem_shared>> -> memref<100000x16xf32, #tpu.memory_space<vmem_shared>>
        tpu.enqueue_indirect_dma source(%dma_start3A_470 : memref<128x16xf32, #tpu.memory_space<vmem>>) target(%dma_start3A_476 : memref<100000x16xf32, #tpu.memory_space<vmem_shared>>) offsets(%dma_start3A_473 : memref<128xi32, #tpu.memory_space<vmem>>) semaphore(%run_scoped3A_468 : memref<!tpu.dma_semaphore, #tpu.memory_space<semaphore_mem>>) {add = true}
        %dma_wait3A_477 = arith.constant 0 : i32
        %dma_wait3A_478 = tpu.memref_slice %arg8[%run_scoped3A_344, %dma_wait3A_477] : memref<768x16xf32, #tpu.memory_space<vmem>> -> memref<128x16xf32, #tpu.memory_space<vmem>>
        %dma_wait3A_479 = arith.constant 0 : i32
        %dma_wait3A_480 = tpu.memref_slice %arg6[%run_scoped3A_345, %dma_wait3A_479] : memref<6x128xi32, #tpu.memory_space<vmem>> -> memref<1x128xi32, #tpu.memory_space<vmem>>
        %dma_wait3A_481 = tpu.memref_squeeze %dma_wait3A_480 : memref<1x128xi32, #tpu.memory_space<vmem>> -> memref<128xi32, #tpu.memory_space<vmem>>
        %dma_wait3A_482 = arith.constant 0 : i32
        %dma_wait3A_483 = arith.constant 0 : i32
        %dma_wait3A_484 = tpu.memref_slice %arg5[%dma_wait3A_482, %dma_wait3A_483] : memref<100000x16xf32, #tpu.memory_space<vmem_shared>> -> memref<100000x16xf32, #tpu.memory_space<vmem_shared>>
        tpu.wait_indirect_dma semaphore(%run_scoped3A_468 : memref<!tpu.dma_semaphore, #tpu.memory_space<semaphore_mem>>) src(%dma_wait3A_478 : memref<128x16xf32, #tpu.memory_space<vmem>>) dst(%dma_wait3A_484 : memref<100000x16xf32, #tpu.memory_space<vmem_shared>>)
        tpu.yield
      }) : () -> ()
      %run_scoped3A_346 = arith.constant 512 : i32
      %run_scoped3A_347 = arith.constant 4 : i32
      "tpu.region"() ({
        %run_scoped3A_468 = tpu.sem_alloc : memref<!tpu.dma_semaphore, #tpu.memory_space<semaphore_mem>>
        %dma_start3A_469 = arith.constant 0 : i32
        %dma_start3A_470 = tpu.memref_slice %arg8[%run_scoped3A_346, %dma_start3A_469] : memref<768x16xf32, #tpu.memory_space<vmem>> -> memref<128x16xf32, #tpu.memory_space<vmem>>
        %dma_start3A_471 = arith.constant 0 : i32
        %dma_start3A_472 = tpu.memref_slice %arg6[%run_scoped3A_347, %dma_start3A_471] : memref<6x128xi32, #tpu.memory_space<vmem>> -> memref<1x128xi32, #tpu.memory_space<vmem>>
        %dma_start3A_473 = tpu.memref_squeeze %dma_start3A_472 : memref<1x128xi32, #tpu.memory_space<vmem>> -> memref<128xi32, #tpu.memory_space<vmem>>
        %dma_start3A_474 = arith.constant 0 : i32
        %dma_start3A_475 = arith.constant 0 : i32
        %dma_start3A_476 = tpu.memref_slice %arg5[%dma_start3A_474, %dma_start3A_475] : memref<100000x16xf32, #tpu.memory_space<vmem_shared>> -> memref<100000x16xf32, #tpu.memory_space<vmem_shared>>
        tpu.enqueue_indirect_dma source(%dma_start3A_470 : memref<128x16xf32, #tpu.memory_space<vmem>>) target(%dma_start3A_476 : memref<100000x16xf32, #tpu.memory_space<vmem_shared>>) offsets(%dma_start3A_473 : memref<128xi32, #tpu.memory_space<vmem>>) semaphore(%run_scoped3A_468 : memref<!tpu.dma_semaphore, #tpu.memory_space<semaphore_mem>>) {add = true}
        %dma_wait3A_477 = arith.constant 0 : i32
        %dma_wait3A_478 = tpu.memref_slice %arg8[%run_scoped3A_346, %dma_wait3A_477] : memref<768x16xf32, #tpu.memory_space<vmem>> -> memref<128x16xf32, #tpu.memory_space<vmem>>
        %dma_wait3A_479 = arith.constant 0 : i32
        %dma_wait3A_480 = tpu.memref_slice %arg6[%run_scoped3A_347, %dma_wait3A_479] : memref<6x128xi32, #tpu.memory_space<vmem>> -> memref<1x128xi32, #tpu.memory_space<vmem>>
        %dma_wait3A_481 = tpu.memref_squeeze %dma_wait3A_480 : memref<1x128xi32, #tpu.memory_space<vmem>> -> memref<128xi32, #tpu.memory_space<vmem>>
        %dma_wait3A_482 = arith.constant 0 : i32
        %dma_wait3A_483 = arith.constant 0 : i32
        %dma_wait3A_484 = tpu.memref_slice %arg5[%dma_wait3A_482, %dma_wait3A_483] : memref<100000x16xf32, #tpu.memory_space<vmem_shared>> -> memref<100000x16xf32, #tpu.memory_space<vmem_shared>>
        tpu.wait_indirect_dma semaphore(%run_scoped3A_468 : memref<!tpu.dma_semaphore, #tpu.memory_space<semaphore_mem>>) src(%dma_wait3A_478 : memref<128x16xf32, #tpu.memory_space<vmem>>) dst(%dma_wait3A_484 : memref<100000x16xf32, #tpu.memory_space<vmem_shared>>)
        tpu.yield
      }) : () -> ()
      %run_scoped3A_348 = arith.constant 640 : i32
      %run_scoped3A_349 = arith.constant 5 : i32
      "tpu.region"() ({
        %run_scoped3A_468 = tpu.sem_alloc : memref<!tpu.dma_semaphore, #tpu.memory_space<semaphore_mem>>
        %dma_start3A_469 = arith.constant 0 : i32
        %dma_start3A_470 = tpu.memref_slice %arg8[%run_scoped3A_348, %dma_start3A_469] : memref<768x16xf32, #tpu.memory_space<vmem>> -> memref<128x16xf32, #tpu.memory_space<vmem>>
        %dma_start3A_471 = arith.constant 0 : i32
        %dma_start3A_472 = tpu.memref_slice %arg6[%run_scoped3A_349, %dma_start3A_471] : memref<6x128xi32, #tpu.memory_space<vmem>> -> memref<1x128xi32, #tpu.memory_space<vmem>>
        %dma_start3A_473 = tpu.memref_squeeze %dma_start3A_472 : memref<1x128xi32, #tpu.memory_space<vmem>> -> memref<128xi32, #tpu.memory_space<vmem>>
        %dma_start3A_474 = arith.constant 0 : i32
        %dma_start3A_475 = arith.constant 0 : i32
        %dma_start3A_476 = tpu.memref_slice %arg5[%dma_start3A_474, %dma_start3A_475] : memref<100000x16xf32, #tpu.memory_space<vmem_shared>> -> memref<100000x16xf32, #tpu.memory_space<vmem_shared>>
        tpu.enqueue_indirect_dma source(%dma_start3A_470 : memref<128x16xf32, #tpu.memory_space<vmem>>) target(%dma_start3A_476 : memref<100000x16xf32, #tpu.memory_space<vmem_shared>>) offsets(%dma_start3A_473 : memref<128xi32, #tpu.memory_space<vmem>>) semaphore(%run_scoped3A_468 : memref<!tpu.dma_semaphore, #tpu.memory_space<semaphore_mem>>) {add = true}
        %dma_wait3A_477 = arith.constant 0 : i32
        %dma_wait3A_478 = tpu.memref_slice %arg8[%run_scoped3A_348, %dma_wait3A_477] : memref<768x16xf32, #tpu.memory_space<vmem>> -> memref<128x16xf32, #tpu.memory_space<vmem>>
        %dma_wait3A_479 = arith.constant 0 : i32
        %dma_wait3A_480 = tpu.memref_slice %arg6[%run_scoped3A_349, %dma_wait3A_479] : memref<6x128xi32, #tpu.memory_space<vmem>> -> memref<1x128xi32, #tpu.memory_space<vmem>>
        %dma_wait3A_481 = tpu.memref_squeeze %dma_wait3A_480 : memref<1x128xi32, #tpu.memory_space<vmem>> -> memref<128xi32, #tpu.memory_space<vmem>>
        %dma_wait3A_482 = arith.constant 0 : i32
        %dma_wait3A_483 = arith.constant 0 : i32
        %dma_wait3A_484 = tpu.memref_slice %arg5[%dma_wait3A_482, %dma_wait3A_483] : memref<100000x16xf32, #tpu.memory_space<vmem_shared>> -> memref<100000x16xf32, #tpu.memory_space<vmem_shared>>
        tpu.wait_indirect_dma semaphore(%run_scoped3A_468 : memref<!tpu.dma_semaphore, #tpu.memory_space<semaphore_mem>>) src(%dma_wait3A_478 : memref<128x16xf32, #tpu.memory_space<vmem>>) dst(%dma_wait3A_484 : memref<100000x16xf32, #tpu.memory_space<vmem_shared>>)
        tpu.yield
      }) : () -> ()
      %add3A_350 = arith.constant 2 : i32
      %add3A_351 = arith.addi %add3A_248, %add3A_350 : i32
      %lt3A_352 = arith.constant 130 : i32
      %lt3A_353 = arith.cmpi slt, %add3A_351, %lt3A_352 : i32
      %convert_element_type3A = arith.extui %lt3A_353 : i1 to i32
      %cond3A = arith.constant 0 : i32
      %cond3A_354 = arith.cmpi ne, %convert_element_type3A, %cond3A : i32
      scf.if %cond3A_354 {
        %add3A_468 = arith.constant 2 : i32
        %add3A_469 = arith.addi %add3A_248, %add3A_468 : i32
        %mul3A_470 = arith.constant 6 : i32
        %mul3A_471 = arith.muli %add3A_469, %mul3A_470 : i32
        %add3A_472 = arith.addi %add3A_30, %mul3A_471 : i32
        %mul3A_473 = arith.constant 128 : i32
        %mul3A_474 = arith.muli %add3A_472, %mul3A_473 : i32
        %add3A_475 = arith.constant 0 : i32
        %add3A_476 = arith.addi %mul3A_474, %add3A_475 : i32
        %dma_start3A_477 = arith.constant 1 : i32
        %dma_start3A_478 = arith.constant 0 : i32
        %dma_start3A_479 = arith.constant 0 : i32
        %dma_start3A_480 = tpu.memref_slice %arg6[%dma_start3A_478, %dma_start3A_479] : memref<6x128xi32, #tpu.memory_space<vmem>> -> memref<1x128xi32, #tpu.memory_space<vmem>>
        %dma_start3A_481 = tpu.memref_squeeze %dma_start3A_480 : memref<1x128xi32, #tpu.memory_space<vmem>> -> memref<128xi32, #tpu.memory_space<vmem>>
        %dma_start3A_482 = tpu.memref_slice %arg2[%dma_start3A_477, %add3A_476] : memref<2x3200000xi32, #tpu.memory_space<hbm>> -> memref<1x128xi32, #tpu.memory_space<hbm>>
        %dma_start3A_483 = tpu.memref_squeeze %dma_start3A_482 : memref<1x128xi32, #tpu.memory_space<hbm>> -> memref<128xi32, #tpu.memory_space<hbm>>
        %dma_start3A_484 = arith.constant 0 : i32
        %dma_start3A_485 = tpu.memref_slice %arg6[%dma_start3A_478, %dma_start3A_484] : memref<6x128xi32, #tpu.memory_space<vmem>> -> memref<1x128xi32, #tpu.memory_space<vmem>>
        %dma_start3A_486 = tpu.memref_squeeze %dma_start3A_485 : memref<1x128xi32, #tpu.memory_space<vmem>> -> memref<128xi32, #tpu.memory_space<vmem>>
        %dma_start3A_487 = tpu.memref_slice %arg2[%dma_start3A_477, %add3A_476] : memref<2x3200000xi32, #tpu.memory_space<hbm>> -> memref<1x128xi32, #tpu.memory_space<hbm>>
        %dma_start3A_488 = tpu.memref_squeeze %dma_start3A_487 : memref<1x128xi32, #tpu.memory_space<hbm>> -> memref<128xi32, #tpu.memory_space<hbm>>
        tpu.enqueue_dma source(%dma_start3A_488 : memref<128xi32, #tpu.memory_space<hbm>>) target(%dma_start3A_486 : memref<128xi32, #tpu.memory_space<vmem>>) target_semaphore(%arg10 : memref<!tpu.dma_semaphore, #tpu.memory_space<semaphore_mem>>)
        %add3A_489 = arith.constant 128 : i32
        %add3A_490 = arith.addi %mul3A_474, %add3A_489 : i32
        %dma_start3A_491 = arith.constant 1 : i32
        %dma_start3A_492 = arith.constant 1 : i32
        %dma_start3A_493 = arith.constant 0 : i32
        %dma_start3A_494 = tpu.memref_slice %arg6[%dma_start3A_492, %dma_start3A_493] : memref<6x128xi32, #tpu.memory_space<vmem>> -> memref<1x128xi32, #tpu.memory_space<vmem>>
        %dma_start3A_495 = tpu.memref_squeeze %dma_start3A_494 : memref<1x128xi32, #tpu.memory_space<vmem>> -> memref<128xi32, #tpu.memory_space<vmem>>
        %dma_start3A_496 = tpu.memref_slice %arg2[%dma_start3A_491, %add3A_490] : memref<2x3200000xi32, #tpu.memory_space<hbm>> -> memref<1x128xi32, #tpu.memory_space<hbm>>
        %dma_start3A_497 = tpu.memref_squeeze %dma_start3A_496 : memref<1x128xi32, #tpu.memory_space<hbm>> -> memref<128xi32, #tpu.memory_space<hbm>>
        %dma_start3A_498 = arith.constant 0 : i32
        %dma_start3A_499 = tpu.memref_slice %arg6[%dma_start3A_492, %dma_start3A_498] : memref<6x128xi32, #tpu.memory_space<vmem>> -> memref<1x128xi32, #tpu.memory_space<vmem>>
        %dma_start3A_500 = tpu.memref_squeeze %dma_start3A_499 : memref<1x128xi32, #tpu.memory_space<vmem>> -> memref<128xi32, #tpu.memory_space<vmem>>
        %dma_start3A_501 = tpu.memref_slice %arg2[%dma_start3A_491, %add3A_490] : memref<2x3200000xi32, #tpu.memory_space<hbm>> -> memref<1x128xi32, #tpu.memory_space<hbm>>
        %dma_start3A_502 = tpu.memref_squeeze %dma_start3A_501 : memref<1x128xi32, #tpu.memory_space<hbm>> -> memref<128xi32, #tpu.memory_space<hbm>>
        tpu.enqueue_dma source(%dma_start3A_502 : memref<128xi32, #tpu.memory_space<hbm>>) target(%dma_start3A_500 : memref<128xi32, #tpu.memory_space<vmem>>) target_semaphore(%arg10 : memref<!tpu.dma_semaphore, #tpu.memory_space<semaphore_mem>>)
        %add3A_503 = arith.constant 256 : i32
        %add3A_504 = arith.addi %mul3A_474, %add3A_503 : i32
        %dma_start3A_505 = arith.constant 1 : i32
        %dma_start3A_506 = arith.constant 2 : i32
        %dma_start3A_507 = arith.constant 0 : i32
        %dma_start3A_508 = tpu.memref_slice %arg6[%dma_start3A_506, %dma_start3A_507] : memref<6x128xi32, #tpu.memory_space<vmem>> -> memref<1x128xi32, #tpu.memory_space<vmem>>
        %dma_start3A_509 = tpu.memref_squeeze %dma_start3A_508 : memref<1x128xi32, #tpu.memory_space<vmem>> -> memref<128xi32, #tpu.memory_space<vmem>>
        %dma_start3A_510 = tpu.memref_slice %arg2[%dma_start3A_505, %add3A_504] : memref<2x3200000xi32, #tpu.memory_space<hbm>> -> memref<1x128xi32, #tpu.memory_space<hbm>>
        %dma_start3A_511 = tpu.memref_squeeze %dma_start3A_510 : memref<1x128xi32, #tpu.memory_space<hbm>> -> memref<128xi32, #tpu.memory_space<hbm>>
        %dma_start3A_512 = arith.constant 0 : i32
        %dma_start3A_513 = tpu.memref_slice %arg6[%dma_start3A_506, %dma_start3A_512] : memref<6x128xi32, #tpu.memory_space<vmem>> -> memref<1x128xi32, #tpu.memory_space<vmem>>
        %dma_start3A_514 = tpu.memref_squeeze %dma_start3A_513 : memref<1x128xi32, #tpu.memory_space<vmem>> -> memref<128xi32, #tpu.memory_space<vmem>>
        %dma_start3A_515 = tpu.memref_slice %arg2[%dma_start3A_505, %add3A_504] : memref<2x3200000xi32, #tpu.memory_space<hbm>> -> memref<1x128xi32, #tpu.memory_space<hbm>>
        %dma_start3A_516 = tpu.memref_squeeze %dma_start3A_515 : memref<1x128xi32, #tpu.memory_space<hbm>> -> memref<128xi32, #tpu.memory_space<hbm>>
        tpu.enqueue_dma source(%dma_start3A_516 : memref<128xi32, #tpu.memory_space<hbm>>) target(%dma_start3A_514 : memref<128xi32, #tpu.memory_space<vmem>>) target_semaphore(%arg10 : memref<!tpu.dma_semaphore, #tpu.memory_space<semaphore_mem>>)
        %add3A_517 = arith.constant 384 : i32
        %add3A_518 = arith.addi %mul3A_474, %add3A_517 : i32
        %dma_start3A_519 = arith.constant 1 : i32
        %dma_start3A_520 = arith.constant 3 : i32
        %dma_start3A_521 = arith.constant 0 : i32
        %dma_start3A_522 = tpu.memref_slice %arg6[%dma_start3A_520, %dma_start3A_521] : memref<6x128xi32, #tpu.memory_space<vmem>> -> memref<1x128xi32, #tpu.memory_space<vmem>>
        %dma_start3A_523 = tpu.memref_squeeze %dma_start3A_522 : memref<1x128xi32, #tpu.memory_space<vmem>> -> memref<128xi32, #tpu.memory_space<vmem>>
        %dma_start3A_524 = tpu.memref_slice %arg2[%dma_start3A_519, %add3A_518] : memref<2x3200000xi32, #tpu.memory_space<hbm>> -> memref<1x128xi32, #tpu.memory_space<hbm>>
        %dma_start3A_525 = tpu.memref_squeeze %dma_start3A_524 : memref<1x128xi32, #tpu.memory_space<hbm>> -> memref<128xi32, #tpu.memory_space<hbm>>
        %dma_start3A_526 = arith.constant 0 : i32
        %dma_start3A_527 = tpu.memref_slice %arg6[%dma_start3A_520, %dma_start3A_526] : memref<6x128xi32, #tpu.memory_space<vmem>> -> memref<1x128xi32, #tpu.memory_space<vmem>>
        %dma_start3A_528 = tpu.memref_squeeze %dma_start3A_527 : memref<1x128xi32, #tpu.memory_space<vmem>> -> memref<128xi32, #tpu.memory_space<vmem>>
        %dma_start3A_529 = tpu.memref_slice %arg2[%dma_start3A_519, %add3A_518] : memref<2x3200000xi32, #tpu.memory_space<hbm>> -> memref<1x128xi32, #tpu.memory_space<hbm>>
        %dma_start3A_530 = tpu.memref_squeeze %dma_start3A_529 : memref<1x128xi32, #tpu.memory_space<hbm>> -> memref<128xi32, #tpu.memory_space<hbm>>
        tpu.enqueue_dma source(%dma_start3A_530 : memref<128xi32, #tpu.memory_space<hbm>>) target(%dma_start3A_528 : memref<128xi32, #tpu.memory_space<vmem>>) target_semaphore(%arg10 : memref<!tpu.dma_semaphore, #tpu.memory_space<semaphore_mem>>)
        %add3A_531 = arith.constant 512 : i32
        %add3A_532 = arith.addi %mul3A_474, %add3A_531 : i32
        %dma_start3A_533 = arith.constant 1 : i32
        %dma_start3A_534 = arith.constant 4 : i32
        %dma_start3A_535 = arith.constant 0 : i32
        %dma_start3A_536 = tpu.memref_slice %arg6[%dma_start3A_534, %dma_start3A_535] : memref<6x128xi32, #tpu.memory_space<vmem>> -> memref<1x128xi32, #tpu.memory_space<vmem>>
        %dma_start3A_537 = tpu.memref_squeeze %dma_start3A_536 : memref<1x128xi32, #tpu.memory_space<vmem>> -> memref<128xi32, #tpu.memory_space<vmem>>
        %dma_start3A_538 = tpu.memref_slice %arg2[%dma_start3A_533, %add3A_532] : memref<2x3200000xi32, #tpu.memory_space<hbm>> -> memref<1x128xi32, #tpu.memory_space<hbm>>
        %dma_start3A_539 = tpu.memref_squeeze %dma_start3A_538 : memref<1x128xi32, #tpu.memory_space<hbm>> -> memref<128xi32, #tpu.memory_space<hbm>>
        %dma_start3A_540 = arith.constant 0 : i32
        %dma_start3A_541 = tpu.memref_slice %arg6[%dma_start3A_534, %dma_start3A_540] : memref<6x128xi32, #tpu.memory_space<vmem>> -> memref<1x128xi32, #tpu.memory_space<vmem>>
        %dma_start3A_542 = tpu.memref_squeeze %dma_start3A_541 : memref<1x128xi32, #tpu.memory_space<vmem>> -> memref<128xi32, #tpu.memory_space<vmem>>
        %dma_start3A_543 = tpu.memref_slice %arg2[%dma_start3A_533, %add3A_532] : memref<2x3200000xi32, #tpu.memory_space<hbm>> -> memref<1x128xi32, #tpu.memory_space<hbm>>
        %dma_start3A_544 = tpu.memref_squeeze %dma_start3A_543 : memref<1x128xi32, #tpu.memory_space<hbm>> -> memref<128xi32, #tpu.memory_space<hbm>>
        tpu.enqueue_dma source(%dma_start3A_544 : memref<128xi32, #tpu.memory_space<hbm>>) target(%dma_start3A_542 : memref<128xi32, #tpu.memory_space<vmem>>) target_semaphore(%arg10 : memref<!tpu.dma_semaphore, #tpu.memory_space<semaphore_mem>>)
        %add3A_545 = arith.constant 640 : i32
        %add3A_546 = arith.addi %mul3A_474, %add3A_545 : i32
        %dma_start3A_547 = arith.constant 1 : i32
        %dma_start3A_548 = arith.constant 5 : i32
        %dma_start3A_549 = arith.constant 0 : i32
        %dma_start3A_550 = tpu.memref_slice %arg6[%dma_start3A_548, %dma_start3A_549] : memref<6x128xi32, #tpu.memory_space<vmem>> -> memref<1x128xi32, #tpu.memory_space<vmem>>
        %dma_start3A_551 = tpu.memref_squeeze %dma_start3A_550 : memref<1x128xi32, #tpu.memory_space<vmem>> -> memref<128xi32, #tpu.memory_space<vmem>>
        %dma_start3A_552 = tpu.memref_slice %arg2[%dma_start3A_547, %add3A_546] : memref<2x3200000xi32, #tpu.memory_space<hbm>> -> memref<1x128xi32, #tpu.memory_space<hbm>>
        %dma_start3A_553 = tpu.memref_squeeze %dma_start3A_552 : memref<1x128xi32, #tpu.memory_space<hbm>> -> memref<128xi32, #tpu.memory_space<hbm>>
        %dma_start3A_554 = arith.constant 0 : i32
        %dma_start3A_555 = tpu.memref_slice %arg6[%dma_start3A_548, %dma_start3A_554] : memref<6x128xi32, #tpu.memory_space<vmem>> -> memref<1x128xi32, #tpu.memory_space<vmem>>
        %dma_start3A_556 = tpu.memref_squeeze %dma_start3A_555 : memref<1x128xi32, #tpu.memory_space<vmem>> -> memref<128xi32, #tpu.memory_space<vmem>>
        %dma_start3A_557 = tpu.memref_slice %arg2[%dma_start3A_547, %add3A_546] : memref<2x3200000xi32, #tpu.memory_space<hbm>> -> memref<1x128xi32, #tpu.memory_space<hbm>>
        %dma_start3A_558 = tpu.memref_squeeze %dma_start3A_557 : memref<1x128xi32, #tpu.memory_space<hbm>> -> memref<128xi32, #tpu.memory_space<hbm>>
        tpu.enqueue_dma source(%dma_start3A_558 : memref<128xi32, #tpu.memory_space<hbm>>) target(%dma_start3A_556 : memref<128xi32, #tpu.memory_space<vmem>>) target_semaphore(%arg10 : memref<!tpu.dma_semaphore, #tpu.memory_space<semaphore_mem>>)
        %dma_start3A_559 = arith.constant 0 : i32
        %dma_start3A_560 = tpu.memref_slice %arg3[%mul3A_474, %dma_start3A_559] : memref<3200000x16xf32, #tpu.memory_space<hbm>> -> memref<768x16xf32, #tpu.memory_space<hbm>>
        %dma_start3A_561 = arith.constant 0 : i32
        %dma_start3A_562 = tpu.memref_slice %arg3[%mul3A_474, %dma_start3A_561] : memref<3200000x16xf32, #tpu.memory_space<hbm>> -> memref<768x16xf32, #tpu.memory_space<hbm>>
        tpu.enqueue_dma source(%dma_start3A_562 : memref<768x16xf32, #tpu.memory_space<hbm>>) target(%arg8 : memref<768x16xf32, #tpu.memory_space<vmem>>) target_semaphore(%arg10 : memref<!tpu.dma_semaphore, #tpu.memory_space<semaphore_mem>>)
      } else {
      }
      %mul3A_355 = arith.constant 2 : i32
      %mul3A_356 = arith.muli %while3A_244, %mul3A_355 : i32
      %add3A_357 = arith.constant 1 : i32
      %add3A_358 = arith.addi %mul3A_356, %add3A_357 : i32
      %dma_wait3A_359 = arith.constant 1 : i32
      %dma_wait3A_360 = arith.constant 0 : i32
      %dma_wait3A_361 = arith.constant 0 : i32
      %dma_wait3A_362 = tpu.memref_slice %arg7[%dma_wait3A_360, %dma_wait3A_361] : memref<6x128xi32, #tpu.memory_space<vmem>> -> memref<1x128xi32, #tpu.memory_space<vmem>>
      %dma_wait3A_363 = tpu.memref_squeeze %dma_wait3A_362 : memref<1x128xi32, #tpu.memory_space<vmem>> -> memref<128xi32, #tpu.memory_space<vmem>>
      %dma_wait3A_364 = arith.constant 0 : i32
      %dma_wait3A_365 = tpu.memref_slice %arg2[%dma_wait3A_359, %dma_wait3A_364] : memref<2x3200000xi32, #tpu.memory_space<hbm>> -> memref<1x128xi32, #tpu.memory_space<hbm>>
      %dma_wait3A_366 = tpu.memref_squeeze %dma_wait3A_365 : memref<1x128xi32, #tpu.memory_space<hbm>> -> memref<128xi32, #tpu.memory_space<hbm>>
      %dma_wait3A_367 = arith.constant 0 : i32
      %dma_wait3A_368 = tpu.memref_slice %arg7[%dma_wait3A_360, %dma_wait3A_367] : memref<6x128xi32, #tpu.memory_space<vmem>> -> memref<1x128xi32, #tpu.memory_space<vmem>>
      %dma_wait3A_369 = tpu.memref_squeeze %dma_wait3A_368 : memref<1x128xi32, #tpu.memory_space<vmem>> -> memref<128xi32, #tpu.memory_space<vmem>>
      %dma_wait3A_370 = arith.constant 0 : i32
      %dma_wait3A_371 = tpu.memref_slice %arg2[%dma_wait3A_359, %dma_wait3A_370] : memref<2x3200000xi32, #tpu.memory_space<hbm>> -> memref<1x128xi32, #tpu.memory_space<hbm>>
      %dma_wait3A_372 = tpu.memref_squeeze %dma_wait3A_371 : memref<1x128xi32, #tpu.memory_space<hbm>> -> memref<128xi32, #tpu.memory_space<hbm>>
      tpu.wait_dma2 semaphore(%arg11 : memref<!tpu.dma_semaphore, #tpu.memory_space<semaphore_mem>>) src(%dma_wait3A_372 : memref<128xi32, #tpu.memory_space<hbm>>) dst(%dma_wait3A_369 : memref<128xi32, #tpu.memory_space<vmem>>)
      %dma_wait3A_373 = arith.constant 1 : i32
      %dma_wait3A_374 = arith.constant 1 : i32
      %dma_wait3A_375 = arith.constant 0 : i32
      %dma_wait3A_376 = tpu.memref_slice %arg7[%dma_wait3A_374, %dma_wait3A_375] : memref<6x128xi32, #tpu.memory_space<vmem>> -> memref<1x128xi32, #tpu.memory_space<vmem>>
      %dma_wait3A_377 = tpu.memref_squeeze %dma_wait3A_376 : memref<1x128xi32, #tpu.memory_space<vmem>> -> memref<128xi32, #tpu.memory_space<vmem>>
      %dma_wait3A_378 = arith.constant 0 : i32
      %dma_wait3A_379 = tpu.memref_slice %arg2[%dma_wait3A_373, %dma_wait3A_378] : memref<2x3200000xi32, #tpu.memory_space<hbm>> -> memref<1x128xi32, #tpu.memory_space<hbm>>
      %dma_wait3A_380 = tpu.memref_squeeze %dma_wait3A_379 : memref<1x128xi32, #tpu.memory_space<hbm>> -> memref<128xi32, #tpu.memory_space<hbm>>
      %dma_wait3A_381 = arith.constant 0 : i32
      %dma_wait3A_382 = tpu.memref_slice %arg7[%dma_wait3A_374, %dma_wait3A_381] : memref<6x128xi32, #tpu.memory_space<vmem>> -> memref<1x128xi32, #tpu.memory_space<vmem>>
      %dma_wait3A_383 = tpu.memref_squeeze %dma_wait3A_382 : memref<1x128xi32, #tpu.memory_space<vmem>> -> memref<128xi32, #tpu.memory_space<vmem>>
      %dma_wait3A_384 = arith.constant 0 : i32
      %dma_wait3A_385 = tpu.memref_slice %arg2[%dma_wait3A_373, %dma_wait3A_384] : memref<2x3200000xi32, #tpu.memory_space<hbm>> -> memref<1x128xi32, #tpu.memory_space<hbm>>
      %dma_wait3A_386 = tpu.memref_squeeze %dma_wait3A_385 : memref<1x128xi32, #tpu.memory_space<hbm>> -> memref<128xi32, #tpu.memory_space<hbm>>
      tpu.wait_dma2 semaphore(%arg11 : memref<!tpu.dma_semaphore, #tpu.memory_space<semaphore_mem>>) src(%dma_wait3A_386 : memref<128xi32, #tpu.memory_space<hbm>>) dst(%dma_wait3A_383 : memref<128xi32, #tpu.memory_space<vmem>>)
      %dma_wait3A_387 = arith.constant 1 : i32
      %dma_wait3A_388 = arith.constant 2 : i32
      %dma_wait3A_389 = arith.constant 0 : i32
      %dma_wait3A_390 = tpu.memref_slice %arg7[%dma_wait3A_388, %dma_wait3A_389] : memref<6x128xi32, #tpu.memory_space<vmem>> -> memref<1x128xi32, #tpu.memory_space<vmem>>
      %dma_wait3A_391 = tpu.memref_squeeze %dma_wait3A_390 : memref<1x128xi32, #tpu.memory_space<vmem>> -> memref<128xi32, #tpu.memory_space<vmem>>
      %dma_wait3A_392 = arith.constant 0 : i32
      %dma_wait3A_393 = tpu.memref_slice %arg2[%dma_wait3A_387, %dma_wait3A_392] : memref<2x3200000xi32, #tpu.memory_space<hbm>> -> memref<1x128xi32, #tpu.memory_space<hbm>>
      %dma_wait3A_394 = tpu.memref_squeeze %dma_wait3A_393 : memref<1x128xi32, #tpu.memory_space<hbm>> -> memref<128xi32, #tpu.memory_space<hbm>>
      %dma_wait3A_395 = arith.constant 0 : i32
      %dma_wait3A_396 = tpu.memref_slice %arg7[%dma_wait3A_388, %dma_wait3A_395] : memref<6x128xi32, #tpu.memory_space<vmem>> -> memref<1x128xi32, #tpu.memory_space<vmem>>
      %dma_wait3A_397 = tpu.memref_squeeze %dma_wait3A_396 : memref<1x128xi32, #tpu.memory_space<vmem>> -> memref<128xi32, #tpu.memory_space<vmem>>
      %dma_wait3A_398 = arith.constant 0 : i32
      %dma_wait3A_399 = tpu.memref_slice %arg2[%dma_wait3A_387, %dma_wait3A_398] : memref<2x3200000xi32, #tpu.memory_space<hbm>> -> memref<1x128xi32, #tpu.memory_space<hbm>>
      %dma_wait3A_400 = tpu.memref_squeeze %dma_wait3A_399 : memref<1x128xi32, #tpu.memory_space<hbm>> -> memref<128xi32, #tpu.memory_space<hbm>>
      tpu.wait_dma2 semaphore(%arg11 : memref<!tpu.dma_semaphore, #tpu.memory_space<semaphore_mem>>) src(%dma_wait3A_400 : memref<128xi32, #tpu.memory_space<hbm>>) dst(%dma_wait3A_397 : memref<128xi32, #tpu.memory_space<vmem>>)
      %dma_wait3A_401 = arith.constant 1 : i32
      %dma_wait3A_402 = arith.constant 3 : i32
      %dma_wait3A_403 = arith.constant 0 : i32
      %dma_wait3A_404 = tpu.memref_slice %arg7[%dma_wait3A_402, %dma_wait3A_403] : memref<6x128xi32, #tpu.memory_space<vmem>> -> memref<1x128xi32, #tpu.memory_space<vmem>>
      %dma_wait3A_405 = tpu.memref_squeeze %dma_wait3A_404 : memref<1x128xi32, #tpu.memory_space<vmem>> -> memref<128xi32, #tpu.memory_space<vmem>>
      %dma_wait3A_406 = arith.constant 0 : i32
      %dma_wait3A_407 = tpu.memref_slice %arg2[%dma_wait3A_401, %dma_wait3A_406] : memref<2x3200000xi32, #tpu.memory_space<hbm>> -> memref<1x128xi32, #tpu.memory_space<hbm>>
      %dma_wait3A_408 = tpu.memref_squeeze %dma_wait3A_407 : memref<1x128xi32, #tpu.memory_space<hbm>> -> memref<128xi32, #tpu.memory_space<hbm>>
      %dma_wait3A_409 = arith.constant 0 : i32
      %dma_wait3A_410 = tpu.memref_slice %arg7[%dma_wait3A_402, %dma_wait3A_409] : memref<6x128xi32, #tpu.memory_space<vmem>> -> memref<1x128xi32, #tpu.memory_space<vmem>>
      %dma_wait3A_411 = tpu.memref_squeeze %dma_wait3A_410 : memref<1x128xi32, #tpu.memory_space<vmem>> -> memref<128xi32, #tpu.memory_space<vmem>>
      %dma_wait3A_412 = arith.constant 0 : i32
      %dma_wait3A_413 = tpu.memref_slice %arg2[%dma_wait3A_401, %dma_wait3A_412] : memref<2x3200000xi32, #tpu.memory_space<hbm>> -> memref<1x128xi32, #tpu.memory_space<hbm>>
      %dma_wait3A_414 = tpu.memref_squeeze %dma_wait3A_413 : memref<1x128xi32, #tpu.memory_space<hbm>> -> memref<128xi32, #tpu.memory_space<hbm>>
      tpu.wait_dma2 semaphore(%arg11 : memref<!tpu.dma_semaphore, #tpu.memory_space<semaphore_mem>>) src(%dma_wait3A_414 : memref<128xi32, #tpu.memory_space<hbm>>) dst(%dma_wait3A_411 : memref<128xi32, #tpu.memory_space<vmem>>)
      %dma_wait3A_415 = arith.constant 1 : i32
      %dma_wait3A_416 = arith.constant 4 : i32
      %dma_wait3A_417 = arith.constant 0 : i32
      %dma_wait3A_418 = tpu.memref_slice %arg7[%dma_wait3A_416, %dma_wait3A_417] : memref<6x128xi32, #tpu.memory_space<vmem>> -> memref<1x128xi32, #tpu.memory_space<vmem>>
      %dma_wait3A_419 = tpu.memref_squeeze %dma_wait3A_418 : memref<1x128xi32, #tpu.memory_space<vmem>> -> memref<128xi32, #tpu.memory_space<vmem>>
      %dma_wait3A_420 = arith.constant 0 : i32
      %dma_wait3A_421 = tpu.memref_slice %arg2[%dma_wait3A_415, %dma_wait3A_420] : memref<2x3200000xi32, #tpu.memory_space<hbm>> -> memref<1x128xi32, #tpu.memory_space<hbm>>
      %dma_wait3A_422 = tpu.memref_squeeze %dma_wait3A_421 : memref<1x128xi32, #tpu.memory_space<hbm>> -> memref<128xi32, #tpu.memory_space<hbm>>
      %dma_wait3A_423 = arith.constant 0 : i32
      %dma_wait3A_424 = tpu.memref_slice %arg7[%dma_wait3A_416, %dma_wait3A_423] : memref<6x128xi32, #tpu.memory_space<vmem>> -> memref<1x128xi32, #tpu.memory_space<vmem>>
      %dma_wait3A_425 = tpu.memref_squeeze %dma_wait3A_424 : memref<1x128xi32, #tpu.memory_space<vmem>> -> memref<128xi32, #tpu.memory_space<vmem>>
      %dma_wait3A_426 = arith.constant 0 : i32
      %dma_wait3A_427 = tpu.memref_slice %arg2[%dma_wait3A_415, %dma_wait3A_426] : memref<2x3200000xi32, #tpu.memory_space<hbm>> -> memref<1x128xi32, #tpu.memory_space<hbm>>
      %dma_wait3A_428 = tpu.memref_squeeze %dma_wait3A_427 : memref<1x128xi32, #tpu.memory_space<hbm>> -> memref<128xi32, #tpu.memory_space<hbm>>
      tpu.wait_dma2 semaphore(%arg11 : memref<!tpu.dma_semaphore, #tpu.memory_space<semaphore_mem>>) src(%dma_wait3A_428 : memref<128xi32, #tpu.memory_space<hbm>>) dst(%dma_wait3A_425 : memref<128xi32, #tpu.memory_space<vmem>>)
      %dma_wait3A_429 = arith.constant 1 : i32
      %dma_wait3A_430 = arith.constant 5 : i32
      %dma_wait3A_431 = arith.constant 0 : i32
      %dma_wait3A_432 = tpu.memref_slice %arg7[%dma_wait3A_430, %dma_wait3A_431] : memref<6x128xi32, #tpu.memory_space<vmem>> -> memref<1x128xi32, #tpu.memory_space<vmem>>
      %dma_wait3A_433 = tpu.memref_squeeze %dma_wait3A_432 : memref<1x128xi32, #tpu.memory_space<vmem>> -> memref<128xi32, #tpu.memory_space<vmem>>
      %dma_wait3A_434 = arith.constant 0 : i32
      %dma_wait3A_435 = tpu.memref_slice %arg2[%dma_wait3A_429, %dma_wait3A_434] : memref<2x3200000xi32, #tpu.memory_space<hbm>> -> memref<1x128xi32, #tpu.memory_space<hbm>>
      %dma_wait3A_436 = tpu.memref_squeeze %dma_wait3A_435 : memref<1x128xi32, #tpu.memory_space<hbm>> -> memref<128xi32, #tpu.memory_space<hbm>>
      %dma_wait3A_437 = arith.constant 0 : i32
      %dma_wait3A_438 = tpu.memref_slice %arg7[%dma_wait3A_430, %dma_wait3A_437] : memref<6x128xi32, #tpu.memory_space<vmem>> -> memref<1x128xi32, #tpu.memory_space<vmem>>
      %dma_wait3A_439 = tpu.memref_squeeze %dma_wait3A_438 : memref<1x128xi32, #tpu.memory_space<vmem>> -> memref<128xi32, #tpu.memory_space<vmem>>
      %dma_wait3A_440 = arith.constant 0 : i32
      %dma_wait3A_441 = tpu.memref_slice %arg2[%dma_wait3A_429, %dma_wait3A_440] : memref<2x3200000xi32, #tpu.memory_space<hbm>> -> memref<1x128xi32, #tpu.memory_space<hbm>>
      %dma_wait3A_442 = tpu.memref_squeeze %dma_wait3A_441 : memref<1x128xi32, #tpu.memory_space<hbm>> -> memref<128xi32, #tpu.memory_space<hbm>>
      tpu.wait_dma2 semaphore(%arg11 : memref<!tpu.dma_semaphore, #tpu.memory_space<semaphore_mem>>) src(%dma_wait3A_442 : memref<128xi32, #tpu.memory_space<hbm>>) dst(%dma_wait3A_439 : memref<128xi32, #tpu.memory_space<vmem>>)
      %dma_wait3A_443 = arith.constant 0 : i32
      %dma_wait3A_444 = arith.constant 0 : i32
      %dma_wait3A_445 = tpu.memref_slice %arg3[%dma_wait3A_443, %dma_wait3A_444] : memref<3200000x16xf32, #tpu.memory_space<hbm>> -> memref<768x16xf32, #tpu.memory_space<hbm>>
      %dma_wait3A_446 = arith.constant 0 : i32
      %dma_wait3A_447 = arith.constant 0 : i32
      %dma_wait3A_448 = tpu.memref_slice %arg3[%dma_wait3A_446, %dma_wait3A_447] : memref<3200000x16xf32, #tpu.memory_space<hbm>> -> memref<768x16xf32, #tpu.memory_space<hbm>>
      tpu.wait_dma2 semaphore(%arg11 : memref<!tpu.dma_semaphore, #tpu.memory_space<semaphore_mem>>) src(%dma_wait3A_448 : memref<768x16xf32, #tpu.memory_space<hbm>>) dst(%arg9 : memref<768x16xf32, #tpu.memory_space<vmem>>)
      %run_scoped3A_449 = arith.constant 0 : i32
      %run_scoped3A_450 = arith.constant 0 : i32
      "tpu.region"() ({
        %run_scoped3A_468 = tpu.sem_alloc : memref<!tpu.dma_semaphore, #tpu.memory_space<semaphore_mem>>
        %dma_start3A_469 = arith.constant 0 : i32
        %dma_start3A_470 = tpu.memref_slice %arg9[%run_scoped3A_449, %dma_start3A_469] : memref<768x16xf32, #tpu.memory_space<vmem>> -> memref<128x16xf32, #tpu.memory_space<vmem>>
        %dma_start3A_471 = arith.constant 0 : i32
        %dma_start3A_472 = tpu.memref_slice %arg7[%run_scoped3A_450, %dma_start3A_471] : memref<6x128xi32, #tpu.memory_space<vmem>> -> memref<1x128xi32, #tpu.memory_space<vmem>>
        %dma_start3A_473 = tpu.memref_squeeze %dma_start3A_472 : memref<1x128xi32, #tpu.memory_space<vmem>> -> memref<128xi32, #tpu.memory_space<vmem>>
        %dma_start3A_474 = arith.constant 0 : i32
        %dma_start3A_475 = arith.constant 0 : i32
        %dma_start3A_476 = tpu.memref_slice %arg5[%dma_start3A_474, %dma_start3A_475] : memref<100000x16xf32, #tpu.memory_space<vmem_shared>> -> memref<100000x16xf32, #tpu.memory_space<vmem_shared>>
        tpu.enqueue_indirect_dma source(%dma_start3A_470 : memref<128x16xf32, #tpu.memory_space<vmem>>) target(%dma_start3A_476 : memref<100000x16xf32, #tpu.memory_space<vmem_shared>>) offsets(%dma_start3A_473 : memref<128xi32, #tpu.memory_space<vmem>>) semaphore(%run_scoped3A_468 : memref<!tpu.dma_semaphore, #tpu.memory_space<semaphore_mem>>) {add = true}
        %dma_wait3A_477 = arith.constant 0 : i32
        %dma_wait3A_478 = tpu.memref_slice %arg9[%run_scoped3A_449, %dma_wait3A_477] : memref<768x16xf32, #tpu.memory_space<vmem>> -> memref<128x16xf32, #tpu.memory_space<vmem>>
        %dma_wait3A_479 = arith.constant 0 : i32
        %dma_wait3A_480 = tpu.memref_slice %arg7[%run_scoped3A_450, %dma_wait3A_479] : memref<6x128xi32, #tpu.memory_space<vmem>> -> memref<1x128xi32, #tpu.memory_space<vmem>>
        %dma_wait3A_481 = tpu.memref_squeeze %dma_wait3A_480 : memref<1x128xi32, #tpu.memory_space<vmem>> -> memref<128xi32, #tpu.memory_space<vmem>>
        %dma_wait3A_482 = arith.constant 0 : i32
        %dma_wait3A_483 = arith.constant 0 : i32
        %dma_wait3A_484 = tpu.memref_slice %arg5[%dma_wait3A_482, %dma_wait3A_483] : memref<100000x16xf32, #tpu.memory_space<vmem_shared>> -> memref<100000x16xf32, #tpu.memory_space<vmem_shared>>
        tpu.wait_indirect_dma semaphore(%run_scoped3A_468 : memref<!tpu.dma_semaphore, #tpu.memory_space<semaphore_mem>>) src(%dma_wait3A_478 : memref<128x16xf32, #tpu.memory_space<vmem>>) dst(%dma_wait3A_484 : memref<100000x16xf32, #tpu.memory_space<vmem_shared>>)
        tpu.yield
      }) : () -> ()
      %run_scoped3A_451 = arith.constant 128 : i32
      %run_scoped3A_452 = arith.constant 1 : i32
      "tpu.region"() ({
        %run_scoped3A_468 = tpu.sem_alloc : memref<!tpu.dma_semaphore, #tpu.memory_space<semaphore_mem>>
        %dma_start3A_469 = arith.constant 0 : i32
        %dma_start3A_470 = tpu.memref_slice %arg9[%run_scoped3A_451, %dma_start3A_469] : memref<768x16xf32, #tpu.memory_space<vmem>> -> memref<128x16xf32, #tpu.memory_space<vmem>>
        %dma_start3A_471 = arith.constant 0 : i32
        %dma_start3A_472 = tpu.memref_slice %arg7[%run_scoped3A_452, %dma_start3A_471] : memref<6x128xi32, #tpu.memory_space<vmem>> -> memref<1x128xi32, #tpu.memory_space<vmem>>
        %dma_start3A_473 = tpu.memref_squeeze %dma_start3A_472 : memref<1x128xi32, #tpu.memory_space<vmem>> -> memref<128xi32, #tpu.memory_space<vmem>>
        %dma_start3A_474 = arith.constant 0 : i32
        %dma_start3A_475 = arith.constant 0 : i32
        %dma_start3A_476 = tpu.memref_slice %arg5[%dma_start3A_474, %dma_start3A_475] : memref<100000x16xf32, #tpu.memory_space<vmem_shared>> -> memref<100000x16xf32, #tpu.memory_space<vmem_shared>>
        tpu.enqueue_indirect_dma source(%dma_start3A_470 : memref<128x16xf32, #tpu.memory_space<vmem>>) target(%dma_start3A_476 : memref<100000x16xf32, #tpu.memory_space<vmem_shared>>) offsets(%dma_start3A_473 : memref<128xi32, #tpu.memory_space<vmem>>) semaphore(%run_scoped3A_468 : memref<!tpu.dma_semaphore, #tpu.memory_space<semaphore_mem>>) {add = true}
        %dma_wait3A_477 = arith.constant 0 : i32
        %dma_wait3A_478 = tpu.memref_slice %arg9[%run_scoped3A_451, %dma_wait3A_477] : memref<768x16xf32, #tpu.memory_space<vmem>> -> memref<128x16xf32, #tpu.memory_space<vmem>>
        %dma_wait3A_479 = arith.constant 0 : i32
        %dma_wait3A_480 = tpu.memref_slice %arg7[%run_scoped3A_452, %dma_wait3A_479] : memref<6x128xi32, #tpu.memory_space<vmem>> -> memref<1x128xi32, #tpu.memory_space<vmem>>
        %dma_wait3A_481 = tpu.memref_squeeze %dma_wait3A_480 : memref<1x128xi32, #tpu.memory_space<vmem>> -> memref<128xi32, #tpu.memory_space<vmem>>
        %dma_wait3A_482 = arith.constant 0 : i32
        %dma_wait3A_483 = arith.constant 0 : i32
        %dma_wait3A_484 = tpu.memref_slice %arg5[%dma_wait3A_482, %dma_wait3A_483] : memref<100000x16xf32, #tpu.memory_space<vmem_shared>> -> memref<100000x16xf32, #tpu.memory_space<vmem_shared>>
        tpu.wait_indirect_dma semaphore(%run_scoped3A_468 : memref<!tpu.dma_semaphore, #tpu.memory_space<semaphore_mem>>) src(%dma_wait3A_478 : memref<128x16xf32, #tpu.memory_space<vmem>>) dst(%dma_wait3A_484 : memref<100000x16xf32, #tpu.memory_space<vmem_shared>>)
        tpu.yield
      }) : () -> ()
      %run_scoped3A_453 = arith.constant 256 : i32
      %run_scoped3A_454 = arith.constant 2 : i32
      "tpu.region"() ({
        %run_scoped3A_468 = tpu.sem_alloc : memref<!tpu.dma_semaphore, #tpu.memory_space<semaphore_mem>>
        %dma_start3A_469 = arith.constant 0 : i32
        %dma_start3A_470 = tpu.memref_slice %arg9[%run_scoped3A_453, %dma_start3A_469] : memref<768x16xf32, #tpu.memory_space<vmem>> -> memref<128x16xf32, #tpu.memory_space<vmem>>
        %dma_start3A_471 = arith.constant 0 : i32
        %dma_start3A_472 = tpu.memref_slice %arg7[%run_scoped3A_454, %dma_start3A_471] : memref<6x128xi32, #tpu.memory_space<vmem>> -> memref<1x128xi32, #tpu.memory_space<vmem>>
        %dma_start3A_473 = tpu.memref_squeeze %dma_start3A_472 : memref<1x128xi32, #tpu.memory_space<vmem>> -> memref<128xi32, #tpu.memory_space<vmem>>
        %dma_start3A_474 = arith.constant 0 : i32
        %dma_start3A_475 = arith.constant 0 : i32
        %dma_start3A_476 = tpu.memref_slice %arg5[%dma_start3A_474, %dma_start3A_475] : memref<100000x16xf32, #tpu.memory_space<vmem_shared>> -> memref<100000x16xf32, #tpu.memory_space<vmem_shared>>
        tpu.enqueue_indirect_dma source(%dma_start3A_470 : memref<128x16xf32, #tpu.memory_space<vmem>>) target(%dma_start3A_476 : memref<100000x16xf32, #tpu.memory_space<vmem_shared>>) offsets(%dma_start3A_473 : memref<128xi32, #tpu.memory_space<vmem>>) semaphore(%run_scoped3A_468 : memref<!tpu.dma_semaphore, #tpu.memory_space<semaphore_mem>>) {add = true}
        %dma_wait3A_477 = arith.constant 0 : i32
        %dma_wait3A_478 = tpu.memref_slice %arg9[%run_scoped3A_453, %dma_wait3A_477] : memref<768x16xf32, #tpu.memory_space<vmem>> -> memref<128x16xf32, #tpu.memory_space<vmem>>
        %dma_wait3A_479 = arith.constant 0 : i32
        %dma_wait3A_480 = tpu.memref_slice %arg7[%run_scoped3A_454, %dma_wait3A_479] : memref<6x128xi32, #tpu.memory_space<vmem>> -> memref<1x128xi32, #tpu.memory_space<vmem>>
        %dma_wait3A_481 = tpu.memref_squeeze %dma_wait3A_480 : memref<1x128xi32, #tpu.memory_space<vmem>> -> memref<128xi32, #tpu.memory_space<vmem>>
        %dma_wait3A_482 = arith.constant 0 : i32
        %dma_wait3A_483 = arith.constant 0 : i32
        %dma_wait3A_484 = tpu.memref_slice %arg5[%dma_wait3A_482, %dma_wait3A_483] : memref<100000x16xf32, #tpu.memory_space<vmem_shared>> -> memref<100000x16xf32, #tpu.memory_space<vmem_shared>>
        tpu.wait_indirect_dma semaphore(%run_scoped3A_468 : memref<!tpu.dma_semaphore, #tpu.memory_space<semaphore_mem>>) src(%dma_wait3A_478 : memref<128x16xf32, #tpu.memory_space<vmem>>) dst(%dma_wait3A_484 : memref<100000x16xf32, #tpu.memory_space<vmem_shared>>)
        tpu.yield
      }) : () -> ()
      %run_scoped3A_455 = arith.constant 384 : i32
      %run_scoped3A_456 = arith.constant 3 : i32
      "tpu.region"() ({
        %run_scoped3A_468 = tpu.sem_alloc : memref<!tpu.dma_semaphore, #tpu.memory_space<semaphore_mem>>
        %dma_start3A_469 = arith.constant 0 : i32
        %dma_start3A_470 = tpu.memref_slice %arg9[%run_scoped3A_455, %dma_start3A_469] : memref<768x16xf32, #tpu.memory_space<vmem>> -> memref<128x16xf32, #tpu.memory_space<vmem>>
        %dma_start3A_471 = arith.constant 0 : i32
        %dma_start3A_472 = tpu.memref_slice %arg7[%run_scoped3A_456, %dma_start3A_471] : memref<6x128xi32, #tpu.memory_space<vmem>> -> memref<1x128xi32, #tpu.memory_space<vmem>>
        %dma_start3A_473 = tpu.memref_squeeze %dma_start3A_472 : memref<1x128xi32, #tpu.memory_space<vmem>> -> memref<128xi32, #tpu.memory_space<vmem>>
        %dma_start3A_474 = arith.constant 0 : i32
        %dma_start3A_475 = arith.constant 0 : i32
        %dma_start3A_476 = tpu.memref_slice %arg5[%dma_start3A_474, %dma_start3A_475] : memref<100000x16xf32, #tpu.memory_space<vmem_shared>> -> memref<100000x16xf32, #tpu.memory_space<vmem_shared>>
        tpu.enqueue_indirect_dma source(%dma_start3A_470 : memref<128x16xf32, #tpu.memory_space<vmem>>) target(%dma_start3A_476 : memref<100000x16xf32, #tpu.memory_space<vmem_shared>>) offsets(%dma_start3A_473 : memref<128xi32, #tpu.memory_space<vmem>>) semaphore(%run_scoped3A_468 : memref<!tpu.dma_semaphore, #tpu.memory_space<semaphore_mem>>) {add = true}
        %dma_wait3A_477 = arith.constant 0 : i32
        %dma_wait3A_478 = tpu.memref_slice %arg9[%run_scoped3A_455, %dma_wait3A_477] : memref<768x16xf32, #tpu.memory_space<vmem>> -> memref<128x16xf32, #tpu.memory_space<vmem>>
        %dma_wait3A_479 = arith.constant 0 : i32
        %dma_wait3A_480 = tpu.memref_slice %arg7[%run_scoped3A_456, %dma_wait3A_479] : memref<6x128xi32, #tpu.memory_space<vmem>> -> memref<1x128xi32, #tpu.memory_space<vmem>>
        %dma_wait3A_481 = tpu.memref_squeeze %dma_wait3A_480 : memref<1x128xi32, #tpu.memory_space<vmem>> -> memref<128xi32, #tpu.memory_space<vmem>>
        %dma_wait3A_482 = arith.constant 0 : i32
        %dma_wait3A_483 = arith.constant 0 : i32
        %dma_wait3A_484 = tpu.memref_slice %arg5[%dma_wait3A_482, %dma_wait3A_483] : memref<100000x16xf32, #tpu.memory_space<vmem_shared>> -> memref<100000x16xf32, #tpu.memory_space<vmem_shared>>
        tpu.wait_indirect_dma semaphore(%run_scoped3A_468 : memref<!tpu.dma_semaphore, #tpu.memory_space<semaphore_mem>>) src(%dma_wait3A_478 : memref<128x16xf32, #tpu.memory_space<vmem>>) dst(%dma_wait3A_484 : memref<100000x16xf32, #tpu.memory_space<vmem_shared>>)
        tpu.yield
      }) : () -> ()
      %run_scoped3A_457 = arith.constant 512 : i32
      %run_scoped3A_458 = arith.constant 4 : i32
      "tpu.region"() ({
        %run_scoped3A_468 = tpu.sem_alloc : memref<!tpu.dma_semaphore, #tpu.memory_space<semaphore_mem>>
        %dma_start3A_469 = arith.constant 0 : i32
        %dma_start3A_470 = tpu.memref_slice %arg9[%run_scoped3A_457, %dma_start3A_469] : memref<768x16xf32, #tpu.memory_space<vmem>> -> memref<128x16xf32, #tpu.memory_space<vmem>>
        %dma_start3A_471 = arith.constant 0 : i32
        %dma_start3A_472 = tpu.memref_slice %arg7[%run_scoped3A_458, %dma_start3A_471] : memref<6x128xi32, #tpu.memory_space<vmem>> -> memref<1x128xi32, #tpu.memory_space<vmem>>
        %dma_start3A_473 = tpu.memref_squeeze %dma_start3A_472 : memref<1x128xi32, #tpu.memory_space<vmem>> -> memref<128xi32, #tpu.memory_space<vmem>>
        %dma_start3A_474 = arith.constant 0 : i32
        %dma_start3A_475 = arith.constant 0 : i32
        %dma_start3A_476 = tpu.memref_slice %arg5[%dma_start3A_474, %dma_start3A_475] : memref<100000x16xf32, #tpu.memory_space<vmem_shared>> -> memref<100000x16xf32, #tpu.memory_space<vmem_shared>>
        tpu.enqueue_indirect_dma source(%dma_start3A_470 : memref<128x16xf32, #tpu.memory_space<vmem>>) target(%dma_start3A_476 : memref<100000x16xf32, #tpu.memory_space<vmem_shared>>) offsets(%dma_start3A_473 : memref<128xi32, #tpu.memory_space<vmem>>) semaphore(%run_scoped3A_468 : memref<!tpu.dma_semaphore, #tpu.memory_space<semaphore_mem>>) {add = true}
        %dma_wait3A_477 = arith.constant 0 : i32
        %dma_wait3A_478 = tpu.memref_slice %arg9[%run_scoped3A_457, %dma_wait3A_477] : memref<768x16xf32, #tpu.memory_space<vmem>> -> memref<128x16xf32, #tpu.memory_space<vmem>>
        %dma_wait3A_479 = arith.constant 0 : i32
        %dma_wait3A_480 = tpu.memref_slice %arg7[%run_scoped3A_458, %dma_wait3A_479] : memref<6x128xi32, #tpu.memory_space<vmem>> -> memref<1x128xi32, #tpu.memory_space<vmem>>
        %dma_wait3A_481 = tpu.memref_squeeze %dma_wait3A_480 : memref<1x128xi32, #tpu.memory_space<vmem>> -> memref<128xi32, #tpu.memory_space<vmem>>
        %dma_wait3A_482 = arith.constant 0 : i32
        %dma_wait3A_483 = arith.constant 0 : i32
        %dma_wait3A_484 = tpu.memref_slice %arg5[%dma_wait3A_482, %dma_wait3A_483] : memref<100000x16xf32, #tpu.memory_space<vmem_shared>> -> memref<100000x16xf32, #tpu.memory_space<vmem_shared>>
        tpu.wait_indirect_dma semaphore(%run_scoped3A_468 : memref<!tpu.dma_semaphore, #tpu.memory_space<semaphore_mem>>) src(%dma_wait3A_478 : memref<128x16xf32, #tpu.memory_space<vmem>>) dst(%dma_wait3A_484 : memref<100000x16xf32, #tpu.memory_space<vmem_shared>>)
        tpu.yield
      }) : () -> ()
      %run_scoped3A_459 = arith.constant 640 : i32
      %run_scoped3A_460 = arith.constant 5 : i32
      "tpu.region"() ({
        %run_scoped3A_468 = tpu.sem_alloc : memref<!tpu.dma_semaphore, #tpu.memory_space<semaphore_mem>>
        %dma_start3A_469 = arith.constant 0 : i32
        %dma_start3A_470 = tpu.memref_slice %arg9[%run_scoped3A_459, %dma_start3A_469] : memref<768x16xf32, #tpu.memory_space<vmem>> -> memref<128x16xf32, #tpu.memory_space<vmem>>
        %dma_start3A_471 = arith.constant 0 : i32
        %dma_start3A_472 = tpu.memref_slice %arg7[%run_scoped3A_460, %dma_start3A_471] : memref<6x128xi32, #tpu.memory_space<vmem>> -> memref<1x128xi32, #tpu.memory_space<vmem>>
        %dma_start3A_473 = tpu.memref_squeeze %dma_start3A_472 : memref<1x128xi32, #tpu.memory_space<vmem>> -> memref<128xi32, #tpu.memory_space<vmem>>
        %dma_start3A_474 = arith.constant 0 : i32
        %dma_start3A_475 = arith.constant 0 : i32
        %dma_start3A_476 = tpu.memref_slice %arg5[%dma_start3A_474, %dma_start3A_475] : memref<100000x16xf32, #tpu.memory_space<vmem_shared>> -> memref<100000x16xf32, #tpu.memory_space<vmem_shared>>
        tpu.enqueue_indirect_dma source(%dma_start3A_470 : memref<128x16xf32, #tpu.memory_space<vmem>>) target(%dma_start3A_476 : memref<100000x16xf32, #tpu.memory_space<vmem_shared>>) offsets(%dma_start3A_473 : memref<128xi32, #tpu.memory_space<vmem>>) semaphore(%run_scoped3A_468 : memref<!tpu.dma_semaphore, #tpu.memory_space<semaphore_mem>>) {add = true}
        %dma_wait3A_477 = arith.constant 0 : i32
        %dma_wait3A_478 = tpu.memref_slice %arg9[%run_scoped3A_459, %dma_wait3A_477] : memref<768x16xf32, #tpu.memory_space<vmem>> -> memref<128x16xf32, #tpu.memory_space<vmem>>
        %dma_wait3A_479 = arith.constant 0 : i32
        %dma_wait3A_480 = tpu.memref_slice %arg7[%run_scoped3A_460, %dma_wait3A_479] : memref<6x128xi32, #tpu.memory_space<vmem>> -> memref<1x128xi32, #tpu.memory_space<vmem>>
        %dma_wait3A_481 = tpu.memref_squeeze %dma_wait3A_480 : memref<1x128xi32, #tpu.memory_space<vmem>> -> memref<128xi32, #tpu.memory_space<vmem>>
        %dma_wait3A_482 = arith.constant 0 : i32
        %dma_wait3A_483 = arith.constant 0 : i32
        %dma_wait3A_484 = tpu.memref_slice %arg5[%dma_wait3A_482, %dma_wait3A_483] : memref<100000x16xf32, #tpu.memory_space<vmem_shared>> -> memref<100000x16xf32, #tpu.memory_space<vmem_shared>>
        tpu.wait_indirect_dma semaphore(%run_scoped3A_468 : memref<!tpu.dma_semaphore, #tpu.memory_space<semaphore_mem>>) src(%dma_wait3A_478 : memref<128x16xf32, #tpu.memory_space<vmem>>) dst(%dma_wait3A_484 : memref<100000x16xf32, #tpu.memory_space<vmem_shared>>)
        tpu.yield
      }) : () -> ()
      %add3A_461 = arith.constant 2 : i32
      %add3A_462 = arith.addi %add3A_358, %add3A_461 : i32
      %lt3A_463 = arith.constant 130 : i32
      %lt3A_464 = arith.cmpi slt, %add3A_462, %lt3A_463 : i32
      %convert_element_type3A_465 = arith.extui %lt3A_464 : i1 to i32
      %cond3A_466 = arith.constant 0 : i32
      %cond3A_467 = arith.cmpi ne, %convert_element_type3A_465, %cond3A_466 : i32
      scf.if %cond3A_467 {
        %add3A_468 = arith.constant 2 : i32
        %add3A_469 = arith.addi %add3A_358, %add3A_468 : i32
        %mul3A_470 = arith.constant 6 : i32
        %mul3A_471 = arith.muli %add3A_469, %mul3A_470 : i32
        %add3A_472 = arith.addi %add3A_30, %mul3A_471 : i32
        %mul3A_473 = arith.constant 128 : i32
        %mul3A_474 = arith.muli %add3A_472, %mul3A_473 : i32
        %add3A_475 = arith.constant 0 : i32
        %add3A_476 = arith.addi %mul3A_474, %add3A_475 : i32
        %dma_start3A_477 = arith.constant 1 : i32
        %dma_start3A_478 = arith.constant 0 : i32
        %dma_start3A_479 = arith.constant 0 : i32
        %dma_start3A_480 = tpu.memref_slice %arg7[%dma_start3A_478, %dma_start3A_479] : memref<6x128xi32, #tpu.memory_space<vmem>> -> memref<1x128xi32, #tpu.memory_space<vmem>>
        %dma_start3A_481 = tpu.memref_squeeze %dma_start3A_480 : memref<1x128xi32, #tpu.memory_space<vmem>> -> memref<128xi32, #tpu.memory_space<vmem>>
        %dma_start3A_482 = tpu.memref_slice %arg2[%dma_start3A_477, %add3A_476] : memref<2x3200000xi32, #tpu.memory_space<hbm>> -> memref<1x128xi32, #tpu.memory_space<hbm>>
        %dma_start3A_483 = tpu.memref_squeeze %dma_start3A_482 : memref<1x128xi32, #tpu.memory_space<hbm>> -> memref<128xi32, #tpu.memory_space<hbm>>
        %dma_start3A_484 = arith.constant 0 : i32
        %dma_start3A_485 = tpu.memref_slice %arg7[%dma_start3A_478, %dma_start3A_484] : memref<6x128xi32, #tpu.memory_space<vmem>> -> memref<1x128xi32, #tpu.memory_space<vmem>>
        %dma_start3A_486 = tpu.memref_squeeze %dma_start3A_485 : memref<1x128xi32, #tpu.memory_space<vmem>> -> memref<128xi32, #tpu.memory_space<vmem>>
        %dma_start3A_487 = tpu.memref_slice %arg2[%dma_start3A_477, %add3A_476] : memref<2x3200000xi32, #tpu.memory_space<hbm>> -> memref<1x128xi32, #tpu.memory_space<hbm>>
        %dma_start3A_488 = tpu.memref_squeeze %dma_start3A_487 : memref<1x128xi32, #tpu.memory_space<hbm>> -> memref<128xi32, #tpu.memory_space<hbm>>
        tpu.enqueue_dma source(%dma_start3A_488 : memref<128xi32, #tpu.memory_space<hbm>>) target(%dma_start3A_486 : memref<128xi32, #tpu.memory_space<vmem>>) target_semaphore(%arg11 : memref<!tpu.dma_semaphore, #tpu.memory_space<semaphore_mem>>)
        %add3A_489 = arith.constant 128 : i32
        %add3A_490 = arith.addi %mul3A_474, %add3A_489 : i32
        %dma_start3A_491 = arith.constant 1 : i32
        %dma_start3A_492 = arith.constant 1 : i32
        %dma_start3A_493 = arith.constant 0 : i32
        %dma_start3A_494 = tpu.memref_slice %arg7[%dma_start3A_492, %dma_start3A_493] : memref<6x128xi32, #tpu.memory_space<vmem>> -> memref<1x128xi32, #tpu.memory_space<vmem>>
        %dma_start3A_495 = tpu.memref_squeeze %dma_start3A_494 : memref<1x128xi32, #tpu.memory_space<vmem>> -> memref<128xi32, #tpu.memory_space<vmem>>
        %dma_start3A_496 = tpu.memref_slice %arg2[%dma_start3A_491, %add3A_490] : memref<2x3200000xi32, #tpu.memory_space<hbm>> -> memref<1x128xi32, #tpu.memory_space<hbm>>
        %dma_start3A_497 = tpu.memref_squeeze %dma_start3A_496 : memref<1x128xi32, #tpu.memory_space<hbm>> -> memref<128xi32, #tpu.memory_space<hbm>>
        %dma_start3A_498 = arith.constant 0 : i32
        %dma_start3A_499 = tpu.memref_slice %arg7[%dma_start3A_492, %dma_start3A_498] : memref<6x128xi32, #tpu.memory_space<vmem>> -> memref<1x128xi32, #tpu.memory_space<vmem>>
        %dma_start3A_500 = tpu.memref_squeeze %dma_start3A_499 : memref<1x128xi32, #tpu.memory_space<vmem>> -> memref<128xi32, #tpu.memory_space<vmem>>
        %dma_start3A_501 = tpu.memref_slice %arg2[%dma_start3A_491, %add3A_490] : memref<2x3200000xi32, #tpu.memory_space<hbm>> -> memref<1x128xi32, #tpu.memory_space<hbm>>
        %dma_start3A_502 = tpu.memref_squeeze %dma_start3A_501 : memref<1x128xi32, #tpu.memory_space<hbm>> -> memref<128xi32, #tpu.memory_space<hbm>>
        tpu.enqueue_dma source(%dma_start3A_502 : memref<128xi32, #tpu.memory_space<hbm>>) target(%dma_start3A_500 : memref<128xi32, #tpu.memory_space<vmem>>) target_semaphore(%arg11 : memref<!tpu.dma_semaphore, #tpu.memory_space<semaphore_mem>>)
        %add3A_503 = arith.constant 256 : i32
        %add3A_504 = arith.addi %mul3A_474, %add3A_503 : i32
        %dma_start3A_505 = arith.constant 1 : i32
        %dma_start3A_506 = arith.constant 2 : i32
        %dma_start3A_507 = arith.constant 0 : i32
        %dma_start3A_508 = tpu.memref_slice %arg7[%dma_start3A_506, %dma_start3A_507] : memref<6x128xi32, #tpu.memory_space<vmem>> -> memref<1x128xi32, #tpu.memory_space<vmem>>
        %dma_start3A_509 = tpu.memref_squeeze %dma_start3A_508 : memref<1x128xi32, #tpu.memory_space<vmem>> -> memref<128xi32, #tpu.memory_space<vmem>>
        %dma_start3A_510 = tpu.memref_slice %arg2[%dma_start3A_505, %add3A_504] : memref<2x3200000xi32, #tpu.memory_space<hbm>> -> memref<1x128xi32, #tpu.memory_space<hbm>>
        %dma_start3A_511 = tpu.memref_squeeze %dma_start3A_510 : memref<1x128xi32, #tpu.memory_space<hbm>> -> memref<128xi32, #tpu.memory_space<hbm>>
        %dma_start3A_512 = arith.constant 0 : i32
        %dma_start3A_513 = tpu.memref_slice %arg7[%dma_start3A_506, %dma_start3A_512] : memref<6x128xi32, #tpu.memory_space<vmem>> -> memref<1x128xi32, #tpu.memory_space<vmem>>
        %dma_start3A_514 = tpu.memref_squeeze %dma_start3A_513 : memref<1x128xi32, #tpu.memory_space<vmem>> -> memref<128xi32, #tpu.memory_space<vmem>>
        %dma_start3A_515 = tpu.memref_slice %arg2[%dma_start3A_505, %add3A_504] : memref<2x3200000xi32, #tpu.memory_space<hbm>> -> memref<1x128xi32, #tpu.memory_space<hbm>>
        %dma_start3A_516 = tpu.memref_squeeze %dma_start3A_515 : memref<1x128xi32, #tpu.memory_space<hbm>> -> memref<128xi32, #tpu.memory_space<hbm>>
        tpu.enqueue_dma source(%dma_start3A_516 : memref<128xi32, #tpu.memory_space<hbm>>) target(%dma_start3A_514 : memref<128xi32, #tpu.memory_space<vmem>>) target_semaphore(%arg11 : memref<!tpu.dma_semaphore, #tpu.memory_space<semaphore_mem>>)
        %add3A_517 = arith.constant 384 : i32
        %add3A_518 = arith.addi %mul3A_474, %add3A_517 : i32
        %dma_start3A_519 = arith.constant 1 : i32
        %dma_start3A_520 = arith.constant 3 : i32
        %dma_start3A_521 = arith.constant 0 : i32
        %dma_start3A_522 = tpu.memref_slice %arg7[%dma_start3A_520, %dma_start3A_521] : memref<6x128xi32, #tpu.memory_space<vmem>> -> memref<1x128xi32, #tpu.memory_space<vmem>>
        %dma_start3A_523 = tpu.memref_squeeze %dma_start3A_522 : memref<1x128xi32, #tpu.memory_space<vmem>> -> memref<128xi32, #tpu.memory_space<vmem>>
        %dma_start3A_524 = tpu.memref_slice %arg2[%dma_start3A_519, %add3A_518] : memref<2x3200000xi32, #tpu.memory_space<hbm>> -> memref<1x128xi32, #tpu.memory_space<hbm>>
        %dma_start3A_525 = tpu.memref_squeeze %dma_start3A_524 : memref<1x128xi32, #tpu.memory_space<hbm>> -> memref<128xi32, #tpu.memory_space<hbm>>
        %dma_start3A_526 = arith.constant 0 : i32
        %dma_start3A_527 = tpu.memref_slice %arg7[%dma_start3A_520, %dma_start3A_526] : memref<6x128xi32, #tpu.memory_space<vmem>> -> memref<1x128xi32, #tpu.memory_space<vmem>>
        %dma_start3A_528 = tpu.memref_squeeze %dma_start3A_527 : memref<1x128xi32, #tpu.memory_space<vmem>> -> memref<128xi32, #tpu.memory_space<vmem>>
        %dma_start3A_529 = tpu.memref_slice %arg2[%dma_start3A_519, %add3A_518] : memref<2x3200000xi32, #tpu.memory_space<hbm>> -> memref<1x128xi32, #tpu.memory_space<hbm>>
        %dma_start3A_530 = tpu.memref_squeeze %dma_start3A_529 : memref<1x128xi32, #tpu.memory_space<hbm>> -> memref<128xi32, #tpu.memory_space<hbm>>
        tpu.enqueue_dma source(%dma_start3A_530 : memref<128xi32, #tpu.memory_space<hbm>>) target(%dma_start3A_528 : memref<128xi32, #tpu.memory_space<vmem>>) target_semaphore(%arg11 : memref<!tpu.dma_semaphore, #tpu.memory_space<semaphore_mem>>)
        %add3A_531 = arith.constant 512 : i32
        %add3A_532 = arith.addi %mul3A_474, %add3A_531 : i32
        %dma_start3A_533 = arith.constant 1 : i32
        %dma_start3A_534 = arith.constant 4 : i32
        %dma_start3A_535 = arith.constant 0 : i32
        %dma_start3A_536 = tpu.memref_slice %arg7[%dma_start3A_534, %dma_start3A_535] : memref<6x128xi32, #tpu.memory_space<vmem>> -> memref<1x128xi32, #tpu.memory_space<vmem>>
        %dma_start3A_537 = tpu.memref_squeeze %dma_start3A_536 : memref<1x128xi32, #tpu.memory_space<vmem>> -> memref<128xi32, #tpu.memory_space<vmem>>
        %dma_start3A_538 = tpu.memref_slice %arg2[%dma_start3A_533, %add3A_532] : memref<2x3200000xi32, #tpu.memory_space<hbm>> -> memref<1x128xi32, #tpu.memory_space<hbm>>
        %dma_start3A_539 = tpu.memref_squeeze %dma_start3A_538 : memref<1x128xi32, #tpu.memory_space<hbm>> -> memref<128xi32, #tpu.memory_space<hbm>>
        %dma_start3A_540 = arith.constant 0 : i32
        %dma_start3A_541 = tpu.memref_slice %arg7[%dma_start3A_534, %dma_start3A_540] : memref<6x128xi32, #tpu.memory_space<vmem>> -> memref<1x128xi32, #tpu.memory_space<vmem>>
        %dma_start3A_542 = tpu.memref_squeeze %dma_start3A_541 : memref<1x128xi32, #tpu.memory_space<vmem>> -> memref<128xi32, #tpu.memory_space<vmem>>
        %dma_start3A_543 = tpu.memref_slice %arg2[%dma_start3A_533, %add3A_532] : memref<2x3200000xi32, #tpu.memory_space<hbm>> -> memref<1x128xi32, #tpu.memory_space<hbm>>
        %dma_start3A_544 = tpu.memref_squeeze %dma_start3A_543 : memref<1x128xi32, #tpu.memory_space<hbm>> -> memref<128xi32, #tpu.memory_space<hbm>>
        tpu.enqueue_dma source(%dma_start3A_544 : memref<128xi32, #tpu.memory_space<hbm>>) target(%dma_start3A_542 : memref<128xi32, #tpu.memory_space<vmem>>) target_semaphore(%arg11 : memref<!tpu.dma_semaphore, #tpu.memory_space<semaphore_mem>>)
        %add3A_545 = arith.constant 640 : i32
        %add3A_546 = arith.addi %mul3A_474, %add3A_545 : i32
        %dma_start3A_547 = arith.constant 1 : i32
        %dma_start3A_548 = arith.constant 5 : i32
        %dma_start3A_549 = arith.constant 0 : i32
        %dma_start3A_550 = tpu.memref_slice %arg7[%dma_start3A_548, %dma_start3A_549] : memref<6x128xi32, #tpu.memory_space<vmem>> -> memref<1x128xi32, #tpu.memory_space<vmem>>
        %dma_start3A_551 = tpu.memref_squeeze %dma_start3A_550 : memref<1x128xi32, #tpu.memory_space<vmem>> -> memref<128xi32, #tpu.memory_space<vmem>>
        %dma_start3A_552 = tpu.memref_slice %arg2[%dma_start3A_547, %add3A_546] : memref<2x3200000xi32, #tpu.memory_space<hbm>> -> memref<1x128xi32, #tpu.memory_space<hbm>>
        %dma_start3A_553 = tpu.memref_squeeze %dma_start3A_552 : memref<1x128xi32, #tpu.memory_space<hbm>> -> memref<128xi32, #tpu.memory_space<hbm>>
        %dma_start3A_554 = arith.constant 0 : i32
        %dma_start3A_555 = tpu.memref_slice %arg7[%dma_start3A_548, %dma_start3A_554] : memref<6x128xi32, #tpu.memory_space<vmem>> -> memref<1x128xi32, #tpu.memory_space<vmem>>
        %dma_start3A_556 = tpu.memref_squeeze %dma_start3A_555 : memref<1x128xi32, #tpu.memory_space<vmem>> -> memref<128xi32, #tpu.memory_space<vmem>>
        %dma_start3A_557 = tpu.memref_slice %arg2[%dma_start3A_547, %add3A_546] : memref<2x3200000xi32, #tpu.memory_space<hbm>> -> memref<1x128xi32, #tpu.memory_space<hbm>>
        %dma_start3A_558 = tpu.memref_squeeze %dma_start3A_557 : memref<1x128xi32, #tpu.memory_space<hbm>> -> memref<128xi32, #tpu.memory_space<hbm>>
        tpu.enqueue_dma source(%dma_start3A_558 : memref<128xi32, #tpu.memory_space<hbm>>) target(%dma_start3A_556 : memref<128xi32, #tpu.memory_space<vmem>>) target_semaphore(%arg11 : memref<!tpu.dma_semaphore, #tpu.memory_space<semaphore_mem>>)
        %dma_start3A_559 = arith.constant 0 : i32
        %dma_start3A_560 = tpu.memref_slice %arg3[%mul3A_474, %dma_start3A_559] : memref<3200000x16xf32, #tpu.memory_space<hbm>> -> memref<768x16xf32, #tpu.memory_space<hbm>>
        %dma_start3A_561 = arith.constant 0 : i32
        %dma_start3A_562 = tpu.memref_slice %arg3[%mul3A_474, %dma_start3A_561] : memref<3200000x16xf32, #tpu.memory_space<hbm>> -> memref<768x16xf32, #tpu.memory_space<hbm>>
        tpu.enqueue_dma source(%dma_start3A_562 : memref<768x16xf32, #tpu.memory_space<hbm>>) target(%arg9 : memref<768x16xf32, #tpu.memory_space<vmem>>) target_semaphore(%arg11 : memref<!tpu.dma_semaphore, #tpu.memory_space<semaphore_mem>>)
      } else {
      }
    }
    %while3A_232 = arith.constant 1 : i32
    scf.for %while3A_244 = %while3A_230 to %while3A_226 step %while3A_232  : i32 {
      %mul3A_245 = arith.constant 2 : i32
      %mul3A_246 = arith.muli %while3A_244, %mul3A_245 : i32
      %add3A_247 = arith.constant 0 : i32
      %add3A_248 = arith.addi %mul3A_246, %add3A_247 : i32
      %dma_wait3A = arith.constant 1 : i32
      %dma_wait3A_249 = arith.constant 0 : i32
      %dma_wait3A_250 = arith.constant 0 : i32
      %dma_wait3A_251 = tpu.memref_slice %arg6[%dma_wait3A_249, %dma_wait3A_250] : memref<6x128xi32, #tpu.memory_space<vmem>> -> memref<1x128xi32, #tpu.memory_space<vmem>>
      %dma_wait3A_252 = tpu.memref_squeeze %dma_wait3A_251 : memref<1x128xi32, #tpu.memory_space<vmem>> -> memref<128xi32, #tpu.memory_space<vmem>>
      %dma_wait3A_253 = arith.constant 0 : i32
      %dma_wait3A_254 = tpu.memref_slice %arg2[%dma_wait3A, %dma_wait3A_253] : memref<2x3200000xi32, #tpu.memory_space<hbm>> -> memref<1x128xi32, #tpu.memory_space<hbm>>
      %dma_wait3A_255 = tpu.memref_squeeze %dma_wait3A_254 : memref<1x128xi32, #tpu.memory_space<hbm>> -> memref<128xi32, #tpu.memory_space<hbm>>
      %dma_wait3A_256 = arith.constant 0 : i32
      %dma_wait3A_257 = tpu.memref_slice %arg6[%dma_wait3A_249, %dma_wait3A_256] : memref<6x128xi32, #tpu.memory_space<vmem>> -> memref<1x128xi32, #tpu.memory_space<vmem>>
      %dma_wait3A_258 = tpu.memref_squeeze %dma_wait3A_257 : memref<1x128xi32, #tpu.memory_space<vmem>> -> memref<128xi32, #tpu.memory_space<vmem>>
      %dma_wait3A_259 = arith.constant 0 : i32
      %dma_wait3A_260 = tpu.memref_slice %arg2[%dma_wait3A, %dma_wait3A_259] : memref<2x3200000xi32, #tpu.memory_space<hbm>> -> memref<1x128xi32, #tpu.memory_space<hbm>>
      %dma_wait3A_261 = tpu.memref_squeeze %dma_wait3A_260 : memref<1x128xi32, #tpu.memory_space<hbm>> -> memref<128xi32, #tpu.memory_space<hbm>>
      tpu.wait_dma2 semaphore(%arg10 : memref<!tpu.dma_semaphore, #tpu.memory_space<semaphore_mem>>) src(%dma_wait3A_261 : memref<128xi32, #tpu.memory_space<hbm>>) dst(%dma_wait3A_258 : memref<128xi32, #tpu.memory_space<vmem>>)
      %dma_wait3A_262 = arith.constant 1 : i32
      %dma_wait3A_263 = arith.constant 1 : i32
      %dma_wait3A_264 = arith.constant 0 : i32
      %dma_wait3A_265 = tpu.memref_slice %arg6[%dma_wait3A_263, %dma_wait3A_264] : memref<6x128xi32, #tpu.memory_space<vmem>> -> memref<1x128xi32, #tpu.memory_space<vmem>>
      %dma_wait3A_266 = tpu.memref_squeeze %dma_wait3A_265 : memref<1x128xi32, #tpu.memory_space<vmem>> -> memref<128xi32, #tpu.memory_space<vmem>>
      %dma_wait3A_267 = arith.constant 0 : i32
      %dma_wait3A_268 = tpu.memref_slice %arg2[%dma_wait3A_262, %dma_wait3A_267] : memref<2x3200000xi32, #tpu.memory_space<hbm>> -> memref<1x128xi32, #tpu.memory_space<hbm>>
      %dma_wait3A_269 = tpu.memref_squeeze %dma_wait3A_268 : memref<1x128xi32, #tpu.memory_space<hbm>> -> memref<128xi32, #tpu.memory_space<hbm>>
      %dma_wait3A_270 = arith.constant 0 : i32
      %dma_wait3A_271 = tpu.memref_slice %arg6[%dma_wait3A_263, %dma_wait3A_270] : memref<6x128xi32, #tpu.memory_space<vmem>> -> memref<1x128xi32, #tpu.memory_space<vmem>>
      %dma_wait3A_272 = tpu.memref_squeeze %dma_wait3A_271 : memref<1x128xi32, #tpu.memory_space<vmem>> -> memref<128xi32, #tpu.memory_space<vmem>>
      %dma_wait3A_273 = arith.constant 0 : i32
      %dma_wait3A_274 = tpu.memref_slice %arg2[%dma_wait3A_262, %dma_wait3A_273] : memref<2x3200000xi32, #tpu.memory_space<hbm>> -> memref<1x128xi32, #tpu.memory_space<hbm>>
      %dma_wait3A_275 = tpu.memref_squeeze %dma_wait3A_274 : memref<1x128xi32, #tpu.memory_space<hbm>> -> memref<128xi32, #tpu.memory_space<hbm>>
      tpu.wait_dma2 semaphore(%arg10 : memref<!tpu.dma_semaphore, #tpu.memory_space<semaphore_mem>>) src(%dma_wait3A_275 : memref<128xi32, #tpu.memory_space<hbm>>) dst(%dma_wait3A_272 : memref<128xi32, #tpu.memory_space<vmem>>)
      %dma_wait3A_276 = arith.constant 1 : i32
      %dma_wait3A_277 = arith.constant 2 : i32
      %dma_wait3A_278 = arith.constant 0 : i32
      %dma_wait3A_279 = tpu.memref_slice %arg6[%dma_wait3A_277, %dma_wait3A_278] : memref<6x128xi32, #tpu.memory_space<vmem>> -> memref<1x128xi32, #tpu.memory_space<vmem>>
      %dma_wait3A_280 = tpu.memref_squeeze %dma_wait3A_279 : memref<1x128xi32, #tpu.memory_space<vmem>> -> memref<128xi32, #tpu.memory_space<vmem>>
      %dma_wait3A_281 = arith.constant 0 : i32
      %dma_wait3A_282 = tpu.memref_slice %arg2[%dma_wait3A_276, %dma_wait3A_281] : memref<2x3200000xi32, #tpu.memory_space<hbm>> -> memref<1x128xi32, #tpu.memory_space<hbm>>
      %dma_wait3A_283 = tpu.memref_squeeze %dma_wait3A_282 : memref<1x128xi32, #tpu.memory_space<hbm>> -> memref<128xi32, #tpu.memory_space<hbm>>
      %dma_wait3A_284 = arith.constant 0 : i32
      %dma_wait3A_285 = tpu.memref_slice %arg6[%dma_wait3A_277, %dma_wait3A_284] : memref<6x128xi32, #tpu.memory_space<vmem>> -> memref<1x128xi32, #tpu.memory_space<vmem>>
      %dma_wait3A_286 = tpu.memref_squeeze %dma_wait3A_285 : memref<1x128xi32, #tpu.memory_space<vmem>> -> memref<128xi32, #tpu.memory_space<vmem>>
      %dma_wait3A_287 = arith.constant 0 : i32
      %dma_wait3A_288 = tpu.memref_slice %arg2[%dma_wait3A_276, %dma_wait3A_287] : memref<2x3200000xi32, #tpu.memory_space<hbm>> -> memref<1x128xi32, #tpu.memory_space<hbm>>
      %dma_wait3A_289 = tpu.memref_squeeze %dma_wait3A_288 : memref<1x128xi32, #tpu.memory_space<hbm>> -> memref<128xi32, #tpu.memory_space<hbm>>
      tpu.wait_dma2 semaphore(%arg10 : memref<!tpu.dma_semaphore, #tpu.memory_space<semaphore_mem>>) src(%dma_wait3A_289 : memref<128xi32, #tpu.memory_space<hbm>>) dst(%dma_wait3A_286 : memref<128xi32, #tpu.memory_space<vmem>>)
      %dma_wait3A_290 = arith.constant 1 : i32
      %dma_wait3A_291 = arith.constant 3 : i32
      %dma_wait3A_292 = arith.constant 0 : i32
      %dma_wait3A_293 = tpu.memref_slice %arg6[%dma_wait3A_291, %dma_wait3A_292] : memref<6x128xi32, #tpu.memory_space<vmem>> -> memref<1x128xi32, #tpu.memory_space<vmem>>
      %dma_wait3A_294 = tpu.memref_squeeze %dma_wait3A_293 : memref<1x128xi32, #tpu.memory_space<vmem>> -> memref<128xi32, #tpu.memory_space<vmem>>
      %dma_wait3A_295 = arith.constant 0 : i32
      %dma_wait3A_296 = tpu.memref_slice %arg2[%dma_wait3A_290, %dma_wait3A_295] : memref<2x3200000xi32, #tpu.memory_space<hbm>> -> memref<1x128xi32, #tpu.memory_space<hbm>>
      %dma_wait3A_297 = tpu.memref_squeeze %dma_wait3A_296 : memref<1x128xi32, #tpu.memory_space<hbm>> -> memref<128xi32, #tpu.memory_space<hbm>>
      %dma_wait3A_298 = arith.constant 0 : i32
      %dma_wait3A_299 = tpu.memref_slice %arg6[%dma_wait3A_291, %dma_wait3A_298] : memref<6x128xi32, #tpu.memory_space<vmem>> -> memref<1x128xi32, #tpu.memory_space<vmem>>
      %dma_wait3A_300 = tpu.memref_squeeze %dma_wait3A_299 : memref<1x128xi32, #tpu.memory_space<vmem>> -> memref<128xi32, #tpu.memory_space<vmem>>
      %dma_wait3A_301 = arith.constant 0 : i32
      %dma_wait3A_302 = tpu.memref_slice %arg2[%dma_wait3A_290, %dma_wait3A_301] : memref<2x3200000xi32, #tpu.memory_space<hbm>> -> memref<1x128xi32, #tpu.memory_space<hbm>>
      %dma_wait3A_303 = tpu.memref_squeeze %dma_wait3A_302 : memref<1x128xi32, #tpu.memory_space<hbm>> -> memref<128xi32, #tpu.memory_space<hbm>>
      tpu.wait_dma2 semaphore(%arg10 : memref<!tpu.dma_semaphore, #tpu.memory_space<semaphore_mem>>) src(%dma_wait3A_303 : memref<128xi32, #tpu.memory_space<hbm>>) dst(%dma_wait3A_300 : memref<128xi32, #tpu.memory_space<vmem>>)
      %dma_wait3A_304 = arith.constant 1 : i32
      %dma_wait3A_305 = arith.constant 4 : i32
      %dma_wait3A_306 = arith.constant 0 : i32
      %dma_wait3A_307 = tpu.memref_slice %arg6[%dma_wait3A_305, %dma_wait3A_306] : memref<6x128xi32, #tpu.memory_space<vmem>> -> memref<1x128xi32, #tpu.memory_space<vmem>>
      %dma_wait3A_308 = tpu.memref_squeeze %dma_wait3A_307 : memref<1x128xi32, #tpu.memory_space<vmem>> -> memref<128xi32, #tpu.memory_space<vmem>>
      %dma_wait3A_309 = arith.constant 0 : i32
      %dma_wait3A_310 = tpu.memref_slice %arg2[%dma_wait3A_304, %dma_wait3A_309] : memref<2x3200000xi32, #tpu.memory_space<hbm>> -> memref<1x128xi32, #tpu.memory_space<hbm>>
      %dma_wait3A_311 = tpu.memref_squeeze %dma_wait3A_310 : memref<1x128xi32, #tpu.memory_space<hbm>> -> memref<128xi32, #tpu.memory_space<hbm>>
      %dma_wait3A_312 = arith.constant 0 : i32
      %dma_wait3A_313 = tpu.memref_slice %arg6[%dma_wait3A_305, %dma_wait3A_312] : memref<6x128xi32, #tpu.memory_space<vmem>> -> memref<1x128xi32, #tpu.memory_space<vmem>>
      %dma_wait3A_314 = tpu.memref_squeeze %dma_wait3A_313 : memref<1x128xi32, #tpu.memory_space<vmem>> -> memref<128xi32, #tpu.memory_space<vmem>>
      %dma_wait3A_315 = arith.constant 0 : i32
      %dma_wait3A_316 = tpu.memref_slice %arg2[%dma_wait3A_304, %dma_wait3A_315] : memref<2x3200000xi32, #tpu.memory_space<hbm>> -> memref<1x128xi32, #tpu.memory_space<hbm>>
      %dma_wait3A_317 = tpu.memref_squeeze %dma_wait3A_316 : memref<1x128xi32, #tpu.memory_space<hbm>> -> memref<128xi32, #tpu.memory_space<hbm>>
      tpu.wait_dma2 semaphore(%arg10 : memref<!tpu.dma_semaphore, #tpu.memory_space<semaphore_mem>>) src(%dma_wait3A_317 : memref<128xi32, #tpu.memory_space<hbm>>) dst(%dma_wait3A_314 : memref<128xi32, #tpu.memory_space<vmem>>)
      %dma_wait3A_318 = arith.constant 1 : i32
      %dma_wait3A_319 = arith.constant 5 : i32
      %dma_wait3A_320 = arith.constant 0 : i32
      %dma_wait3A_321 = tpu.memref_slice %arg6[%dma_wait3A_319, %dma_wait3A_320] : memref<6x128xi32, #tpu.memory_space<vmem>> -> memref<1x128xi32, #tpu.memory_space<vmem>>
      %dma_wait3A_322 = tpu.memref_squeeze %dma_wait3A_321 : memref<1x128xi32, #tpu.memory_space<vmem>> -> memref<128xi32, #tpu.memory_space<vmem>>
      %dma_wait3A_323 = arith.constant 0 : i32
      %dma_wait3A_324 = tpu.memref_slice %arg2[%dma_wait3A_318, %dma_wait3A_323] : memref<2x3200000xi32, #tpu.memory_space<hbm>> -> memref<1x128xi32, #tpu.memory_space<hbm>>
      %dma_wait3A_325 = tpu.memref_squeeze %dma_wait3A_324 : memref<1x128xi32, #tpu.memory_space<hbm>> -> memref<128xi32, #tpu.memory_space<hbm>>
      %dma_wait3A_326 = arith.constant 0 : i32
      %dma_wait3A_327 = tpu.memref_slice %arg6[%dma_wait3A_319, %dma_wait3A_326] : memref<6x128xi32, #tpu.memory_space<vmem>> -> memref<1x128xi32, #tpu.memory_space<vmem>>
      %dma_wait3A_328 = tpu.memref_squeeze %dma_wait3A_327 : memref<1x128xi32, #tpu.memory_space<vmem>> -> memref<128xi32, #tpu.memory_space<vmem>>
      %dma_wait3A_329 = arith.constant 0 : i32
      %dma_wait3A_330 = tpu.memref_slice %arg2[%dma_wait3A_318, %dma_wait3A_329] : memref<2x3200000xi32, #tpu.memory_space<hbm>> -> memref<1x128xi32, #tpu.memory_space<hbm>>
      %dma_wait3A_331 = tpu.memref_squeeze %dma_wait3A_330 : memref<1x128xi32, #tpu.memory_space<hbm>> -> memref<128xi32, #tpu.memory_space<hbm>>
      tpu.wait_dma2 semaphore(%arg10 : memref<!tpu.dma_semaphore, #tpu.memory_space<semaphore_mem>>) src(%dma_wait3A_331 : memref<128xi32, #tpu.memory_space<hbm>>) dst(%dma_wait3A_328 : memref<128xi32, #tpu.memory_space<vmem>>)
      %dma_wait3A_332 = arith.constant 0 : i32
      %dma_wait3A_333 = arith.constant 0 : i32
      %dma_wait3A_334 = tpu.memref_slice %arg3[%dma_wait3A_332, %dma_wait3A_333] : memref<3200000x16xf32, #tpu.memory_space<hbm>> -> memref<768x16xf32, #tpu.memory_space<hbm>>
      %dma_wait3A_335 = arith.constant 0 : i32
      %dma_wait3A_336 = arith.constant 0 : i32
      %dma_wait3A_337 = tpu.memref_slice %arg3[%dma_wait3A_335, %dma_wait3A_336] : memref<3200000x16xf32, #tpu.memory_space<hbm>> -> memref<768x16xf32, #tpu.memory_space<hbm>>
      tpu.wait_dma2 semaphore(%arg10 : memref<!tpu.dma_semaphore, #tpu.memory_space<semaphore_mem>>) src(%dma_wait3A_337 : memref<768x16xf32, #tpu.memory_space<hbm>>) dst(%arg8 : memref<768x16xf32, #tpu.memory_space<vmem>>)
      %run_scoped3A_338 = arith.constant 0 : i32
      %run_scoped3A_339 = arith.constant 0 : i32
      "tpu.region"() ({
        %run_scoped3A_468 = tpu.sem_alloc : memref<!tpu.dma_semaphore, #tpu.memory_space<semaphore_mem>>
        %dma_start3A_469 = arith.constant 0 : i32
        %dma_start3A_470 = tpu.memref_slice %arg8[%run_scoped3A_338, %dma_start3A_469] : memref<768x16xf32, #tpu.memory_space<vmem>> -> memref<128x16xf32, #tpu.memory_space<vmem>>
        %dma_start3A_471 = arith.constant 0 : i32
        %dma_start3A_472 = tpu.memref_slice %arg6[%run_scoped3A_339, %dma_start3A_471] : memref<6x128xi32, #tpu.memory_space<vmem>> -> memref<1x128xi32, #tpu.memory_space<vmem>>
        %dma_start3A_473 = tpu.memref_squeeze %dma_start3A_472 : memref<1x128xi32, #tpu.memory_space<vmem>> -> memref<128xi32, #tpu.memory_space<vmem>>
        %dma_start3A_474 = arith.constant 0 : i32
        %dma_start3A_475 = arith.constant 0 : i32
        %dma_start3A_476 = tpu.memref_slice %arg5[%dma_start3A_474, %dma_start3A_475] : memref<100000x16xf32, #tpu.memory_space<vmem_shared>> -> memref<100000x16xf32, #tpu.memory_space<vmem_shared>>
        tpu.enqueue_indirect_dma source(%dma_start3A_470 : memref<128x16xf32, #tpu.memory_space<vmem>>) target(%dma_start3A_476 : memref<100000x16xf32, #tpu.memory_space<vmem_shared>>) offsets(%dma_start3A_473 : memref<128xi32, #tpu.memory_space<vmem>>) semaphore(%run_scoped3A_468 : memref<!tpu.dma_semaphore, #tpu.memory_space<semaphore_mem>>) {add = true}
        %dma_wait3A_477 = arith.constant 0 : i32
        %dma_wait3A_478 = tpu.memref_slice %arg8[%run_scoped3A_338, %dma_wait3A_477] : memref<768x16xf32, #tpu.memory_space<vmem>> -> memref<128x16xf32, #tpu.memory_space<vmem>>
        %dma_wait3A_479 = arith.constant 0 : i32
        %dma_wait3A_480 = tpu.memref_slice %arg6[%run_scoped3A_339, %dma_wait3A_479] : memref<6x128xi32, #tpu.memory_space<vmem>> -> memref<1x128xi32, #tpu.memory_space<vmem>>
        %dma_wait3A_481 = tpu.memref_squeeze %dma_wait3A_480 : memref<1x128xi32, #tpu.memory_space<vmem>> -> memref<128xi32, #tpu.memory_space<vmem>>
        %dma_wait3A_482 = arith.constant 0 : i32
        %dma_wait3A_483 = arith.constant 0 : i32
        %dma_wait3A_484 = tpu.memref_slice %arg5[%dma_wait3A_482, %dma_wait3A_483] : memref<100000x16xf32, #tpu.memory_space<vmem_shared>> -> memref<100000x16xf32, #tpu.memory_space<vmem_shared>>
        tpu.wait_indirect_dma semaphore(%run_scoped3A_468 : memref<!tpu.dma_semaphore, #tpu.memory_space<semaphore_mem>>) src(%dma_wait3A_478 : memref<128x16xf32, #tpu.memory_space<vmem>>) dst(%dma_wait3A_484 : memref<100000x16xf32, #tpu.memory_space<vmem_shared>>)
        tpu.yield
      }) : () -> ()
      %run_scoped3A_340 = arith.constant 128 : i32
      %run_scoped3A_341 = arith.constant 1 : i32
      "tpu.region"() ({
        %run_scoped3A_468 = tpu.sem_alloc : memref<!tpu.dma_semaphore, #tpu.memory_space<semaphore_mem>>
        %dma_start3A_469 = arith.constant 0 : i32
        %dma_start3A_470 = tpu.memref_slice %arg8[%run_scoped3A_340, %dma_start3A_469] : memref<768x16xf32, #tpu.memory_space<vmem>> -> memref<128x16xf32, #tpu.memory_space<vmem>>
        %dma_start3A_471 = arith.constant 0 : i32
        %dma_start3A_472 = tpu.memref_slice %arg6[%run_scoped3A_341, %dma_start3A_471] : memref<6x128xi32, #tpu.memory_space<vmem>> -> memref<1x128xi32, #tpu.memory_space<vmem>>
        %dma_start3A_473 = tpu.memref_squeeze %dma_start3A_472 : memref<1x128xi32, #tpu.memory_space<vmem>> -> memref<128xi32, #tpu.memory_space<vmem>>
        %dma_start3A_474 = arith.constant 0 : i32
        %dma_start3A_475 = arith.constant 0 : i32
        %dma_start3A_476 = tpu.memref_slice %arg5[%dma_start3A_474, %dma_start3A_475] : memref<100000x16xf32, #tpu.memory_space<vmem_shared>> -> memref<100000x16xf32, #tpu.memory_space<vmem_shared>>
        tpu.enqueue_indirect_dma source(%dma_start3A_470 : memref<128x16xf32, #tpu.memory_space<vmem>>) target(%dma_start3A_476 : memref<100000x16xf32, #tpu.memory_space<vmem_shared>>) offsets(%dma_start3A_473 : memref<128xi32, #tpu.memory_space<vmem>>) semaphore(%run_scoped3A_468 : memref<!tpu.dma_semaphore, #tpu.memory_space<semaphore_mem>>) {add = true}
        %dma_wait3A_477 = arith.constant 0 : i32
        %dma_wait3A_478 = tpu.memref_slice %arg8[%run_scoped3A_340, %dma_wait3A_477] : memref<768x16xf32, #tpu.memory_space<vmem>> -> memref<128x16xf32, #tpu.memory_space<vmem>>
        %dma_wait3A_479 = arith.constant 0 : i32
        %dma_wait3A_480 = tpu.memref_slice %arg6[%run_scoped3A_341, %dma_wait3A_479] : memref<6x128xi32, #tpu.memory_space<vmem>> -> memref<1x128xi32, #tpu.memory_space<vmem>>
        %dma_wait3A_481 = tpu.memref_squeeze %dma_wait3A_480 : memref<1x128xi32, #tpu.memory_space<vmem>> -> memref<128xi32, #tpu.memory_space<vmem>>
        %dma_wait3A_482 = arith.constant 0 : i32
        %dma_wait3A_483 = arith.constant 0 : i32
        %dma_wait3A_484 = tpu.memref_slice %arg5[%dma_wait3A_482, %dma_wait3A_483] : memref<100000x16xf32, #tpu.memory_space<vmem_shared>> -> memref<100000x16xf32, #tpu.memory_space<vmem_shared>>
        tpu.wait_indirect_dma semaphore(%run_scoped3A_468 : memref<!tpu.dma_semaphore, #tpu.memory_space<semaphore_mem>>) src(%dma_wait3A_478 : memref<128x16xf32, #tpu.memory_space<vmem>>) dst(%dma_wait3A_484 : memref<100000x16xf32, #tpu.memory_space<vmem_shared>>)
        tpu.yield
      }) : () -> ()
      %run_scoped3A_342 = arith.constant 256 : i32
      %run_scoped3A_343 = arith.constant 2 : i32
      "tpu.region"() ({
        %run_scoped3A_468 = tpu.sem_alloc : memref<!tpu.dma_semaphore, #tpu.memory_space<semaphore_mem>>
        %dma_start3A_469 = arith.constant 0 : i32
        %dma_start3A_470 = tpu.memref_slice %arg8[%run_scoped3A_342, %dma_start3A_469] : memref<768x16xf32, #tpu.memory_space<vmem>> -> memref<128x16xf32, #tpu.memory_space<vmem>>
        %dma_start3A_471 = arith.constant 0 : i32
        %dma_start3A_472 = tpu.memref_slice %arg6[%run_scoped3A_343, %dma_start3A_471] : memref<6x128xi32, #tpu.memory_space<vmem>> -> memref<1x128xi32, #tpu.memory_space<vmem>>
        %dma_start3A_473 = tpu.memref_squeeze %dma_start3A_472 : memref<1x128xi32, #tpu.memory_space<vmem>> -> memref<128xi32, #tpu.memory_space<vmem>>
        %dma_start3A_474 = arith.constant 0 : i32
        %dma_start3A_475 = arith.constant 0 : i32
        %dma_start3A_476 = tpu.memref_slice %arg5[%dma_start3A_474, %dma_start3A_475] : memref<100000x16xf32, #tpu.memory_space<vmem_shared>> -> memref<100000x16xf32, #tpu.memory_space<vmem_shared>>
        tpu.enqueue_indirect_dma source(%dma_start3A_470 : memref<128x16xf32, #tpu.memory_space<vmem>>) target(%dma_start3A_476 : memref<100000x16xf32, #tpu.memory_space<vmem_shared>>) offsets(%dma_start3A_473 : memref<128xi32, #tpu.memory_space<vmem>>) semaphore(%run_scoped3A_468 : memref<!tpu.dma_semaphore, #tpu.memory_space<semaphore_mem>>) {add = true}
        %dma_wait3A_477 = arith.constant 0 : i32
        %dma_wait3A_478 = tpu.memref_slice %arg8[%run_scoped3A_342, %dma_wait3A_477] : memref<768x16xf32, #tpu.memory_space<vmem>> -> memref<128x16xf32, #tpu.memory_space<vmem>>
        %dma_wait3A_479 = arith.constant 0 : i32
        %dma_wait3A_480 = tpu.memref_slice %arg6[%run_scoped3A_343, %dma_wait3A_479] : memref<6x128xi32, #tpu.memory_space<vmem>> -> memref<1x128xi32, #tpu.memory_space<vmem>>
        %dma_wait3A_481 = tpu.memref_squeeze %dma_wait3A_480 : memref<1x128xi32, #tpu.memory_space<vmem>> -> memref<128xi32, #tpu.memory_space<vmem>>
        %dma_wait3A_482 = arith.constant 0 : i32
        %dma_wait3A_483 = arith.constant 0 : i32
        %dma_wait3A_484 = tpu.memref_slice %arg5[%dma_wait3A_482, %dma_wait3A_483] : memref<100000x16xf32, #tpu.memory_space<vmem_shared>> -> memref<100000x16xf32, #tpu.memory_space<vmem_shared>>
        tpu.wait_indirect_dma semaphore(%run_scoped3A_468 : memref<!tpu.dma_semaphore, #tpu.memory_space<semaphore_mem>>) src(%dma_wait3A_478 : memref<128x16xf32, #tpu.memory_space<vmem>>) dst(%dma_wait3A_484 : memref<100000x16xf32, #tpu.memory_space<vmem_shared>>)
        tpu.yield
      }) : () -> ()
      %run_scoped3A_344 = arith.constant 384 : i32
      %run_scoped3A_345 = arith.constant 3 : i32
      "tpu.region"() ({
        %run_scoped3A_468 = tpu.sem_alloc : memref<!tpu.dma_semaphore, #tpu.memory_space<semaphore_mem>>
        %dma_start3A_469 = arith.constant 0 : i32
        %dma_start3A_470 = tpu.memref_slice %arg8[%run_scoped3A_344, %dma_start3A_469] : memref<768x16xf32, #tpu.memory_space<vmem>> -> memref<128x16xf32, #tpu.memory_space<vmem>>
        %dma_start3A_471 = arith.constant 0 : i32
        %dma_start3A_472 = tpu.memref_slice %arg6[%run_scoped3A_345, %dma_start3A_471] : memref<6x128xi32, #tpu.memory_space<vmem>> -> memref<1x128xi32, #tpu.memory_space<vmem>>
        %dma_start3A_473 = tpu.memref_squeeze %dma_start3A_472 : memref<1x128xi32, #tpu.memory_space<vmem>> -> memref<128xi32, #tpu.memory_space<vmem>>
        %dma_start3A_474 = arith.constant 0 : i32
        %dma_start3A_475 = arith.constant 0 : i32
        %dma_start3A_476 = tpu.memref_slice %arg5[%dma_start3A_474, %dma_start3A_475] : memref<100000x16xf32, #tpu.memory_space<vmem_shared>> -> memref<100000x16xf32, #tpu.memory_space<vmem_shared>>
        tpu.enqueue_indirect_dma source(%dma_start3A_470 : memref<128x16xf32, #tpu.memory_space<vmem>>) target(%dma_start3A_476 : memref<100000x16xf32, #tpu.memory_space<vmem_shared>>) offsets(%dma_start3A_473 : memref<128xi32, #tpu.memory_space<vmem>>) semaphore(%run_scoped3A_468 : memref<!tpu.dma_semaphore, #tpu.memory_space<semaphore_mem>>) {add = true}
        %dma_wait3A_477 = arith.constant 0 : i32
        %dma_wait3A_478 = tpu.memref_slice %arg8[%run_scoped3A_344, %dma_wait3A_477] : memref<768x16xf32, #tpu.memory_space<vmem>> -> memref<128x16xf32, #tpu.memory_space<vmem>>
        %dma_wait3A_479 = arith.constant 0 : i32
        %dma_wait3A_480 = tpu.memref_slice %arg6[%run_scoped3A_345, %dma_wait3A_479] : memref<6x128xi32, #tpu.memory_space<vmem>> -> memref<1x128xi32, #tpu.memory_space<vmem>>
        %dma_wait3A_481 = tpu.memref_squeeze %dma_wait3A_480 : memref<1x128xi32, #tpu.memory_space<vmem>> -> memref<128xi32, #tpu.memory_space<vmem>>
        %dma_wait3A_482 = arith.constant 0 : i32
        %dma_wait3A_483 = arith.constant 0 : i32
        %dma_wait3A_484 = tpu.memref_slice %arg5[%dma_wait3A_482, %dma_wait3A_483] : memref<100000x16xf32, #tpu.memory_space<vmem_shared>> -> memref<100000x16xf32, #tpu.memory_space<vmem_shared>>
        tpu.wait_indirect_dma semaphore(%run_scoped3A_468 : memref<!tpu.dma_semaphore, #tpu.memory_space<semaphore_mem>>) src(%dma_wait3A_478 : memref<128x16xf32, #tpu.memory_space<vmem>>) dst(%dma_wait3A_484 : memref<100000x16xf32, #tpu.memory_space<vmem_shared>>)
        tpu.yield
      }) : () -> ()
      %run_scoped3A_346 = arith.constant 512 : i32
      %run_scoped3A_347 = arith.constant 4 : i32
      "tpu.region"() ({
        %run_scoped3A_468 = tpu.sem_alloc : memref<!tpu.dma_semaphore, #tpu.memory_space<semaphore_mem>>
        %dma_start3A_469 = arith.constant 0 : i32
        %dma_start3A_470 = tpu.memref_slice %arg8[%run_scoped3A_346, %dma_start3A_469] : memref<768x16xf32, #tpu.memory_space<vmem>> -> memref<128x16xf32, #tpu.memory_space<vmem>>
        %dma_start3A_471 = arith.constant 0 : i32
        %dma_start3A_472 = tpu.memref_slice %arg6[%run_scoped3A_347, %dma_start3A_471] : memref<6x128xi32, #tpu.memory_space<vmem>> -> memref<1x128xi32, #tpu.memory_space<vmem>>
        %dma_start3A_473 = tpu.memref_squeeze %dma_start3A_472 : memref<1x128xi32, #tpu.memory_space<vmem>> -> memref<128xi32, #tpu.memory_space<vmem>>
        %dma_start3A_474 = arith.constant 0 : i32
        %dma_start3A_475 = arith.constant 0 : i32
        %dma_start3A_476 = tpu.memref_slice %arg5[%dma_start3A_474, %dma_start3A_475] : memref<100000x16xf32, #tpu.memory_space<vmem_shared>> -> memref<100000x16xf32, #tpu.memory_space<vmem_shared>>
        tpu.enqueue_indirect_dma source(%dma_start3A_470 : memref<128x16xf32, #tpu.memory_space<vmem>>) target(%dma_start3A_476 : memref<100000x16xf32, #tpu.memory_space<vmem_shared>>) offsets(%dma_start3A_473 : memref<128xi32, #tpu.memory_space<vmem>>) semaphore(%run_scoped3A_468 : memref<!tpu.dma_semaphore, #tpu.memory_space<semaphore_mem>>) {add = true}
        %dma_wait3A_477 = arith.constant 0 : i32
        %dma_wait3A_478 = tpu.memref_slice %arg8[%run_scoped3A_346, %dma_wait3A_477] : memref<768x16xf32, #tpu.memory_space<vmem>> -> memref<128x16xf32, #tpu.memory_space<vmem>>
        %dma_wait3A_479 = arith.constant 0 : i32
        %dma_wait3A_480 = tpu.memref_slice %arg6[%run_scoped3A_347, %dma_wait3A_479] : memref<6x128xi32, #tpu.memory_space<vmem>> -> memref<1x128xi32, #tpu.memory_space<vmem>>
        %dma_wait3A_481 = tpu.memref_squeeze %dma_wait3A_480 : memref<1x128xi32, #tpu.memory_space<vmem>> -> memref<128xi32, #tpu.memory_space<vmem>>
        %dma_wait3A_482 = arith.constant 0 : i32
        %dma_wait3A_483 = arith.constant 0 : i32
        %dma_wait3A_484 = tpu.memref_slice %arg5[%dma_wait3A_482, %dma_wait3A_483] : memref<100000x16xf32, #tpu.memory_space<vmem_shared>> -> memref<100000x16xf32, #tpu.memory_space<vmem_shared>>
        tpu.wait_indirect_dma semaphore(%run_scoped3A_468 : memref<!tpu.dma_semaphore, #tpu.memory_space<semaphore_mem>>) src(%dma_wait3A_478 : memref<128x16xf32, #tpu.memory_space<vmem>>) dst(%dma_wait3A_484 : memref<100000x16xf32, #tpu.memory_space<vmem_shared>>)
        tpu.yield
      }) : () -> ()
      %run_scoped3A_348 = arith.constant 640 : i32
      %run_scoped3A_349 = arith.constant 5 : i32
      "tpu.region"() ({
        %run_scoped3A_468 = tpu.sem_alloc : memref<!tpu.dma_semaphore, #tpu.memory_space<semaphore_mem>>
        %dma_start3A_469 = arith.constant 0 : i32
        %dma_start3A_470 = tpu.memref_slice %arg8[%run_scoped3A_348, %dma_start3A_469] : memref<768x16xf32, #tpu.memory_space<vmem>> -> memref<128x16xf32, #tpu.memory_space<vmem>>
        %dma_start3A_471 = arith.constant 0 : i32
        %dma_start3A_472 = tpu.memref_slice %arg6[%run_scoped3A_349, %dma_start3A_471] : memref<6x128xi32, #tpu.memory_space<vmem>> -> memref<1x128xi32, #tpu.memory_space<vmem>>
        %dma_start3A_473 = tpu.memref_squeeze %dma_start3A_472 : memref<1x128xi32, #tpu.memory_space<vmem>> -> memref<128xi32, #tpu.memory_space<vmem>>
        %dma_start3A_474 = arith.constant 0 : i32
        %dma_start3A_475 = arith.constant 0 : i32
        %dma_start3A_476 = tpu.memref_slice %arg5[%dma_start3A_474, %dma_start3A_475] : memref<100000x16xf32, #tpu.memory_space<vmem_shared>> -> memref<100000x16xf32, #tpu.memory_space<vmem_shared>>
        tpu.enqueue_indirect_dma source(%dma_start3A_470 : memref<128x16xf32, #tpu.memory_space<vmem>>) target(%dma_start3A_476 : memref<100000x16xf32, #tpu.memory_space<vmem_shared>>) offsets(%dma_start3A_473 : memref<128xi32, #tpu.memory_space<vmem>>) semaphore(%run_scoped3A_468 : memref<!tpu.dma_semaphore, #tpu.memory_space<semaphore_mem>>) {add = true}
        %dma_wait3A_477 = arith.constant 0 : i32
        %dma_wait3A_478 = tpu.memref_slice %arg8[%run_scoped3A_348, %dma_wait3A_477] : memref<768x16xf32, #tpu.memory_space<vmem>> -> memref<128x16xf32, #tpu.memory_space<vmem>>
        %dma_wait3A_479 = arith.constant 0 : i32
        %dma_wait3A_480 = tpu.memref_slice %arg6[%run_scoped3A_349, %dma_wait3A_479] : memref<6x128xi32, #tpu.memory_space<vmem>> -> memref<1x128xi32, #tpu.memory_space<vmem>>
        %dma_wait3A_481 = tpu.memref_squeeze %dma_wait3A_480 : memref<1x128xi32, #tpu.memory_space<vmem>> -> memref<128xi32, #tpu.memory_space<vmem>>
        %dma_wait3A_482 = arith.constant 0 : i32
        %dma_wait3A_483 = arith.constant 0 : i32
        %dma_wait3A_484 = tpu.memref_slice %arg5[%dma_wait3A_482, %dma_wait3A_483] : memref<100000x16xf32, #tpu.memory_space<vmem_shared>> -> memref<100000x16xf32, #tpu.memory_space<vmem_shared>>
        tpu.wait_indirect_dma semaphore(%run_scoped3A_468 : memref<!tpu.dma_semaphore, #tpu.memory_space<semaphore_mem>>) src(%dma_wait3A_478 : memref<128x16xf32, #tpu.memory_space<vmem>>) dst(%dma_wait3A_484 : memref<100000x16xf32, #tpu.memory_space<vmem_shared>>)
        tpu.yield
      }) : () -> ()
      %add3A_350 = arith.constant 2 : i32
      %add3A_351 = arith.addi %add3A_248, %add3A_350 : i32
      %lt3A_352 = arith.constant 130 : i32
      %lt3A_353 = arith.cmpi slt, %add3A_351, %lt3A_352 : i32
      %convert_element_type3A = arith.extui %lt3A_353 : i1 to i32
      %cond3A = arith.constant 0 : i32
      %cond3A_354 = arith.cmpi ne, %convert_element_type3A, %cond3A : i32
      scf.if %cond3A_354 {
        %add3A_468 = arith.constant 2 : i32
        %add3A_469 = arith.addi %add3A_248, %add3A_468 : i32
        %mul3A_470 = arith.constant 6 : i32
        %mul3A_471 = arith.muli %add3A_469, %mul3A_470 : i32
        %add3A_472 = arith.addi %add3A_30, %mul3A_471 : i32
        %mul3A_473 = arith.constant 128 : i32
        %mul3A_474 = arith.muli %add3A_472, %mul3A_473 : i32
        %add3A_475 = arith.constant 0 : i32
        %add3A_476 = arith.addi %mul3A_474, %add3A_475 : i32
        %dma_start3A_477 = arith.constant 1 : i32
        %dma_start3A_478 = arith.constant 0 : i32
        %dma_start3A_479 = arith.constant 0 : i32
        %dma_start3A_480 = tpu.memref_slice %arg6[%dma_start3A_478, %dma_start3A_479] : memref<6x128xi32, #tpu.memory_space<vmem>> -> memref<1x128xi32, #tpu.memory_space<vmem>>
        %dma_start3A_481 = tpu.memref_squeeze %dma_start3A_480 : memref<1x128xi32, #tpu.memory_space<vmem>> -> memref<128xi32, #tpu.memory_space<vmem>>
        %dma_start3A_482 = tpu.memref_slice %arg2[%dma_start3A_477, %add3A_476] : memref<2x3200000xi32, #tpu.memory_space<hbm>> -> memref<1x128xi32, #tpu.memory_space<hbm>>
        %dma_start3A_483 = tpu.memref_squeeze %dma_start3A_482 : memref<1x128xi32, #tpu.memory_space<hbm>> -> memref<128xi32, #tpu.memory_space<hbm>>
        %dma_start3A_484 = arith.constant 0 : i32
        %dma_start3A_485 = tpu.memref_slice %arg6[%dma_start3A_478, %dma_start3A_484] : memref<6x128xi32, #tpu.memory_space<vmem>> -> memref<1x128xi32, #tpu.memory_space<vmem>>
        %dma_start3A_486 = tpu.memref_squeeze %dma_start3A_485 : memref<1x128xi32, #tpu.memory_space<vmem>> -> memref<128xi32, #tpu.memory_space<vmem>>
        %dma_start3A_487 = tpu.memref_slice %arg2[%dma_start3A_477, %add3A_476] : memref<2x3200000xi32, #tpu.memory_space<hbm>> -> memref<1x128xi32, #tpu.memory_space<hbm>>
        %dma_start3A_488 = tpu.memref_squeeze %dma_start3A_487 : memref<1x128xi32, #tpu.memory_space<hbm>> -> memref<128xi32, #tpu.memory_space<hbm>>
        tpu.enqueue_dma source(%dma_start3A_488 : memref<128xi32, #tpu.memory_space<hbm>>) target(%dma_start3A_486 : memref<128xi32, #tpu.memory_space<vmem>>) target_semaphore(%arg10 : memref<!tpu.dma_semaphore, #tpu.memory_space<semaphore_mem>>)
        %add3A_489 = arith.constant 128 : i32
        %add3A_490 = arith.addi %mul3A_474, %add3A_489 : i32
        %dma_start3A_491 = arith.constant 1 : i32
        %dma_start3A_492 = arith.constant 1 : i32
        %dma_start3A_493 = arith.constant 0 : i32
        %dma_start3A_494 = tpu.memref_slice %arg6[%dma_start3A_492, %dma_start3A_493] : memref<6x128xi32, #tpu.memory_space<vmem>> -> memref<1x128xi32, #tpu.memory_space<vmem>>
        %dma_start3A_495 = tpu.memref_squeeze %dma_start3A_494 : memref<1x128xi32, #tpu.memory_space<vmem>> -> memref<128xi32, #tpu.memory_space<vmem>>
        %dma_start3A_496 = tpu.memref_slice %arg2[%dma_start3A_491, %add3A_490] : memref<2x3200000xi32, #tpu.memory_space<hbm>> -> memref<1x128xi32, #tpu.memory_space<hbm>>
        %dma_start3A_497 = tpu.memref_squeeze %dma_start3A_496 : memref<1x128xi32, #tpu.memory_space<hbm>> -> memref<128xi32, #tpu.memory_space<hbm>>
        %dma_start3A_498 = arith.constant 0 : i32
        %dma_start3A_499 = tpu.memref_slice %arg6[%dma_start3A_492, %dma_start3A_498] : memref<6x128xi32, #tpu.memory_space<vmem>> -> memref<1x128xi32, #tpu.memory_space<vmem>>
        %dma_start3A_500 = tpu.memref_squeeze %dma_start3A_499 : memref<1x128xi32, #tpu.memory_space<vmem>> -> memref<128xi32, #tpu.memory_space<vmem>>
        %dma_start3A_501 = tpu.memref_slice %arg2[%dma_start3A_491, %add3A_490] : memref<2x3200000xi32, #tpu.memory_space<hbm>> -> memref<1x128xi32, #tpu.memory_space<hbm>>
        %dma_start3A_502 = tpu.memref_squeeze %dma_start3A_501 : memref<1x128xi32, #tpu.memory_space<hbm>> -> memref<128xi32, #tpu.memory_space<hbm>>
        tpu.enqueue_dma source(%dma_start3A_502 : memref<128xi32, #tpu.memory_space<hbm>>) target(%dma_start3A_500 : memref<128xi32, #tpu.memory_space<vmem>>) target_semaphore(%arg10 : memref<!tpu.dma_semaphore, #tpu.memory_space<semaphore_mem>>)
        %add3A_503 = arith.constant 256 : i32
        %add3A_504 = arith.addi %mul3A_474, %add3A_503 : i32
        %dma_start3A_505 = arith.constant 1 : i32
        %dma_start3A_506 = arith.constant 2 : i32
        %dma_start3A_507 = arith.constant 0 : i32
        %dma_start3A_508 = tpu.memref_slice %arg6[%dma_start3A_506, %dma_start3A_507] : memref<6x128xi32, #tpu.memory_space<vmem>> -> memref<1x128xi32, #tpu.memory_space<vmem>>
        %dma_start3A_509 = tpu.memref_squeeze %dma_start3A_508 : memref<1x128xi32, #tpu.memory_space<vmem>> -> memref<128xi32, #tpu.memory_space<vmem>>
        %dma_start3A_510 = tpu.memref_slice %arg2[%dma_start3A_505, %add3A_504] : memref<2x3200000xi32, #tpu.memory_space<hbm>> -> memref<1x128xi32, #tpu.memory_space<hbm>>
        %dma_start3A_511 = tpu.memref_squeeze %dma_start3A_510 : memref<1x128xi32, #tpu.memory_space<hbm>> -> memref<128xi32, #tpu.memory_space<hbm>>
        %dma_start3A_512 = arith.constant 0 : i32
        %dma_start3A_513 = tpu.memref_slice %arg6[%dma_start3A_506, %dma_start3A_512] : memref<6x128xi32, #tpu.memory_space<vmem>> -> memref<1x128xi32, #tpu.memory_space<vmem>>
        %dma_start3A_514 = tpu.memref_squeeze %dma_start3A_513 : memref<1x128xi32, #tpu.memory_space<vmem>> -> memref<128xi32, #tpu.memory_space<vmem>>
        %dma_start3A_515 = tpu.memref_slice %arg2[%dma_start3A_505, %add3A_504] : memref<2x3200000xi32, #tpu.memory_space<hbm>> -> memref<1x128xi32, #tpu.memory_space<hbm>>
        %dma_start3A_516 = tpu.memref_squeeze %dma_start3A_515 : memref<1x128xi32, #tpu.memory_space<hbm>> -> memref<128xi32, #tpu.memory_space<hbm>>
        tpu.enqueue_dma source(%dma_start3A_516 : memref<128xi32, #tpu.memory_space<hbm>>) target(%dma_start3A_514 : memref<128xi32, #tpu.memory_space<vmem>>) target_semaphore(%arg10 : memref<!tpu.dma_semaphore, #tpu.memory_space<semaphore_mem>>)
        %add3A_517 = arith.constant 384 : i32
        %add3A_518 = arith.addi %mul3A_474, %add3A_517 : i32
        %dma_start3A_519 = arith.constant 1 : i32
        %dma_start3A_520 = arith.constant 3 : i32
        %dma_start3A_521 = arith.constant 0 : i32
        %dma_start3A_522 = tpu.memref_slice %arg6[%dma_start3A_520, %dma_start3A_521] : memref<6x128xi32, #tpu.memory_space<vmem>> -> memref<1x128xi32, #tpu.memory_space<vmem>>
        %dma_start3A_523 = tpu.memref_squeeze %dma_start3A_522 : memref<1x128xi32, #tpu.memory_space<vmem>> -> memref<128xi32, #tpu.memory_space<vmem>>
        %dma_start3A_524 = tpu.memref_slice %arg2[%dma_start3A_519, %add3A_518] : memref<2x3200000xi32, #tpu.memory_space<hbm>> -> memref<1x128xi32, #tpu.memory_space<hbm>>
        %dma_start3A_525 = tpu.memref_squeeze %dma_start3A_524 : memref<1x128xi32, #tpu.memory_space<hbm>> -> memref<128xi32, #tpu.memory_space<hbm>>
        %dma_start3A_526 = arith.constant 0 : i32
        %dma_start3A_527 = tpu.memref_slice %arg6[%dma_start3A_520, %dma_start3A_526] : memref<6x128xi32, #tpu.memory_space<vmem>> -> memref<1x128xi32, #tpu.memory_space<vmem>>
        %dma_start3A_528 = tpu.memref_squeeze %dma_start3A_527 : memref<1x128xi32, #tpu.memory_space<vmem>> -> memref<128xi32, #tpu.memory_space<vmem>>
        %dma_start3A_529 = tpu.memref_slice %arg2[%dma_start3A_519, %add3A_518] : memref<2x3200000xi32, #tpu.memory_space<hbm>> -> memref<1x128xi32, #tpu.memory_space<hbm>>
        %dma_start3A_530 = tpu.memref_squeeze %dma_start3A_529 : memref<1x128xi32, #tpu.memory_space<hbm>> -> memref<128xi32, #tpu.memory_space<hbm>>
        tpu.enqueue_dma source(%dma_start3A_530 : memref<128xi32, #tpu.memory_space<hbm>>) target(%dma_start3A_528 : memref<128xi32, #tpu.memory_space<vmem>>) target_semaphore(%arg10 : memref<!tpu.dma_semaphore, #tpu.memory_space<semaphore_mem>>)
        %add3A_531 = arith.constant 512 : i32
        %add3A_532 = arith.addi %mul3A_474, %add3A_531 : i32
        %dma_start3A_533 = arith.constant 1 : i32
        %dma_start3A_534 = arith.constant 4 : i32
        %dma_start3A_535 = arith.constant 0 : i32
        %dma_start3A_536 = tpu.memref_slice %arg6[%dma_start3A_534, %dma_start3A_535] : memref<6x128xi32, #tpu.memory_space<vmem>> -> memref<1x128xi32, #tpu.memory_space<vmem>>
        %dma_start3A_537 = tpu.memref_squeeze %dma_start3A_536 : memref<1x128xi32, #tpu.memory_space<vmem>> -> memref<128xi32, #tpu.memory_space<vmem>>
        %dma_start3A_538 = tpu.memref_slice %arg2[%dma_start3A_533, %add3A_532] : memref<2x3200000xi32, #tpu.memory_space<hbm>> -> memref<1x128xi32, #tpu.memory_space<hbm>>
        %dma_start3A_539 = tpu.memref_squeeze %dma_start3A_538 : memref<1x128xi32, #tpu.memory_space<hbm>> -> memref<128xi32, #tpu.memory_space<hbm>>
        %dma_start3A_540 = arith.constant 0 : i32
        %dma_start3A_541 = tpu.memref_slice %arg6[%dma_start3A_534, %dma_start3A_540] : memref<6x128xi32, #tpu.memory_space<vmem>> -> memref<1x128xi32, #tpu.memory_space<vmem>>
        %dma_start3A_542 = tpu.memref_squeeze %dma_start3A_541 : memref<1x128xi32, #tpu.memory_space<vmem>> -> memref<128xi32, #tpu.memory_space<vmem>>
        %dma_start3A_543 = tpu.memref_slice %arg2[%dma_start3A_533, %add3A_532] : memref<2x3200000xi32, #tpu.memory_space<hbm>> -> memref<1x128xi32, #tpu.memory_space<hbm>>
        %dma_start3A_544 = tpu.memref_squeeze %dma_start3A_543 : memref<1x128xi32, #tpu.memory_space<hbm>> -> memref<128xi32, #tpu.memory_space<hbm>>
        tpu.enqueue_dma source(%dma_start3A_544 : memref<128xi32, #tpu.memory_space<hbm>>) target(%dma_start3A_542 : memref<128xi32, #tpu.memory_space<vmem>>) target_semaphore(%arg10 : memref<!tpu.dma_semaphore, #tpu.memory_space<semaphore_mem>>)
        %add3A_545 = arith.constant 640 : i32
        %add3A_546 = arith.addi %mul3A_474, %add3A_545 : i32
        %dma_start3A_547 = arith.constant 1 : i32
        %dma_start3A_548 = arith.constant 5 : i32
        %dma_start3A_549 = arith.constant 0 : i32
        %dma_start3A_550 = tpu.memref_slice %arg6[%dma_start3A_548, %dma_start3A_549] : memref<6x128xi32, #tpu.memory_space<vmem>> -> memref<1x128xi32, #tpu.memory_space<vmem>>
        %dma_start3A_551 = tpu.memref_squeeze %dma_start3A_550 : memref<1x128xi32, #tpu.memory_space<vmem>> -> memref<128xi32, #tpu.memory_space<vmem>>
        %dma_start3A_552 = tpu.memref_slice %arg2[%dma_start3A_547, %add3A_546] : memref<2x3200000xi32, #tpu.memory_space<hbm>> -> memref<1x128xi32, #tpu.memory_space<hbm>>
        %dma_start3A_553 = tpu.memref_squeeze %dma_start3A_552 : memref<1x128xi32, #tpu.memory_space<hbm>> -> memref<128xi32, #tpu.memory_space<hbm>>
        %dma_start3A_554 = arith.constant 0 : i32
        %dma_start3A_555 = tpu.memref_slice %arg6[%dma_start3A_548, %dma_start3A_554] : memref<6x128xi32, #tpu.memory_space<vmem>> -> memref<1x128xi32, #tpu.memory_space<vmem>>
        %dma_start3A_556 = tpu.memref_squeeze %dma_start3A_555 : memref<1x128xi32, #tpu.memory_space<vmem>> -> memref<128xi32, #tpu.memory_space<vmem>>
        %dma_start3A_557 = tpu.memref_slice %arg2[%dma_start3A_547, %add3A_546] : memref<2x3200000xi32, #tpu.memory_space<hbm>> -> memref<1x128xi32, #tpu.memory_space<hbm>>
        %dma_start3A_558 = tpu.memref_squeeze %dma_start3A_557 : memref<1x128xi32, #tpu.memory_space<hbm>> -> memref<128xi32, #tpu.memory_space<hbm>>
        tpu.enqueue_dma source(%dma_start3A_558 : memref<128xi32, #tpu.memory_space<hbm>>) target(%dma_start3A_556 : memref<128xi32, #tpu.memory_space<vmem>>) target_semaphore(%arg10 : memref<!tpu.dma_semaphore, #tpu.memory_space<semaphore_mem>>)
        %dma_start3A_559 = arith.constant 0 : i32
        %dma_start3A_560 = tpu.memref_slice %arg3[%mul3A_474, %dma_start3A_559] : memref<3200000x16xf32, #tpu.memory_space<hbm>> -> memref<768x16xf32, #tpu.memory_space<hbm>>
        %dma_start3A_561 = arith.constant 0 : i32
        %dma_start3A_562 = tpu.memref_slice %arg3[%mul3A_474, %dma_start3A_561] : memref<3200000x16xf32, #tpu.memory_space<hbm>> -> memref<768x16xf32, #tpu.memory_space<hbm>>
        tpu.enqueue_dma source(%dma_start3A_562 : memref<768x16xf32, #tpu.memory_space<hbm>>) target(%arg8 : memref<768x16xf32, #tpu.memory_space<vmem>>) target_semaphore(%arg10 : memref<!tpu.dma_semaphore, #tpu.memory_space<semaphore_mem>>)
      } else {
      }
      %mul3A_355 = arith.constant 2 : i32
      %mul3A_356 = arith.muli %while3A_244, %mul3A_355 : i32
      %add3A_357 = arith.constant 1 : i32
      %add3A_358 = arith.addi %mul3A_356, %add3A_357 : i32
      %dma_wait3A_359 = arith.constant 1 : i32
      %dma_wait3A_360 = arith.constant 0 : i32
      %dma_wait3A_361 = arith.constant 0 : i32
      %dma_wait3A_362 = tpu.memref_slice %arg7[%dma_wait3A_360, %dma_wait3A_361] : memref<6x128xi32, #tpu.memory_space<vmem>> -> memref<1x128xi32, #tpu.memory_space<vmem>>
      %dma_wait3A_363 = tpu.memref_squeeze %dma_wait3A_362 : memref<1x128xi32, #tpu.memory_space<vmem>> -> memref<128xi32, #tpu.memory_space<vmem>>
      %dma_wait3A_364 = arith.constant 0 : i32
      %dma_wait3A_365 = tpu.memref_slice %arg2[%dma_wait3A_359, %dma_wait3A_364] : memref<2x3200000xi32, #tpu.memory_space<hbm>> -> memref<1x128xi32, #tpu.memory_space<hbm>>
      %dma_wait3A_366 = tpu.memref_squeeze %dma_wait3A_365 : memref<1x128xi32, #tpu.memory_space<hbm>> -> memref<128xi32, #tpu.memory_space<hbm>>
      %dma_wait3A_367 = arith.constant 0 : i32
      %dma_wait3A_368 = tpu.memref_slice %arg7[%dma_wait3A_360, %dma_wait3A_367] : memref<6x128xi32, #tpu.memory_space<vmem>> -> memref<1x128xi32, #tpu.memory_space<vmem>>
      %dma_wait3A_369 = tpu.memref_squeeze %dma_wait3A_368 : memref<1x128xi32, #tpu.memory_space<vmem>> -> memref<128xi32, #tpu.memory_space<vmem>>
      %dma_wait3A_370 = arith.constant 0 : i32
      %dma_wait3A_371 = tpu.memref_slice %arg2[%dma_wait3A_359, %dma_wait3A_370] : memref<2x3200000xi32, #tpu.memory_space<hbm>> -> memref<1x128xi32, #tpu.memory_space<hbm>>
      %dma_wait3A_372 = tpu.memref_squeeze %dma_wait3A_371 : memref<1x128xi32, #tpu.memory_space<hbm>> -> memref<128xi32, #tpu.memory_space<hbm>>
      tpu.wait_dma2 semaphore(%arg11 : memref<!tpu.dma_semaphore, #tpu.memory_space<semaphore_mem>>) src(%dma_wait3A_372 : memref<128xi32, #tpu.memory_space<hbm>>) dst(%dma_wait3A_369 : memref<128xi32, #tpu.memory_space<vmem>>)
      %dma_wait3A_373 = arith.constant 1 : i32
      %dma_wait3A_374 = arith.constant 1 : i32
      %dma_wait3A_375 = arith.constant 0 : i32
      %dma_wait3A_376 = tpu.memref_slice %arg7[%dma_wait3A_374, %dma_wait3A_375] : memref<6x128xi32, #tpu.memory_space<vmem>> -> memref<1x128xi32, #tpu.memory_space<vmem>>
      %dma_wait3A_377 = tpu.memref_squeeze %dma_wait3A_376 : memref<1x128xi32, #tpu.memory_space<vmem>> -> memref<128xi32, #tpu.memory_space<vmem>>
      %dma_wait3A_378 = arith.constant 0 : i32
      %dma_wait3A_379 = tpu.memref_slice %arg2[%dma_wait3A_373, %dma_wait3A_378] : memref<2x3200000xi32, #tpu.memory_space<hbm>> -> memref<1x128xi32, #tpu.memory_space<hbm>>
      %dma_wait3A_380 = tpu.memref_squeeze %dma_wait3A_379 : memref<1x128xi32, #tpu.memory_space<hbm>> -> memref<128xi32, #tpu.memory_space<hbm>>
      %dma_wait3A_381 = arith.constant 0 : i32
      %dma_wait3A_382 = tpu.memref_slice %arg7[%dma_wait3A_374, %dma_wait3A_381] : memref<6x128xi32, #tpu.memory_space<vmem>> -> memref<1x128xi32, #tpu.memory_space<vmem>>
      %dma_wait3A_383 = tpu.memref_squeeze %dma_wait3A_382 : memref<1x128xi32, #tpu.memory_space<vmem>> -> memref<128xi32, #tpu.memory_space<vmem>>
      %dma_wait3A_384 = arith.constant 0 : i32
      %dma_wait3A_385 = tpu.memref_slice %arg2[%dma_wait3A_373, %dma_wait3A_384] : memref<2x3200000xi32, #tpu.memory_space<hbm>> -> memref<1x128xi32, #tpu.memory_space<hbm>>
      %dma_wait3A_386 = tpu.memref_squeeze %dma_wait3A_385 : memref<1x128xi32, #tpu.memory_space<hbm>> -> memref<128xi32, #tpu.memory_space<hbm>>
      tpu.wait_dma2 semaphore(%arg11 : memref<!tpu.dma_semaphore, #tpu.memory_space<semaphore_mem>>) src(%dma_wait3A_386 : memref<128xi32, #tpu.memory_space<hbm>>) dst(%dma_wait3A_383 : memref<128xi32, #tpu.memory_space<vmem>>)
      %dma_wait3A_387 = arith.constant 1 : i32
      %dma_wait3A_388 = arith.constant 2 : i32
      %dma_wait3A_389 = arith.constant 0 : i32
      %dma_wait3A_390 = tpu.memref_slice %arg7[%dma_wait3A_388, %dma_wait3A_389] : memref<6x128xi32, #tpu.memory_space<vmem>> -> memref<1x128xi32, #tpu.memory_space<vmem>>
      %dma_wait3A_391 = tpu.memref_squeeze %dma_wait3A_390 : memref<1x128xi32, #tpu.memory_space<vmem>> -> memref<128xi32, #tpu.memory_space<vmem>>
      %dma_wait3A_392 = arith.constant 0 : i32
      %dma_wait3A_393 = tpu.memref_slice %arg2[%dma_wait3A_387, %dma_wait3A_392] : memref<2x3200000xi32, #tpu.memory_space<hbm>> -> memref<1x128xi32, #tpu.memory_space<hbm>>
      %dma_wait3A_394 = tpu.memref_squeeze %dma_wait3A_393 : memref<1x128xi32, #tpu.memory_space<hbm>> -> memref<128xi32, #tpu.memory_space<hbm>>
      %dma_wait3A_395 = arith.constant 0 : i32
      %dma_wait3A_396 = tpu.memref_slice %arg7[%dma_wait3A_388, %dma_wait3A_395] : memref<6x128xi32, #tpu.memory_space<vmem>> -> memref<1x128xi32, #tpu.memory_space<vmem>>
      %dma_wait3A_397 = tpu.memref_squeeze %dma_wait3A_396 : memref<1x128xi32, #tpu.memory_space<vmem>> -> memref<128xi32, #tpu.memory_space<vmem>>
      %dma_wait3A_398 = arith.constant 0 : i32
      %dma_wait3A_399 = tpu.memref_slice %arg2[%dma_wait3A_387, %dma_wait3A_398] : memref<2x3200000xi32, #tpu.memory_space<hbm>> -> memref<1x128xi32, #tpu.memory_space<hbm>>
      %dma_wait3A_400 = tpu.memref_squeeze %dma_wait3A_399 : memref<1x128xi32, #tpu.memory_space<hbm>> -> memref<128xi32, #tpu.memory_space<hbm>>
      tpu.wait_dma2 semaphore(%arg11 : memref<!tpu.dma_semaphore, #tpu.memory_space<semaphore_mem>>) src(%dma_wait3A_400 : memref<128xi32, #tpu.memory_space<hbm>>) dst(%dma_wait3A_397 : memref<128xi32, #tpu.memory_space<vmem>>)
      %dma_wait3A_401 = arith.constant 1 : i32
      %dma_wait3A_402 = arith.constant 3 : i32
      %dma_wait3A_403 = arith.constant 0 : i32
      %dma_wait3A_404 = tpu.memref_slice %arg7[%dma_wait3A_402, %dma_wait3A_403] : memref<6x128xi32, #tpu.memory_space<vmem>> -> memref<1x128xi32, #tpu.memory_space<vmem>>
      %dma_wait3A_405 = tpu.memref_squeeze %dma_wait3A_404 : memref<1x128xi32, #tpu.memory_space<vmem>> -> memref<128xi32, #tpu.memory_space<vmem>>
      %dma_wait3A_406 = arith.constant 0 : i32
      %dma_wait3A_407 = tpu.memref_slice %arg2[%dma_wait3A_401, %dma_wait3A_406] : memref<2x3200000xi32, #tpu.memory_space<hbm>> -> memref<1x128xi32, #tpu.memory_space<hbm>>
      %dma_wait3A_408 = tpu.memref_squeeze %dma_wait3A_407 : memref<1x128xi32, #tpu.memory_space<hbm>> -> memref<128xi32, #tpu.memory_space<hbm>>
      %dma_wait3A_409 = arith.constant 0 : i32
      %dma_wait3A_410 = tpu.memref_slice %arg7[%dma_wait3A_402, %dma_wait3A_409] : memref<6x128xi32, #tpu.memory_space<vmem>> -> memref<1x128xi32, #tpu.memory_space<vmem>>
      %dma_wait3A_411 = tpu.memref_squeeze %dma_wait3A_410 : memref<1x128xi32, #tpu.memory_space<vmem>> -> memref<128xi32, #tpu.memory_space<vmem>>
      %dma_wait3A_412 = arith.constant 0 : i32
      %dma_wait3A_413 = tpu.memref_slice %arg2[%dma_wait3A_401, %dma_wait3A_412] : memref<2x3200000xi32, #tpu.memory_space<hbm>> -> memref<1x128xi32, #tpu.memory_space<hbm>>
      %dma_wait3A_414 = tpu.memref_squeeze %dma_wait3A_413 : memref<1x128xi32, #tpu.memory_space<hbm>> -> memref<128xi32, #tpu.memory_space<hbm>>
      tpu.wait_dma2 semaphore(%arg11 : memref<!tpu.dma_semaphore, #tpu.memory_space<semaphore_mem>>) src(%dma_wait3A_414 : memref<128xi32, #tpu.memory_space<hbm>>) dst(%dma_wait3A_411 : memref<128xi32, #tpu.memory_space<vmem>>)
      %dma_wait3A_415 = arith.constant 1 : i32
      %dma_wait3A_416 = arith.constant 4 : i32
      %dma_wait3A_417 = arith.constant 0 : i32
      %dma_wait3A_418 = tpu.memref_slice %arg7[%dma_wait3A_416, %dma_wait3A_417] : memref<6x128xi32, #tpu.memory_space<vmem>> -> memref<1x128xi32, #tpu.memory_space<vmem>>
      %dma_wait3A_419 = tpu.memref_squeeze %dma_wait3A_418 : memref<1x128xi32, #tpu.memory_space<vmem>> -> memref<128xi32, #tpu.memory_space<vmem>>
      %dma_wait3A_420 = arith.constant 0 : i32
      %dma_wait3A_421 = tpu.memref_slice %arg2[%dma_wait3A_415, %dma_wait3A_420] : memref<2x3200000xi32, #tpu.memory_space<hbm>> -> memref<1x128xi32, #tpu.memory_space<hbm>>
      %dma_wait3A_422 = tpu.memref_squeeze %dma_wait3A_421 : memref<1x128xi32, #tpu.memory_space<hbm>> -> memref<128xi32, #tpu.memory_space<hbm>>
      %dma_wait3A_423 = arith.constant 0 : i32
      %dma_wait3A_424 = tpu.memref_slice %arg7[%dma_wait3A_416, %dma_wait3A_423] : memref<6x128xi32, #tpu.memory_space<vmem>> -> memref<1x128xi32, #tpu.memory_space<vmem>>
      %dma_wait3A_425 = tpu.memref_squeeze %dma_wait3A_424 : memref<1x128xi32, #tpu.memory_space<vmem>> -> memref<128xi32, #tpu.memory_space<vmem>>
      %dma_wait3A_426 = arith.constant 0 : i32
      %dma_wait3A_427 = tpu.memref_slice %arg2[%dma_wait3A_415, %dma_wait3A_426] : memref<2x3200000xi32, #tpu.memory_space<hbm>> -> memref<1x128xi32, #tpu.memory_space<hbm>>
      %dma_wait3A_428 = tpu.memref_squeeze %dma_wait3A_427 : memref<1x128xi32, #tpu.memory_space<hbm>> -> memref<128xi32, #tpu.memory_space<hbm>>
      tpu.wait_dma2 semaphore(%arg11 : memref<!tpu.dma_semaphore, #tpu.memory_space<semaphore_mem>>) src(%dma_wait3A_428 : memref<128xi32, #tpu.memory_space<hbm>>) dst(%dma_wait3A_425 : memref<128xi32, #tpu.memory_space<vmem>>)
      %dma_wait3A_429 = arith.constant 1 : i32
      %dma_wait3A_430 = arith.constant 5 : i32
      %dma_wait3A_431 = arith.constant 0 : i32
      %dma_wait3A_432 = tpu.memref_slice %arg7[%dma_wait3A_430, %dma_wait3A_431] : memref<6x128xi32, #tpu.memory_space<vmem>> -> memref<1x128xi32, #tpu.memory_space<vmem>>
      %dma_wait3A_433 = tpu.memref_squeeze %dma_wait3A_432 : memref<1x128xi32, #tpu.memory_space<vmem>> -> memref<128xi32, #tpu.memory_space<vmem>>
      %dma_wait3A_434 = arith.constant 0 : i32
      %dma_wait3A_435 = tpu.memref_slice %arg2[%dma_wait3A_429, %dma_wait3A_434] : memref<2x3200000xi32, #tpu.memory_space<hbm>> -> memref<1x128xi32, #tpu.memory_space<hbm>>
      %dma_wait3A_436 = tpu.memref_squeeze %dma_wait3A_435 : memref<1x128xi32, #tpu.memory_space<hbm>> -> memref<128xi32, #tpu.memory_space<hbm>>
      %dma_wait3A_437 = arith.constant 0 : i32
      %dma_wait3A_438 = tpu.memref_slice %arg7[%dma_wait3A_430, %dma_wait3A_437] : memref<6x128xi32, #tpu.memory_space<vmem>> -> memref<1x128xi32, #tpu.memory_space<vmem>>
      %dma_wait3A_439 = tpu.memref_squeeze %dma_wait3A_438 : memref<1x128xi32, #tpu.memory_space<vmem>> -> memref<128xi32, #tpu.memory_space<vmem>>
      %dma_wait3A_440 = arith.constant 0 : i32
      %dma_wait3A_441 = tpu.memref_slice %arg2[%dma_wait3A_429, %dma_wait3A_440] : memref<2x3200000xi32, #tpu.memory_space<hbm>> -> memref<1x128xi32, #tpu.memory_space<hbm>>
      %dma_wait3A_442 = tpu.memref_squeeze %dma_wait3A_441 : memref<1x128xi32, #tpu.memory_space<hbm>> -> memref<128xi32, #tpu.memory_space<hbm>>
      tpu.wait_dma2 semaphore(%arg11 : memref<!tpu.dma_semaphore, #tpu.memory_space<semaphore_mem>>) src(%dma_wait3A_442 : memref<128xi32, #tpu.memory_space<hbm>>) dst(%dma_wait3A_439 : memref<128xi32, #tpu.memory_space<vmem>>)
      %dma_wait3A_443 = arith.constant 0 : i32
      %dma_wait3A_444 = arith.constant 0 : i32
      %dma_wait3A_445 = tpu.memref_slice %arg3[%dma_wait3A_443, %dma_wait3A_444] : memref<3200000x16xf32, #tpu.memory_space<hbm>> -> memref<768x16xf32, #tpu.memory_space<hbm>>
      %dma_wait3A_446 = arith.constant 0 : i32
      %dma_wait3A_447 = arith.constant 0 : i32
      %dma_wait3A_448 = tpu.memref_slice %arg3[%dma_wait3A_446, %dma_wait3A_447] : memref<3200000x16xf32, #tpu.memory_space<hbm>> -> memref<768x16xf32, #tpu.memory_space<hbm>>
      tpu.wait_dma2 semaphore(%arg11 : memref<!tpu.dma_semaphore, #tpu.memory_space<semaphore_mem>>) src(%dma_wait3A_448 : memref<768x16xf32, #tpu.memory_space<hbm>>) dst(%arg9 : memref<768x16xf32, #tpu.memory_space<vmem>>)
      %run_scoped3A_449 = arith.constant 0 : i32
      %run_scoped3A_450 = arith.constant 0 : i32
      "tpu.region"() ({
        %run_scoped3A_468 = tpu.sem_alloc : memref<!tpu.dma_semaphore, #tpu.memory_space<semaphore_mem>>
        %dma_start3A_469 = arith.constant 0 : i32
        %dma_start3A_470 = tpu.memref_slice %arg9[%run_scoped3A_449, %dma_start3A_469] : memref<768x16xf32, #tpu.memory_space<vmem>> -> memref<128x16xf32, #tpu.memory_space<vmem>>
        %dma_start3A_471 = arith.constant 0 : i32
        %dma_start3A_472 = tpu.memref_slice %arg7[%run_scoped3A_450, %dma_start3A_471] : memref<6x128xi32, #tpu.memory_space<vmem>> -> memref<1x128xi32, #tpu.memory_space<vmem>>
        %dma_start3A_473 = tpu.memref_squeeze %dma_start3A_472 : memref<1x128xi32, #tpu.memory_space<vmem>> -> memref<128xi32, #tpu.memory_space<vmem>>
        %dma_start3A_474 = arith.constant 0 : i32
        %dma_start3A_475 = arith.constant 0 : i32
        %dma_start3A_476 = tpu.memref_slice %arg5[%dma_start3A_474, %dma_start3A_475] : memref<100000x16xf32, #tpu.memory_space<vmem_shared>> -> memref<100000x16xf32, #tpu.memory_space<vmem_shared>>
        tpu.enqueue_indirect_dma source(%dma_start3A_470 : memref<128x16xf32, #tpu.memory_space<vmem>>) target(%dma_start3A_476 : memref<100000x16xf32, #tpu.memory_space<vmem_shared>>) offsets(%dma_start3A_473 : memref<128xi32, #tpu.memory_space<vmem>>) semaphore(%run_scoped3A_468 : memref<!tpu.dma_semaphore, #tpu.memory_space<semaphore_mem>>) {add = true}
        %dma_wait3A_477 = arith.constant 0 : i32
        %dma_wait3A_478 = tpu.memref_slice %arg9[%run_scoped3A_449, %dma_wait3A_477] : memref<768x16xf32, #tpu.memory_space<vmem>> -> memref<128x16xf32, #tpu.memory_space<vmem>>
        %dma_wait3A_479 = arith.constant 0 : i32
        %dma_wait3A_480 = tpu.memref_slice %arg7[%run_scoped3A_450, %dma_wait3A_479] : memref<6x128xi32, #tpu.memory_space<vmem>> -> memref<1x128xi32, #tpu.memory_space<vmem>>
        %dma_wait3A_481 = tpu.memref_squeeze %dma_wait3A_480 : memref<1x128xi32, #tpu.memory_space<vmem>> -> memref<128xi32, #tpu.memory_space<vmem>>
        %dma_wait3A_482 = arith.constant 0 : i32
        %dma_wait3A_483 = arith.constant 0 : i32
        %dma_wait3A_484 = tpu.memref_slice %arg5[%dma_wait3A_482, %dma_wait3A_483] : memref<100000x16xf32, #tpu.memory_space<vmem_shared>> -> memref<100000x16xf32, #tpu.memory_space<vmem_shared>>
        tpu.wait_indirect_dma semaphore(%run_scoped3A_468 : memref<!tpu.dma_semaphore, #tpu.memory_space<semaphore_mem>>) src(%dma_wait3A_478 : memref<128x16xf32, #tpu.memory_space<vmem>>) dst(%dma_wait3A_484 : memref<100000x16xf32, #tpu.memory_space<vmem_shared>>)
        tpu.yield
      }) : () -> ()
      %run_scoped3A_451 = arith.constant 128 : i32
      %run_scoped3A_452 = arith.constant 1 : i32
      "tpu.region"() ({
        %run_scoped3A_468 = tpu.sem_alloc : memref<!tpu.dma_semaphore, #tpu.memory_space<semaphore_mem>>
        %dma_start3A_469 = arith.constant 0 : i32
        %dma_start3A_470 = tpu.memref_slice %arg9[%run_scoped3A_451, %dma_start3A_469] : memref<768x16xf32, #tpu.memory_space<vmem>> -> memref<128x16xf32, #tpu.memory_space<vmem>>
        %dma_start3A_471 = arith.constant 0 : i32
        %dma_start3A_472 = tpu.memref_slice %arg7[%run_scoped3A_452, %dma_start3A_471] : memref<6x128xi32, #tpu.memory_space<vmem>> -> memref<1x128xi32, #tpu.memory_space<vmem>>
        %dma_start3A_473 = tpu.memref_squeeze %dma_start3A_472 : memref<1x128xi32, #tpu.memory_space<vmem>> -> memref<128xi32, #tpu.memory_space<vmem>>
        %dma_start3A_474 = arith.constant 0 : i32
        %dma_start3A_475 = arith.constant 0 : i32
        %dma_start3A_476 = tpu.memref_slice %arg5[%dma_start3A_474, %dma_start3A_475] : memref<100000x16xf32, #tpu.memory_space<vmem_shared>> -> memref<100000x16xf32, #tpu.memory_space<vmem_shared>>
        tpu.enqueue_indirect_dma source(%dma_start3A_470 : memref<128x16xf32, #tpu.memory_space<vmem>>) target(%dma_start3A_476 : memref<100000x16xf32, #tpu.memory_space<vmem_shared>>) offsets(%dma_start3A_473 : memref<128xi32, #tpu.memory_space<vmem>>) semaphore(%run_scoped3A_468 : memref<!tpu.dma_semaphore, #tpu.memory_space<semaphore_mem>>) {add = true}
        %dma_wait3A_477 = arith.constant 0 : i32
        %dma_wait3A_478 = tpu.memref_slice %arg9[%run_scoped3A_451, %dma_wait3A_477] : memref<768x16xf32, #tpu.memory_space<vmem>> -> memref<128x16xf32, #tpu.memory_space<vmem>>
        %dma_wait3A_479 = arith.constant 0 : i32
        %dma_wait3A_480 = tpu.memref_slice %arg7[%run_scoped3A_452, %dma_wait3A_479] : memref<6x128xi32, #tpu.memory_space<vmem>> -> memref<1x128xi32, #tpu.memory_space<vmem>>
        %dma_wait3A_481 = tpu.memref_squeeze %dma_wait3A_480 : memref<1x128xi32, #tpu.memory_space<vmem>> -> memref<128xi32, #tpu.memory_space<vmem>>
        %dma_wait3A_482 = arith.constant 0 : i32
        %dma_wait3A_483 = arith.constant 0 : i32
        %dma_wait3A_484 = tpu.memref_slice %arg5[%dma_wait3A_482, %dma_wait3A_483] : memref<100000x16xf32, #tpu.memory_space<vmem_shared>> -> memref<100000x16xf32, #tpu.memory_space<vmem_shared>>
        tpu.wait_indirect_dma semaphore(%run_scoped3A_468 : memref<!tpu.dma_semaphore, #tpu.memory_space<semaphore_mem>>) src(%dma_wait3A_478 : memref<128x16xf32, #tpu.memory_space<vmem>>) dst(%dma_wait3A_484 : memref<100000x16xf32, #tpu.memory_space<vmem_shared>>)
        tpu.yield
      }) : () -> ()
      %run_scoped3A_453 = arith.constant 256 : i32
      %run_scoped3A_454 = arith.constant 2 : i32
      "tpu.region"() ({
        %run_scoped3A_468 = tpu.sem_alloc : memref<!tpu.dma_semaphore, #tpu.memory_space<semaphore_mem>>
        %dma_start3A_469 = arith.constant 0 : i32
        %dma_start3A_470 = tpu.memref_slice %arg9[%run_scoped3A_453, %dma_start3A_469] : memref<768x16xf32, #tpu.memory_space<vmem>> -> memref<128x16xf32, #tpu.memory_space<vmem>>
        %dma_start3A_471 = arith.constant 0 : i32
        %dma_start3A_472 = tpu.memref_slice %arg7[%run_scoped3A_454, %dma_start3A_471] : memref<6x128xi32, #tpu.memory_space<vmem>> -> memref<1x128xi32, #tpu.memory_space<vmem>>
        %dma_start3A_473 = tpu.memref_squeeze %dma_start3A_472 : memref<1x128xi32, #tpu.memory_space<vmem>> -> memref<128xi32, #tpu.memory_space<vmem>>
        %dma_start3A_474 = arith.constant 0 : i32
        %dma_start3A_475 = arith.constant 0 : i32
        %dma_start3A_476 = tpu.memref_slice %arg5[%dma_start3A_474, %dma_start3A_475] : memref<100000x16xf32, #tpu.memory_space<vmem_shared>> -> memref<100000x16xf32, #tpu.memory_space<vmem_shared>>
        tpu.enqueue_indirect_dma source(%dma_start3A_470 : memref<128x16xf32, #tpu.memory_space<vmem>>) target(%dma_start3A_476 : memref<100000x16xf32, #tpu.memory_space<vmem_shared>>) offsets(%dma_start3A_473 : memref<128xi32, #tpu.memory_space<vmem>>) semaphore(%run_scoped3A_468 : memref<!tpu.dma_semaphore, #tpu.memory_space<semaphore_mem>>) {add = true}
        %dma_wait3A_477 = arith.constant 0 : i32
        %dma_wait3A_478 = tpu.memref_slice %arg9[%run_scoped3A_453, %dma_wait3A_477] : memref<768x16xf32, #tpu.memory_space<vmem>> -> memref<128x16xf32, #tpu.memory_space<vmem>>
        %dma_wait3A_479 = arith.constant 0 : i32
        %dma_wait3A_480 = tpu.memref_slice %arg7[%run_scoped3A_454, %dma_wait3A_479] : memref<6x128xi32, #tpu.memory_space<vmem>> -> memref<1x128xi32, #tpu.memory_space<vmem>>
        %dma_wait3A_481 = tpu.memref_squeeze %dma_wait3A_480 : memref<1x128xi32, #tpu.memory_space<vmem>> -> memref<128xi32, #tpu.memory_space<vmem>>
        %dma_wait3A_482 = arith.constant 0 : i32
        %dma_wait3A_483 = arith.constant 0 : i32
        %dma_wait3A_484 = tpu.memref_slice %arg5[%dma_wait3A_482, %dma_wait3A_483] : memref<100000x16xf32, #tpu.memory_space<vmem_shared>> -> memref<100000x16xf32, #tpu.memory_space<vmem_shared>>
        tpu.wait_indirect_dma semaphore(%run_scoped3A_468 : memref<!tpu.dma_semaphore, #tpu.memory_space<semaphore_mem>>) src(%dma_wait3A_478 : memref<128x16xf32, #tpu.memory_space<vmem>>) dst(%dma_wait3A_484 : memref<100000x16xf32, #tpu.memory_space<vmem_shared>>)
        tpu.yield
      }) : () -> ()
      %run_scoped3A_455 = arith.constant 384 : i32
      %run_scoped3A_456 = arith.constant 3 : i32
      "tpu.region"() ({
        %run_scoped3A_468 = tpu.sem_alloc : memref<!tpu.dma_semaphore, #tpu.memory_space<semaphore_mem>>
        %dma_start3A_469 = arith.constant 0 : i32
        %dma_start3A_470 = tpu.memref_slice %arg9[%run_scoped3A_455, %dma_start3A_469] : memref<768x16xf32, #tpu.memory_space<vmem>> -> memref<128x16xf32, #tpu.memory_space<vmem>>
        %dma_start3A_471 = arith.constant 0 : i32
        %dma_start3A_472 = tpu.memref_slice %arg7[%run_scoped3A_456, %dma_start3A_471] : memref<6x128xi32, #tpu.memory_space<vmem>> -> memref<1x128xi32, #tpu.memory_space<vmem>>
        %dma_start3A_473 = tpu.memref_squeeze %dma_start3A_472 : memref<1x128xi32, #tpu.memory_space<vmem>> -> memref<128xi32, #tpu.memory_space<vmem>>
        %dma_start3A_474 = arith.constant 0 : i32
        %dma_start3A_475 = arith.constant 0 : i32
        %dma_start3A_476 = tpu.memref_slice %arg5[%dma_start3A_474, %dma_start3A_475] : memref<100000x16xf32, #tpu.memory_space<vmem_shared>> -> memref<100000x16xf32, #tpu.memory_space<vmem_shared>>
        tpu.enqueue_indirect_dma source(%dma_start3A_470 : memref<128x16xf32, #tpu.memory_space<vmem>>) target(%dma_start3A_476 : memref<100000x16xf32, #tpu.memory_space<vmem_shared>>) offsets(%dma_start3A_473 : memref<128xi32, #tpu.memory_space<vmem>>) semaphore(%run_scoped3A_468 : memref<!tpu.dma_semaphore, #tpu.memory_space<semaphore_mem>>) {add = true}
        %dma_wait3A_477 = arith.constant 0 : i32
        %dma_wait3A_478 = tpu.memref_slice %arg9[%run_scoped3A_455, %dma_wait3A_477] : memref<768x16xf32, #tpu.memory_space<vmem>> -> memref<128x16xf32, #tpu.memory_space<vmem>>
        %dma_wait3A_479 = arith.constant 0 : i32
        %dma_wait3A_480 = tpu.memref_slice %arg7[%run_scoped3A_456, %dma_wait3A_479] : memref<6x128xi32, #tpu.memory_space<vmem>> -> memref<1x128xi32, #tpu.memory_space<vmem>>
        %dma_wait3A_481 = tpu.memref_squeeze %dma_wait3A_480 : memref<1x128xi32, #tpu.memory_space<vmem>> -> memref<128xi32, #tpu.memory_space<vmem>>
        %dma_wait3A_482 = arith.constant 0 : i32
        %dma_wait3A_483 = arith.constant 0 : i32
        %dma_wait3A_484 = tpu.memref_slice %arg5[%dma_wait3A_482, %dma_wait3A_483] : memref<100000x16xf32, #tpu.memory_space<vmem_shared>> -> memref<100000x16xf32, #tpu.memory_space<vmem_shared>>
        tpu.wait_indirect_dma semaphore(%run_scoped3A_468 : memref<!tpu.dma_semaphore, #tpu.memory_space<semaphore_mem>>) src(%dma_wait3A_478 : memref<128x16xf32, #tpu.memory_space<vmem>>) dst(%dma_wait3A_484 : memref<100000x16xf32, #tpu.memory_space<vmem_shared>>)
        tpu.yield
      }) : () -> ()
      %run_scoped3A_457 = arith.constant 512 : i32
      %run_scoped3A_458 = arith.constant 4 : i32
      "tpu.region"() ({
        %run_scoped3A_468 = tpu.sem_alloc : memref<!tpu.dma_semaphore, #tpu.memory_space<semaphore_mem>>
        %dma_start3A_469 = arith.constant 0 : i32
        %dma_start3A_470 = tpu.memref_slice %arg9[%run_scoped3A_457, %dma_start3A_469] : memref<768x16xf32, #tpu.memory_space<vmem>> -> memref<128x16xf32, #tpu.memory_space<vmem>>
        %dma_start3A_471 = arith.constant 0 : i32
        %dma_start3A_472 = tpu.memref_slice %arg7[%run_scoped3A_458, %dma_start3A_471] : memref<6x128xi32, #tpu.memory_space<vmem>> -> memref<1x128xi32, #tpu.memory_space<vmem>>
        %dma_start3A_473 = tpu.memref_squeeze %dma_start3A_472 : memref<1x128xi32, #tpu.memory_space<vmem>> -> memref<128xi32, #tpu.memory_space<vmem>>
        %dma_start3A_474 = arith.constant 0 : i32
        %dma_start3A_475 = arith.constant 0 : i32
        %dma_start3A_476 = tpu.memref_slice %arg5[%dma_start3A_474, %dma_start3A_475] : memref<100000x16xf32, #tpu.memory_space<vmem_shared>> -> memref<100000x16xf32, #tpu.memory_space<vmem_shared>>
        tpu.enqueue_indirect_dma source(%dma_start3A_470 : memref<128x16xf32, #tpu.memory_space<vmem>>) target(%dma_start3A_476 : memref<100000x16xf32, #tpu.memory_space<vmem_shared>>) offsets(%dma_start3A_473 : memref<128xi32, #tpu.memory_space<vmem>>) semaphore(%run_scoped3A_468 : memref<!tpu.dma_semaphore, #tpu.memory_space<semaphore_mem>>) {add = true}
        %dma_wait3A_477 = arith.constant 0 : i32
        %dma_wait3A_478 = tpu.memref_slice %arg9[%run_scoped3A_457, %dma_wait3A_477] : memref<768x16xf32, #tpu.memory_space<vmem>> -> memref<128x16xf32, #tpu.memory_space<vmem>>
        %dma_wait3A_479 = arith.constant 0 : i32
        %dma_wait3A_480 = tpu.memref_slice %arg7[%run_scoped3A_458, %dma_wait3A_479] : memref<6x128xi32, #tpu.memory_space<vmem>> -> memref<1x128xi32, #tpu.memory_space<vmem>>
        %dma_wait3A_481 = tpu.memref_squeeze %dma_wait3A_480 : memref<1x128xi32, #tpu.memory_space<vmem>> -> memref<128xi32, #tpu.memory_space<vmem>>
        %dma_wait3A_482 = arith.constant 0 : i32
        %dma_wait3A_483 = arith.constant 0 : i32
        %dma_wait3A_484 = tpu.memref_slice %arg5[%dma_wait3A_482, %dma_wait3A_483] : memref<100000x16xf32, #tpu.memory_space<vmem_shared>> -> memref<100000x16xf32, #tpu.memory_space<vmem_shared>>
        tpu.wait_indirect_dma semaphore(%run_scoped3A_468 : memref<!tpu.dma_semaphore, #tpu.memory_space<semaphore_mem>>) src(%dma_wait3A_478 : memref<128x16xf32, #tpu.memory_space<vmem>>) dst(%dma_wait3A_484 : memref<100000x16xf32, #tpu.memory_space<vmem_shared>>)
        tpu.yield
      }) : () -> ()
      %run_scoped3A_459 = arith.constant 640 : i32
      %run_scoped3A_460 = arith.constant 5 : i32
      "tpu.region"() ({
        %run_scoped3A_468 = tpu.sem_alloc : memref<!tpu.dma_semaphore, #tpu.memory_space<semaphore_mem>>
        %dma_start3A_469 = arith.constant 0 : i32
        %dma_start3A_470 = tpu.memref_slice %arg9[%run_scoped3A_459, %dma_start3A_469] : memref<768x16xf32, #tpu.memory_space<vmem>> -> memref<128x16xf32, #tpu.memory_space<vmem>>
        %dma_start3A_471 = arith.constant 0 : i32
        %dma_start3A_472 = tpu.memref_slice %arg7[%run_scoped3A_460, %dma_start3A_471] : memref<6x128xi32, #tpu.memory_space<vmem>> -> memref<1x128xi32, #tpu.memory_space<vmem>>
        %dma_start3A_473 = tpu.memref_squeeze %dma_start3A_472 : memref<1x128xi32, #tpu.memory_space<vmem>> -> memref<128xi32, #tpu.memory_space<vmem>>
        %dma_start3A_474 = arith.constant 0 : i32
        %dma_start3A_475 = arith.constant 0 : i32
        %dma_start3A_476 = tpu.memref_slice %arg5[%dma_start3A_474, %dma_start3A_475] : memref<100000x16xf32, #tpu.memory_space<vmem_shared>> -> memref<100000x16xf32, #tpu.memory_space<vmem_shared>>
        tpu.enqueue_indirect_dma source(%dma_start3A_470 : memref<128x16xf32, #tpu.memory_space<vmem>>) target(%dma_start3A_476 : memref<100000x16xf32, #tpu.memory_space<vmem_shared>>) offsets(%dma_start3A_473 : memref<128xi32, #tpu.memory_space<vmem>>) semaphore(%run_scoped3A_468 : memref<!tpu.dma_semaphore, #tpu.memory_space<semaphore_mem>>) {add = true}
        %dma_wait3A_477 = arith.constant 0 : i32
        %dma_wait3A_478 = tpu.memref_slice %arg9[%run_scoped3A_459, %dma_wait3A_477] : memref<768x16xf32, #tpu.memory_space<vmem>> -> memref<128x16xf32, #tpu.memory_space<vmem>>
        %dma_wait3A_479 = arith.constant 0 : i32
        %dma_wait3A_480 = tpu.memref_slice %arg7[%run_scoped3A_460, %dma_wait3A_479] : memref<6x128xi32, #tpu.memory_space<vmem>> -> memref<1x128xi32, #tpu.memory_space<vmem>>
        %dma_wait3A_481 = tpu.memref_squeeze %dma_wait3A_480 : memref<1x128xi32, #tpu.memory_space<vmem>> -> memref<128xi32, #tpu.memory_space<vmem>>
        %dma_wait3A_482 = arith.constant 0 : i32
        %dma_wait3A_483 = arith.constant 0 : i32
        %dma_wait3A_484 = tpu.memref_slice %arg5[%dma_wait3A_482, %dma_wait3A_483] : memref<100000x16xf32, #tpu.memory_space<vmem_shared>> -> memref<100000x16xf32, #tpu.memory_space<vmem_shared>>
        tpu.wait_indirect_dma semaphore(%run_scoped3A_468 : memref<!tpu.dma_semaphore, #tpu.memory_space<semaphore_mem>>) src(%dma_wait3A_478 : memref<128x16xf32, #tpu.memory_space<vmem>>) dst(%dma_wait3A_484 : memref<100000x16xf32, #tpu.memory_space<vmem_shared>>)
        tpu.yield
      }) : () -> ()
      %add3A_461 = arith.constant 2 : i32
      %add3A_462 = arith.addi %add3A_358, %add3A_461 : i32
      %lt3A_463 = arith.constant 130 : i32
      %lt3A_464 = arith.cmpi slt, %add3A_462, %lt3A_463 : i32
      %convert_element_type3A_465 = arith.extui %lt3A_464 : i1 to i32
      %cond3A_466 = arith.constant 0 : i32
      %cond3A_467 = arith.cmpi ne, %convert_element_type3A_465, %cond3A_466 : i32
      scf.if %cond3A_467 {
        %add3A_468 = arith.constant 2 : i32
        %add3A_469 = arith.addi %add3A_358, %add3A_468 : i32
        %mul3A_470 = arith.constant 6 : i32
        %mul3A_471 = arith.muli %add3A_469, %mul3A_470 : i32
        %add3A_472 = arith.addi %add3A_30, %mul3A_471 : i32
        %mul3A_473 = arith.constant 128 : i32
        %mul3A_474 = arith.muli %add3A_472, %mul3A_473 : i32
        %add3A_475 = arith.constant 0 : i32
        %add3A_476 = arith.addi %mul3A_474, %add3A_475 : i32
        %dma_start3A_477 = arith.constant 1 : i32
        %dma_start3A_478 = arith.constant 0 : i32
        %dma_start3A_479 = arith.constant 0 : i32
        %dma_start3A_480 = tpu.memref_slice %arg7[%dma_start3A_478, %dma_start3A_479] : memref<6x128xi32, #tpu.memory_space<vmem>> -> memref<1x128xi32, #tpu.memory_space<vmem>>
        %dma_start3A_481 = tpu.memref_squeeze %dma_start3A_480 : memref<1x128xi32, #tpu.memory_space<vmem>> -> memref<128xi32, #tpu.memory_space<vmem>>
        %dma_start3A_482 = tpu.memref_slice %arg2[%dma_start3A_477, %add3A_476] : memref<2x3200000xi32, #tpu.memory_space<hbm>> -> memref<1x128xi32, #tpu.memory_space<hbm>>
        %dma_start3A_483 = tpu.memref_squeeze %dma_start3A_482 : memref<1x128xi32, #tpu.memory_space<hbm>> -> memref<128xi32, #tpu.memory_space<hbm>>
        %dma_start3A_484 = arith.constant 0 : i32
        %dma_start3A_485 = tpu.memref_slice %arg7[%dma_start3A_478, %dma_start3A_484] : memref<6x128xi32, #tpu.memory_space<vmem>> -> memref<1x128xi32, #tpu.memory_space<vmem>>
        %dma_start3A_486 = tpu.memref_squeeze %dma_start3A_485 : memref<1x128xi32, #tpu.memory_space<vmem>> -> memref<128xi32, #tpu.memory_space<vmem>>
        %dma_start3A_487 = tpu.memref_slice %arg2[%dma_start3A_477, %add3A_476] : memref<2x3200000xi32, #tpu.memory_space<hbm>> -> memref<1x128xi32, #tpu.memory_space<hbm>>
        %dma_start3A_488 = tpu.memref_squeeze %dma_start3A_487 : memref<1x128xi32, #tpu.memory_space<hbm>> -> memref<128xi32, #tpu.memory_space<hbm>>
        tpu.enqueue_dma source(%dma_start3A_488 : memref<128xi32, #tpu.memory_space<hbm>>) target(%dma_start3A_486 : memref<128xi32, #tpu.memory_space<vmem>>) target_semaphore(%arg11 : memref<!tpu.dma_semaphore, #tpu.memory_space<semaphore_mem>>)
        %add3A_489 = arith.constant 128 : i32
        %add3A_490 = arith.addi %mul3A_474, %add3A_489 : i32
        %dma_start3A_491 = arith.constant 1 : i32
        %dma_start3A_492 = arith.constant 1 : i32
        %dma_start3A_493 = arith.constant 0 : i32
        %dma_start3A_494 = tpu.memref_slice %arg7[%dma_start3A_492, %dma_start3A_493] : memref<6x128xi32, #tpu.memory_space<vmem>> -> memref<1x128xi32, #tpu.memory_space<vmem>>
        %dma_start3A_495 = tpu.memref_squeeze %dma_start3A_494 : memref<1x128xi32, #tpu.memory_space<vmem>> -> memref<128xi32, #tpu.memory_space<vmem>>
        %dma_start3A_496 = tpu.memref_slice %arg2[%dma_start3A_491, %add3A_490] : memref<2x3200000xi32, #tpu.memory_space<hbm>> -> memref<1x128xi32, #tpu.memory_space<hbm>>
        %dma_start3A_497 = tpu.memref_squeeze %dma_start3A_496 : memref<1x128xi32, #tpu.memory_space<hbm>> -> memref<128xi32, #tpu.memory_space<hbm>>
        %dma_start3A_498 = arith.constant 0 : i32
        %dma_start3A_499 = tpu.memref_slice %arg7[%dma_start3A_492, %dma_start3A_498] : memref<6x128xi32, #tpu.memory_space<vmem>> -> memref<1x128xi32, #tpu.memory_space<vmem>>
        %dma_start3A_500 = tpu.memref_squeeze %dma_start3A_499 : memref<1x128xi32, #tpu.memory_space<vmem>> -> memref<128xi32, #tpu.memory_space<vmem>>
        %dma_start3A_501 = tpu.memref_slice %arg2[%dma_start3A_491, %add3A_490] : memref<2x3200000xi32, #tpu.memory_space<hbm>> -> memref<1x128xi32, #tpu.memory_space<hbm>>
        %dma_start3A_502 = tpu.memref_squeeze %dma_start3A_501 : memref<1x128xi32, #tpu.memory_space<hbm>> -> memref<128xi32, #tpu.memory_space<hbm>>
        tpu.enqueue_dma source(%dma_start3A_502 : memref<128xi32, #tpu.memory_space<hbm>>) target(%dma_start3A_500 : memref<128xi32, #tpu.memory_space<vmem>>) target_semaphore(%arg11 : memref<!tpu.dma_semaphore, #tpu.memory_space<semaphore_mem>>)
        %add3A_503 = arith.constant 256 : i32
        %add3A_504 = arith.addi %mul3A_474, %add3A_503 : i32
        %dma_start3A_505 = arith.constant 1 : i32
        %dma_start3A_506 = arith.constant 2 : i32
        %dma_start3A_507 = arith.constant 0 : i32
        %dma_start3A_508 = tpu.memref_slice %arg7[%dma_start3A_506, %dma_start3A_507] : memref<6x128xi32, #tpu.memory_space<vmem>> -> memref<1x128xi32, #tpu.memory_space<vmem>>
        %dma_start3A_509 = tpu.memref_squeeze %dma_start3A_508 : memref<1x128xi32, #tpu.memory_space<vmem>> -> memref<128xi32, #tpu.memory_space<vmem>>
        %dma_start3A_510 = tpu.memref_slice %arg2[%dma_start3A_505, %add3A_504] : memref<2x3200000xi32, #tpu.memory_space<hbm>> -> memref<1x128xi32, #tpu.memory_space<hbm>>
        %dma_start3A_511 = tpu.memref_squeeze %dma_start3A_510 : memref<1x128xi32, #tpu.memory_space<hbm>> -> memref<128xi32, #tpu.memory_space<hbm>>
        %dma_start3A_512 = arith.constant 0 : i32
        %dma_start3A_513 = tpu.memref_slice %arg7[%dma_start3A_506, %dma_start3A_512] : memref<6x128xi32, #tpu.memory_space<vmem>> -> memref<1x128xi32, #tpu.memory_space<vmem>>
        %dma_start3A_514 = tpu.memref_squeeze %dma_start3A_513 : memref<1x128xi32, #tpu.memory_space<vmem>> -> memref<128xi32, #tpu.memory_space<vmem>>
        %dma_start3A_515 = tpu.memref_slice %arg2[%dma_start3A_505, %add3A_504] : memref<2x3200000xi32, #tpu.memory_space<hbm>> -> memref<1x128xi32, #tpu.memory_space<hbm>>
        %dma_start3A_516 = tpu.memref_squeeze %dma_start3A_515 : memref<1x128xi32, #tpu.memory_space<hbm>> -> memref<128xi32, #tpu.memory_space<hbm>>
        tpu.enqueue_dma source(%dma_start3A_516 : memref<128xi32, #tpu.memory_space<hbm>>) target(%dma_start3A_514 : memref<128xi32, #tpu.memory_space<vmem>>) target_semaphore(%arg11 : memref<!tpu.dma_semaphore, #tpu.memory_space<semaphore_mem>>)
        %add3A_517 = arith.constant 384 : i32
        %add3A_518 = arith.addi %mul3A_474, %add3A_517 : i32
        %dma_start3A_519 = arith.constant 1 : i32
        %dma_start3A_520 = arith.constant 3 : i32
        %dma_start3A_521 = arith.constant 0 : i32
        %dma_start3A_522 = tpu.memref_slice %arg7[%dma_start3A_520, %dma_start3A_521] : memref<6x128xi32, #tpu.memory_space<vmem>> -> memref<1x128xi32, #tpu.memory_space<vmem>>
        %dma_start3A_523 = tpu.memref_squeeze %dma_start3A_522 : memref<1x128xi32, #tpu.memory_space<vmem>> -> memref<128xi32, #tpu.memory_space<vmem>>
        %dma_start3A_524 = tpu.memref_slice %arg2[%dma_start3A_519, %add3A_518] : memref<2x3200000xi32, #tpu.memory_space<hbm>> -> memref<1x128xi32, #tpu.memory_space<hbm>>
        %dma_start3A_525 = tpu.memref_squeeze %dma_start3A_524 : memref<1x128xi32, #tpu.memory_space<hbm>> -> memref<128xi32, #tpu.memory_space<hbm>>
        %dma_start3A_526 = arith.constant 0 : i32
        %dma_start3A_527 = tpu.memref_slice %arg7[%dma_start3A_520, %dma_start3A_526] : memref<6x128xi32, #tpu.memory_space<vmem>> -> memref<1x128xi32, #tpu.memory_space<vmem>>
        %dma_start3A_528 = tpu.memref_squeeze %dma_start3A_527 : memref<1x128xi32, #tpu.memory_space<vmem>> -> memref<128xi32, #tpu.memory_space<vmem>>
        %dma_start3A_529 = tpu.memref_slice %arg2[%dma_start3A_519, %add3A_518] : memref<2x3200000xi32, #tpu.memory_space<hbm>> -> memref<1x128xi32, #tpu.memory_space<hbm>>
        %dma_start3A_530 = tpu.memref_squeeze %dma_start3A_529 : memref<1x128xi32, #tpu.memory_space<hbm>> -> memref<128xi32, #tpu.memory_space<hbm>>
        tpu.enqueue_dma source(%dma_start3A_530 : memref<128xi32, #tpu.memory_space<hbm>>) target(%dma_start3A_528 : memref<128xi32, #tpu.memory_space<vmem>>) target_semaphore(%arg11 : memref<!tpu.dma_semaphore, #tpu.memory_space<semaphore_mem>>)
        %add3A_531 = arith.constant 512 : i32
        %add3A_532 = arith.addi %mul3A_474, %add3A_531 : i32
        %dma_start3A_533 = arith.constant 1 : i32
        %dma_start3A_534 = arith.constant 4 : i32
        %dma_start3A_535 = arith.constant 0 : i32
        %dma_start3A_536 = tpu.memref_slice %arg7[%dma_start3A_534, %dma_start3A_535] : memref<6x128xi32, #tpu.memory_space<vmem>> -> memref<1x128xi32, #tpu.memory_space<vmem>>
        %dma_start3A_537 = tpu.memref_squeeze %dma_start3A_536 : memref<1x128xi32, #tpu.memory_space<vmem>> -> memref<128xi32, #tpu.memory_space<vmem>>
        %dma_start3A_538 = tpu.memref_slice %arg2[%dma_start3A_533, %add3A_532] : memref<2x3200000xi32, #tpu.memory_space<hbm>> -> memref<1x128xi32, #tpu.memory_space<hbm>>
        %dma_start3A_539 = tpu.memref_squeeze %dma_start3A_538 : memref<1x128xi32, #tpu.memory_space<hbm>> -> memref<128xi32, #tpu.memory_space<hbm>>
        %dma_start3A_540 = arith.constant 0 : i32
        %dma_start3A_541 = tpu.memref_slice %arg7[%dma_start3A_534, %dma_start3A_540] : memref<6x128xi32, #tpu.memory_space<vmem>> -> memref<1x128xi32, #tpu.memory_space<vmem>>
        %dma_start3A_542 = tpu.memref_squeeze %dma_start3A_541 : memref<1x128xi32, #tpu.memory_space<vmem>> -> memref<128xi32, #tpu.memory_space<vmem>>
        %dma_start3A_543 = tpu.memref_slice %arg2[%dma_start3A_533, %add3A_532] : memref<2x3200000xi32, #tpu.memory_space<hbm>> -> memref<1x128xi32, #tpu.memory_space<hbm>>
        %dma_start3A_544 = tpu.memref_squeeze %dma_start3A_543 : memref<1x128xi32, #tpu.memory_space<hbm>> -> memref<128xi32, #tpu.memory_space<hbm>>
        tpu.enqueue_dma source(%dma_start3A_544 : memref<128xi32, #tpu.memory_space<hbm>>) target(%dma_start3A_542 : memref<128xi32, #tpu.memory_space<vmem>>) target_semaphore(%arg11 : memref<!tpu.dma_semaphore, #tpu.memory_space<semaphore_mem>>)
        %add3A_545 = arith.constant 640 : i32
        %add3A_546 = arith.addi %mul3A_474, %add3A_545 : i32
        %dma_start3A_547 = arith.constant 1 : i32
        %dma_start3A_548 = arith.constant 5 : i32
        %dma_start3A_549 = arith.constant 0 : i32
        %dma_start3A_550 = tpu.memref_slice %arg7[%dma_start3A_548, %dma_start3A_549] : memref<6x128xi32, #tpu.memory_space<vmem>> -> memref<1x128xi32, #tpu.memory_space<vmem>>
        %dma_start3A_551 = tpu.memref_squeeze %dma_start3A_550 : memref<1x128xi32, #tpu.memory_space<vmem>> -> memref<128xi32, #tpu.memory_space<vmem>>
        %dma_start3A_552 = tpu.memref_slice %arg2[%dma_start3A_547, %add3A_546] : memref<2x3200000xi32, #tpu.memory_space<hbm>> -> memref<1x128xi32, #tpu.memory_space<hbm>>
        %dma_start3A_553 = tpu.memref_squeeze %dma_start3A_552 : memref<1x128xi32, #tpu.memory_space<hbm>> -> memref<128xi32, #tpu.memory_space<hbm>>
        %dma_start3A_554 = arith.constant 0 : i32
        %dma_start3A_555 = tpu.memref_slice %arg7[%dma_start3A_548, %dma_start3A_554] : memref<6x128xi32, #tpu.memory_space<vmem>> -> memref<1x128xi32, #tpu.memory_space<vmem>>
        %dma_start3A_556 = tpu.memref_squeeze %dma_start3A_555 : memref<1x128xi32, #tpu.memory_space<vmem>> -> memref<128xi32, #tpu.memory_space<vmem>>
        %dma_start3A_557 = tpu.memref_slice %arg2[%dma_start3A_547, %add3A_546] : memref<2x3200000xi32, #tpu.memory_space<hbm>> -> memref<1x128xi32, #tpu.memory_space<hbm>>
        %dma_start3A_558 = tpu.memref_squeeze %dma_start3A_557 : memref<1x128xi32, #tpu.memory_space<hbm>> -> memref<128xi32, #tpu.memory_space<hbm>>
        tpu.enqueue_dma source(%dma_start3A_558 : memref<128xi32, #tpu.memory_space<hbm>>) target(%dma_start3A_556 : memref<128xi32, #tpu.memory_space<vmem>>) target_semaphore(%arg11 : memref<!tpu.dma_semaphore, #tpu.memory_space<semaphore_mem>>)
        %dma_start3A_559 = arith.constant 0 : i32
        %dma_start3A_560 = tpu.memref_slice %arg3[%mul3A_474, %dma_start3A_559] : memref<3200000x16xf32, #tpu.memory_space<hbm>> -> memref<768x16xf32, #tpu.memory_space<hbm>>
        %dma_start3A_561 = arith.constant 0 : i32
        %dma_start3A_562 = tpu.memref_slice %arg3[%mul3A_474, %dma_start3A_561] : memref<3200000x16xf32, #tpu.memory_space<hbm>> -> memref<768x16xf32, #tpu.memory_space<hbm>>
        tpu.enqueue_dma source(%dma_start3A_562 : memref<768x16xf32, #tpu.memory_space<hbm>>) target(%arg9 : memref<768x16xf32, #tpu.memory_space<vmem>>) target_semaphore(%arg11 : memref<!tpu.dma_semaphore, #tpu.memory_space<semaphore_mem>>)
      } else {
      }
    }
    %while3A_233 = arith.constant 0 : i32
    %while3A_234 = arith.constant 780 : i32
    %while3A_235 = arith.subi %add3A_34, %while3A_234 : i32
    %while3A_236 = arith.addi %while3A_234, %while3A_235 : i32
    %while3A_237 = arith.constant 1 : i32
    %while3A_238 = arith.divsi %while3A_235, %while3A_237 : i32
    %while3A_239 = arith.muli %while3A_238, %while3A_237 : i32
    %while3A_240 = arith.addi %while3A_234, %while3A_239 : i32
    %while3A_241 = arith.constant 1 : i32
    scf.for %while3A_244 = %while3A_234 to %while3A_240 step %while3A_241  : i32 {
      %add3A_245 = arith.addi %add3A_30, %while3A_244 : i32
      %mul3A_246 = arith.constant 128 : i32
      %mul3A_247 = arith.muli %add3A_245, %mul3A_246 : i32
      %dma_start3A_248 = arith.constant 1 : i32
      %dma_start3A_249 = arith.constant 0 : i32
      %dma_start3A_250 = arith.constant 0 : i32
      %dma_start3A_251 = tpu.memref_slice %arg6[%dma_start3A_249, %dma_start3A_250] : memref<6x128xi32, #tpu.memory_space<vmem>> -> memref<1x128xi32, #tpu.memory_space<vmem>>
      %dma_start3A_252 = tpu.memref_squeeze %dma_start3A_251 : memref<1x128xi32, #tpu.memory_space<vmem>> -> memref<128xi32, #tpu.memory_space<vmem>>
      %dma_start3A_253 = tpu.memref_slice %arg2[%dma_start3A_248, %mul3A_247] : memref<2x3200000xi32, #tpu.memory_space<hbm>> -> memref<1x128xi32, #tpu.memory_space<hbm>>
      %dma_start3A_254 = tpu.memref_squeeze %dma_start3A_253 : memref<1x128xi32, #tpu.memory_space<hbm>> -> memref<128xi32, #tpu.memory_space<hbm>>
      %dma_start3A_255 = arith.constant 0 : i32
      %dma_start3A_256 = tpu.memref_slice %arg6[%dma_start3A_249, %dma_start3A_255] : memref<6x128xi32, #tpu.memory_space<vmem>> -> memref<1x128xi32, #tpu.memory_space<vmem>>
      %dma_start3A_257 = tpu.memref_squeeze %dma_start3A_256 : memref<1x128xi32, #tpu.memory_space<vmem>> -> memref<128xi32, #tpu.memory_space<vmem>>
      %dma_start3A_258 = tpu.memref_slice %arg2[%dma_start3A_248, %mul3A_247] : memref<2x3200000xi32, #tpu.memory_space<hbm>> -> memref<1x128xi32, #tpu.memory_space<hbm>>
      %dma_start3A_259 = tpu.memref_squeeze %dma_start3A_258 : memref<1x128xi32, #tpu.memory_space<hbm>> -> memref<128xi32, #tpu.memory_space<hbm>>
      tpu.enqueue_dma source(%dma_start3A_259 : memref<128xi32, #tpu.memory_space<hbm>>) target(%dma_start3A_257 : memref<128xi32, #tpu.memory_space<vmem>>) target_semaphore(%arg10 : memref<!tpu.dma_semaphore, #tpu.memory_space<semaphore_mem>>)
      %mul3A_260 = arith.constant 128 : i32
      %mul3A_261 = arith.muli %add3A_245, %mul3A_260 : i32
      %dma_start3A_262 = arith.constant 0 : i32
      %dma_start3A_263 = arith.constant 0 : i32
      %dma_start3A_264 = tpu.memref_slice %arg8[%dma_start3A_262, %dma_start3A_263] : memref<768x16xf32, #tpu.memory_space<vmem>> -> memref<128x16xf32, #tpu.memory_space<vmem>>
      %dma_start3A_265 = arith.constant 0 : i32
      %dma_start3A_266 = tpu.memref_slice %arg3[%mul3A_261, %dma_start3A_265] : memref<3200000x16xf32, #tpu.memory_space<hbm>> -> memref<128x16xf32, #tpu.memory_space<hbm>>
      %dma_start3A_267 = arith.constant 0 : i32
      %dma_start3A_268 = tpu.memref_slice %arg8[%dma_start3A_262, %dma_start3A_267] : memref<768x16xf32, #tpu.memory_space<vmem>> -> memref<128x16xf32, #tpu.memory_space<vmem>>
      %dma_start3A_269 = arith.constant 0 : i32
      %dma_start3A_270 = tpu.memref_slice %arg3[%mul3A_261, %dma_start3A_269] : memref<3200000x16xf32, #tpu.memory_space<hbm>> -> memref<128x16xf32, #tpu.memory_space<hbm>>
      tpu.enqueue_dma source(%dma_start3A_270 : memref<128x16xf32, #tpu.memory_space<hbm>>) target(%dma_start3A_268 : memref<128x16xf32, #tpu.memory_space<vmem>>) target_semaphore(%arg10 : memref<!tpu.dma_semaphore, #tpu.memory_space<semaphore_mem>>)
      %dma_wait3A = arith.constant 1 : i32
      %dma_wait3A_271 = arith.constant 0 : i32
      %dma_wait3A_272 = arith.constant 0 : i32
      %dma_wait3A_273 = tpu.memref_slice %arg6[%dma_wait3A_271, %dma_wait3A_272] : memref<6x128xi32, #tpu.memory_space<vmem>> -> memref<1x128xi32, #tpu.memory_space<vmem>>
      %dma_wait3A_274 = tpu.memref_squeeze %dma_wait3A_273 : memref<1x128xi32, #tpu.memory_space<vmem>> -> memref<128xi32, #tpu.memory_space<vmem>>
      %dma_wait3A_275 = arith.constant 0 : i32
      %dma_wait3A_276 = tpu.memref_slice %arg2[%dma_wait3A, %dma_wait3A_275] : memref<2x3200000xi32, #tpu.memory_space<hbm>> -> memref<1x128xi32, #tpu.memory_space<hbm>>
      %dma_wait3A_277 = tpu.memref_squeeze %dma_wait3A_276 : memref<1x128xi32, #tpu.memory_space<hbm>> -> memref<128xi32, #tpu.memory_space<hbm>>
      %dma_wait3A_278 = arith.constant 0 : i32
      %dma_wait3A_279 = tpu.memref_slice %arg6[%dma_wait3A_271, %dma_wait3A_278] : memref<6x128xi32, #tpu.memory_space<vmem>> -> memref<1x128xi32, #tpu.memory_space<vmem>>
      %dma_wait3A_280 = tpu.memref_squeeze %dma_wait3A_279 : memref<1x128xi32, #tpu.memory_space<vmem>> -> memref<128xi32, #tpu.memory_space<vmem>>
      %dma_wait3A_281 = arith.constant 0 : i32
      %dma_wait3A_282 = tpu.memref_slice %arg2[%dma_wait3A, %dma_wait3A_281] : memref<2x3200000xi32, #tpu.memory_space<hbm>> -> memref<1x128xi32, #tpu.memory_space<hbm>>
      %dma_wait3A_283 = tpu.memref_squeeze %dma_wait3A_282 : memref<1x128xi32, #tpu.memory_space<hbm>> -> memref<128xi32, #tpu.memory_space<hbm>>
      tpu.wait_dma2 semaphore(%arg10 : memref<!tpu.dma_semaphore, #tpu.memory_space<semaphore_mem>>) src(%dma_wait3A_283 : memref<128xi32, #tpu.memory_space<hbm>>) dst(%dma_wait3A_280 : memref<128xi32, #tpu.memory_space<vmem>>)
      %dma_wait3A_284 = arith.constant 0 : i32
      %dma_wait3A_285 = arith.constant 0 : i32
      %dma_wait3A_286 = tpu.memref_slice %arg8[%dma_wait3A_284, %dma_wait3A_285] : memref<768x16xf32, #tpu.memory_space<vmem>> -> memref<128x16xf32, #tpu.memory_space<vmem>>
      %dma_wait3A_287 = arith.constant 0 : i32
      %dma_wait3A_288 = arith.constant 0 : i32
      %dma_wait3A_289 = tpu.memref_slice %arg3[%dma_wait3A_287, %dma_wait3A_288] : memref<3200000x16xf32, #tpu.memory_space<hbm>> -> memref<128x16xf32, #tpu.memory_space<hbm>>
      %dma_wait3A_290 = arith.constant 0 : i32
      %dma_wait3A_291 = tpu.memref_slice %arg8[%dma_wait3A_284, %dma_wait3A_290] : memref<768x16xf32, #tpu.memory_space<vmem>> -> memref<128x16xf32, #tpu.memory_space<vmem>>
      %dma_wait3A_292 = arith.constant 0 : i32
      %dma_wait3A_293 = arith.constant 0 : i32
      %dma_wait3A_294 = tpu.memref_slice %arg3[%dma_wait3A_292, %dma_wait3A_293] : memref<3200000x16xf32, #tpu.memory_space<hbm>> -> memref<128x16xf32, #tpu.memory_space<hbm>>
      tpu.wait_dma2 semaphore(%arg10 : memref<!tpu.dma_semaphore, #tpu.memory_space<semaphore_mem>>) src(%dma_wait3A_294 : memref<128x16xf32, #tpu.memory_space<hbm>>) dst(%dma_wait3A_291 : memref<128x16xf32, #tpu.memory_space<vmem>>)
      %run_scoped3A_295 = arith.constant 0 : i32
      %run_scoped3A_296 = arith.constant 0 : i32
      "tpu.region"() ({
        %run_scoped3A_297 = tpu.sem_alloc : memref<!tpu.dma_semaphore, #tpu.memory_space<semaphore_mem>>
        %dma_start3A_298 = arith.constant 0 : i32
        %dma_start3A_299 = tpu.memref_slice %arg8[%run_scoped3A_295, %dma_start3A_298] : memref<768x16xf32, #tpu.memory_space<vmem>> -> memref<128x16xf32, #tpu.memory_space<vmem>>
        %dma_start3A_300 = arith.constant 0 : i32
        %dma_start3A_301 = tpu.memref_slice %arg6[%run_scoped3A_296, %dma_start3A_300] : memref<6x128xi32, #tpu.memory_space<vmem>> -> memref<1x128xi32, #tpu.memory_space<vmem>>
        %dma_start3A_302 = tpu.memref_squeeze %dma_start3A_301 : memref<1x128xi32, #tpu.memory_space<vmem>> -> memref<128xi32, #tpu.memory_space<vmem>>
        %dma_start3A_303 = arith.constant 0 : i32
        %dma_start3A_304 = arith.constant 0 : i32
        %dma_start3A_305 = tpu.memref_slice %arg5[%dma_start3A_303, %dma_start3A_304] : memref<100000x16xf32, #tpu.memory_space<vmem_shared>> -> memref<100000x16xf32, #tpu.memory_space<vmem_shared>>
        tpu.enqueue_indirect_dma source(%dma_start3A_299 : memref<128x16xf32, #tpu.memory_space<vmem>>) target(%dma_start3A_305 : memref<100000x16xf32, #tpu.memory_space<vmem_shared>>) offsets(%dma_start3A_302 : memref<128xi32, #tpu.memory_space<vmem>>) semaphore(%run_scoped3A_297 : memref<!tpu.dma_semaphore, #tpu.memory_space<semaphore_mem>>) {add = true}
        %dma_wait3A_306 = arith.constant 0 : i32
        %dma_wait3A_307 = tpu.memref_slice %arg8[%run_scoped3A_295, %dma_wait3A_306] : memref<768x16xf32, #tpu.memory_space<vmem>> -> memref<128x16xf32, #tpu.memory_space<vmem>>
        %dma_wait3A_308 = arith.constant 0 : i32
        %dma_wait3A_309 = tpu.memref_slice %arg6[%run_scoped3A_296, %dma_wait3A_308] : memref<6x128xi32, #tpu.memory_space<vmem>> -> memref<1x128xi32, #tpu.memory_space<vmem>>
        %dma_wait3A_310 = tpu.memref_squeeze %dma_wait3A_309 : memref<1x128xi32, #tpu.memory_space<vmem>> -> memref<128xi32, #tpu.memory_space<vmem>>
        %dma_wait3A_311 = arith.constant 0 : i32
        %dma_wait3A_312 = arith.constant 0 : i32
        %dma_wait3A_313 = tpu.memref_slice %arg5[%dma_wait3A_311, %dma_wait3A_312] : memref<100000x16xf32, #tpu.memory_space<vmem_shared>> -> memref<100000x16xf32, #tpu.memory_space<vmem_shared>>
        tpu.wait_indirect_dma semaphore(%run_scoped3A_297 : memref<!tpu.dma_semaphore, #tpu.memory_space<semaphore_mem>>) src(%dma_wait3A_307 : memref<128x16xf32, #tpu.memory_space<vmem>>) dst(%dma_wait3A_313 : memref<100000x16xf32, #tpu.memory_space<vmem_shared>>)
        tpu.yield
      }) : () -> ()
    }
    %while3A_242 = arith.constant 1 : i32
    scf.for %while3A_244 = %while3A_240 to %while3A_236 step %while3A_242  : i32 {
      %add3A_245 = arith.addi %add3A_30, %while3A_244 : i32
      %mul3A_246 = arith.constant 128 : i32
      %mul3A_247 = arith.muli %add3A_245, %mul3A_246 : i32
      %dma_start3A_248 = arith.constant 1 : i32
      %dma_start3A_249 = arith.constant 0 : i32
      %dma_start3A_250 = arith.constant 0 : i32
      %dma_start3A_251 = tpu.memref_slice %arg6[%dma_start3A_249, %dma_start3A_250] : memref<6x128xi32, #tpu.memory_space<vmem>> -> memref<1x128xi32, #tpu.memory_space<vmem>>
      %dma_start3A_252 = tpu.memref_squeeze %dma_start3A_251 : memref<1x128xi32, #tpu.memory_space<vmem>> -> memref<128xi32, #tpu.memory_space<vmem>>
      %dma_start3A_253 = tpu.memref_slice %arg2[%dma_start3A_248, %mul3A_247] : memref<2x3200000xi32, #tpu.memory_space<hbm>> -> memref<1x128xi32, #tpu.memory_space<hbm>>
      %dma_start3A_254 = tpu.memref_squeeze %dma_start3A_253 : memref<1x128xi32, #tpu.memory_space<hbm>> -> memref<128xi32, #tpu.memory_space<hbm>>
      %dma_start3A_255 = arith.constant 0 : i32
      %dma_start3A_256 = tpu.memref_slice %arg6[%dma_start3A_249, %dma_start3A_255] : memref<6x128xi32, #tpu.memory_space<vmem>> -> memref<1x128xi32, #tpu.memory_space<vmem>>
      %dma_start3A_257 = tpu.memref_squeeze %dma_start3A_256 : memref<1x128xi32, #tpu.memory_space<vmem>> -> memref<128xi32, #tpu.memory_space<vmem>>
      %dma_start3A_258 = tpu.memref_slice %arg2[%dma_start3A_248, %mul3A_247] : memref<2x3200000xi32, #tpu.memory_space<hbm>> -> memref<1x128xi32, #tpu.memory_space<hbm>>
      %dma_start3A_259 = tpu.memref_squeeze %dma_start3A_258 : memref<1x128xi32, #tpu.memory_space<hbm>> -> memref<128xi32, #tpu.memory_space<hbm>>
      tpu.enqueue_dma source(%dma_start3A_259 : memref<128xi32, #tpu.memory_space<hbm>>) target(%dma_start3A_257 : memref<128xi32, #tpu.memory_space<vmem>>) target_semaphore(%arg10 : memref<!tpu.dma_semaphore, #tpu.memory_space<semaphore_mem>>)
      %mul3A_260 = arith.constant 128 : i32
      %mul3A_261 = arith.muli %add3A_245, %mul3A_260 : i32
      %dma_start3A_262 = arith.constant 0 : i32
      %dma_start3A_263 = arith.constant 0 : i32
      %dma_start3A_264 = tpu.memref_slice %arg8[%dma_start3A_262, %dma_start3A_263] : memref<768x16xf32, #tpu.memory_space<vmem>> -> memref<128x16xf32, #tpu.memory_space<vmem>>
      %dma_start3A_265 = arith.constant 0 : i32
      %dma_start3A_266 = tpu.memref_slice %arg3[%mul3A_261, %dma_start3A_265] : memref<3200000x16xf32, #tpu.memory_space<hbm>> -> memref<128x16xf32, #tpu.memory_space<hbm>>
      %dma_start3A_267 = arith.constant 0 : i32
      %dma_start3A_268 = tpu.memref_slice %arg8[%dma_start3A_262, %dma_start3A_267] : memref<768x16xf32, #tpu.memory_space<vmem>> -> memref<128x16xf32, #tpu.memory_space<vmem>>
      %dma_start3A_269 = arith.constant 0 : i32
      %dma_start3A_270 = tpu.memref_slice %arg3[%mul3A_261, %dma_start3A_269] : memref<3200000x16xf32, #tpu.memory_space<hbm>> -> memref<128x16xf32, #tpu.memory_space<hbm>>
      tpu.enqueue_dma source(%dma_start3A_270 : memref<128x16xf32, #tpu.memory_space<hbm>>) target(%dma_start3A_268 : memref<128x16xf32, #tpu.memory_space<vmem>>) target_semaphore(%arg10 : memref<!tpu.dma_semaphore, #tpu.memory_space<semaphore_mem>>)
      %dma_wait3A = arith.constant 1 : i32
      %dma_wait3A_271 = arith.constant 0 : i32
      %dma_wait3A_272 = arith.constant 0 : i32
      %dma_wait3A_273 = tpu.memref_slice %arg6[%dma_wait3A_271, %dma_wait3A_272] : memref<6x128xi32, #tpu.memory_space<vmem>> -> memref<1x128xi32, #tpu.memory_space<vmem>>
      %dma_wait3A_274 = tpu.memref_squeeze %dma_wait3A_273 : memref<1x128xi32, #tpu.memory_space<vmem>> -> memref<128xi32, #tpu.memory_space<vmem>>
      %dma_wait3A_275 = arith.constant 0 : i32
      %dma_wait3A_276 = tpu.memref_slice %arg2[%dma_wait3A, %dma_wait3A_275] : memref<2x3200000xi32, #tpu.memory_space<hbm>> -> memref<1x128xi32, #tpu.memory_space<hbm>>
      %dma_wait3A_277 = tpu.memref_squeeze %dma_wait3A_276 : memref<1x128xi32, #tpu.memory_space<hbm>> -> memref<128xi32, #tpu.memory_space<hbm>>
      %dma_wait3A_278 = arith.constant 0 : i32
      %dma_wait3A_279 = tpu.memref_slice %arg6[%dma_wait3A_271, %dma_wait3A_278] : memref<6x128xi32, #tpu.memory_space<vmem>> -> memref<1x128xi32, #tpu.memory_space<vmem>>
      %dma_wait3A_280 = tpu.memref_squeeze %dma_wait3A_279 : memref<1x128xi32, #tpu.memory_space<vmem>> -> memref<128xi32, #tpu.memory_space<vmem>>
      %dma_wait3A_281 = arith.constant 0 : i32
      %dma_wait3A_282 = tpu.memref_slice %arg2[%dma_wait3A, %dma_wait3A_281] : memref<2x3200000xi32, #tpu.memory_space<hbm>> -> memref<1x128xi32, #tpu.memory_space<hbm>>
      %dma_wait3A_283 = tpu.memref_squeeze %dma_wait3A_282 : memref<1x128xi32, #tpu.memory_space<hbm>> -> memref<128xi32, #tpu.memory_space<hbm>>
      tpu.wait_dma2 semaphore(%arg10 : memref<!tpu.dma_semaphore, #tpu.memory_space<semaphore_mem>>) src(%dma_wait3A_283 : memref<128xi32, #tpu.memory_space<hbm>>) dst(%dma_wait3A_280 : memref<128xi32, #tpu.memory_space<vmem>>)
      %dma_wait3A_284 = arith.constant 0 : i32
      %dma_wait3A_285 = arith.constant 0 : i32
      %dma_wait3A_286 = tpu.memref_slice %arg8[%dma_wait3A_284, %dma_wait3A_285] : memref<768x16xf32, #tpu.memory_space<vmem>> -> memref<128x16xf32, #tpu.memory_space<vmem>>
      %dma_wait3A_287 = arith.constant 0 : i32
      %dma_wait3A_288 = arith.constant 0 : i32
      %dma_wait3A_289 = tpu.memref_slice %arg3[%dma_wait3A_287, %dma_wait3A_288] : memref<3200000x16xf32, #tpu.memory_space<hbm>> -> memref<128x16xf32, #tpu.memory_space<hbm>>
      %dma_wait3A_290 = arith.constant 0 : i32
      %dma_wait3A_291 = tpu.memref_slice %arg8[%dma_wait3A_284, %dma_wait3A_290] : memref<768x16xf32, #tpu.memory_space<vmem>> -> memref<128x16xf32, #tpu.memory_space<vmem>>
      %dma_wait3A_292 = arith.constant 0 : i32
      %dma_wait3A_293 = arith.constant 0 : i32
      %dma_wait3A_294 = tpu.memref_slice %arg3[%dma_wait3A_292, %dma_wait3A_293] : memref<3200000x16xf32, #tpu.memory_space<hbm>> -> memref<128x16xf32, #tpu.memory_space<hbm>>
      tpu.wait_dma2 semaphore(%arg10 : memref<!tpu.dma_semaphore, #tpu.memory_space<semaphore_mem>>) src(%dma_wait3A_294 : memref<128x16xf32, #tpu.memory_space<hbm>>) dst(%dma_wait3A_291 : memref<128x16xf32, #tpu.memory_space<vmem>>)
      %run_scoped3A_295 = arith.constant 0 : i32
      %run_scoped3A_296 = arith.constant 0 : i32
      "tpu.region"() ({
        %run_scoped3A_297 = tpu.sem_alloc : memref<!tpu.dma_semaphore, #tpu.memory_space<semaphore_mem>>
        %dma_start3A_298 = arith.constant 0 : i32
        %dma_start3A_299 = tpu.memref_slice %arg8[%run_scoped3A_295, %dma_start3A_298] : memref<768x16xf32, #tpu.memory_space<vmem>> -> memref<128x16xf32, #tpu.memory_space<vmem>>
        %dma_start3A_300 = arith.constant 0 : i32
        %dma_start3A_301 = tpu.memref_slice %arg6[%run_scoped3A_296, %dma_start3A_300] : memref<6x128xi32, #tpu.memory_space<vmem>> -> memref<1x128xi32, #tpu.memory_space<vmem>>
        %dma_start3A_302 = tpu.memref_squeeze %dma_start3A_301 : memref<1x128xi32, #tpu.memory_space<vmem>> -> memref<128xi32, #tpu.memory_space<vmem>>
        %dma_start3A_303 = arith.constant 0 : i32
        %dma_start3A_304 = arith.constant 0 : i32
        %dma_start3A_305 = tpu.memref_slice %arg5[%dma_start3A_303, %dma_start3A_304] : memref<100000x16xf32, #tpu.memory_space<vmem_shared>> -> memref<100000x16xf32, #tpu.memory_space<vmem_shared>>
        tpu.enqueue_indirect_dma source(%dma_start3A_299 : memref<128x16xf32, #tpu.memory_space<vmem>>) target(%dma_start3A_305 : memref<100000x16xf32, #tpu.memory_space<vmem_shared>>) offsets(%dma_start3A_302 : memref<128xi32, #tpu.memory_space<vmem>>) semaphore(%run_scoped3A_297 : memref<!tpu.dma_semaphore, #tpu.memory_space<semaphore_mem>>) {add = true}
        %dma_wait3A_306 = arith.constant 0 : i32
        %dma_wait3A_307 = tpu.memref_slice %arg8[%run_scoped3A_295, %dma_wait3A_306] : memref<768x16xf32, #tpu.memory_space<vmem>> -> memref<128x16xf32, #tpu.memory_space<vmem>>
        %dma_wait3A_308 = arith.constant 0 : i32
        %dma_wait3A_309 = tpu.memref_slice %arg6[%run_scoped3A_296, %dma_wait3A_308] : memref<6x128xi32, #tpu.memory_space<vmem>> -> memref<1x128xi32, #tpu.memory_space<vmem>>
        %dma_wait3A_310 = tpu.memref_squeeze %dma_wait3A_309 : memref<1x128xi32, #tpu.memory_space<vmem>> -> memref<128xi32, #tpu.memory_space<vmem>>
        %dma_wait3A_311 = arith.constant 0 : i32
        %dma_wait3A_312 = arith.constant 0 : i32
        %dma_wait3A_313 = tpu.memref_slice %arg5[%dma_wait3A_311, %dma_wait3A_312] : memref<100000x16xf32, #tpu.memory_space<vmem_shared>> -> memref<100000x16xf32, #tpu.memory_space<vmem_shared>>
        tpu.wait_indirect_dma semaphore(%run_scoped3A_297 : memref<!tpu.dma_semaphore, #tpu.memory_space<semaphore_mem>>) src(%dma_wait3A_307 : memref<128x16xf32, #tpu.memory_space<vmem>>) dst(%dma_wait3A_313 : memref<100000x16xf32, #tpu.memory_space<vmem_shared>>)
        tpu.yield
      }) : () -> ()
    }
    %barrier3A_243 = arith.constant 0 : index
    tpu.barrier barrier_id(%barrier3A_243)
    "tpu.region"() ({
      %run_scoped3A_244 = tpu.sem_alloc : memref<!tpu.dma_semaphore, #tpu.memory_space<semaphore_mem>>
      %dma_start3A_245 = arith.constant 0 : i32
      %dma_start3A_246 = tpu.memref_slice %arg4[%arg0, %mul3A_13, %dma_start3A_245] : memref<2x100000x16xf32, #tpu.memory_space<hbm>> -> memref<1x6250x16xf32, #tpu.memory_space<hbm>>
      %dma_start3A_247 = tpu.memref_squeeze %dma_start3A_246 : memref<1x6250x16xf32, #tpu.memory_space<hbm>> -> memref<6250x16xf32, #tpu.memory_space<hbm>>
      %dma_start3A_248 = arith.constant 0 : i32
      %dma_start3A_249 = tpu.memref_slice %arg5[%mul3A_13, %dma_start3A_248] : memref<100000x16xf32, #tpu.memory_space<vmem_shared>> -> memref<6250x16xf32, #tpu.memory_space<vmem_shared>>
      tpu.enqueue_dma source(%dma_start3A_249 : memref<6250x16xf32, #tpu.memory_space<vmem_shared>>) target(%dma_start3A_247 : memref<6250x16xf32, #tpu.memory_space<hbm>>) target_semaphore(%run_scoped3A_244 : memref<!tpu.dma_semaphore, #tpu.memory_space<semaphore_mem>>)
      %dma_wait3A = arith.constant 0 : i32
      %dma_wait3A_250 = tpu.memref_slice %arg4[%arg0, %mul3A_13, %dma_wait3A] : memref<2x100000x16xf32, #tpu.memory_space<hbm>> -> memref<1x6250x16xf32, #tpu.memory_space<hbm>>
      %dma_wait3A_251 = tpu.memref_squeeze %dma_wait3A_250 : memref<1x6250x16xf32, #tpu.memory_space<hbm>> -> memref<6250x16xf32, #tpu.memory_space<hbm>>
      %dma_wait3A_252 = arith.constant 0 : i32
      %dma_wait3A_253 = tpu.memref_slice %arg5[%mul3A_13, %dma_wait3A_252] : memref<100000x16xf32, #tpu.memory_space<vmem_shared>> -> memref<6250x16xf32, #tpu.memory_space<vmem_shared>>
      tpu.wait_dma2 semaphore(%run_scoped3A_244 : memref<!tpu.dma_semaphore, #tpu.memory_space<semaphore_mem>>) src(%dma_wait3A_253 : memref<6250x16xf32, #tpu.memory_space<vmem_shared>>) dst(%dma_wait3A_251 : memref<6250x16xf32, #tpu.memory_space<hbm>>)
      tpu.yield
    }) : () -> ()
    return
  }
}

#map = affine_map<(d0, d1) -> (0, 0, 0)>
#map1 = affine_map<(d0, d1) -> (0, 0)>
module attributes {stable_mosaic.version = 14 : i64} {
  func.func @_cmb_body(%arg0: i32, %arg1: i32, %arg2: memref<2x100000x16xf32, #tpu.memory_space<hbm>>, %arg3: memref<100000x16xf32, #tpu.memory_space<hbm>>, %arg4: memref<625x16xf32, #tpu.memory_space<vmem>>, %arg5: memref<625x16xf32, #tpu.memory_space<vmem>>, %arg6: memref<625x16xf32, #tpu.memory_space<vmem>>, %arg7: memref<!tpu.dma_semaphore, #tpu.memory_space<semaphore_mem>>) attributes {dimension_semantics = [#tpu.dimension_semantics<core_parallel>, #tpu.dimension_semantics<subcore_parallel>], iteration_bounds = array<i64: 2, 16>, scalar_prefetch = 0 : i64, scratch_operands = 4 : i64, tpu.core_type = #tpu.core_type<sc_vector_subcore>, window_params = [{transform_indices = #map}, {transform_indices = #map1}]} {
    %mul3A = arith.constant 16 : i32
    %mul3A_0 = arith.muli %arg0, %mul3A : i32
    %add3A = arith.addi %mul3A_0, %arg1 : i32
    %mul3A_1 = arith.constant 3125 : i32
    %mul3A_2 = arith.muli %add3A, %mul3A_1 : i32
    %while3A = arith.constant 0 : i32
    %while3A_3 = arith.constant 0 : i32
    %while3A_4 = arith.constant 5 : i32
    %while3A_5 = arith.subi %while3A_4, %while3A_3 : i32
    %while3A_6 = arith.addi %while3A_3, %while3A_5 : i32
    %while3A_7 = arith.constant 1 : i32
    %while3A_8 = arith.divsi %while3A_5, %while3A_7 : i32
    %while3A_9 = arith.muli %while3A_8, %while3A_7 : i32
    %while3A_10 = arith.addi %while3A_3, %while3A_9 : i32
    %while3A_11 = arith.constant 1 : i32
    scf.for %while3A_13 = %while3A_3 to %while3A_10 step %while3A_11  : i32 {
      %mul3A_14 = arith.constant 625 : i32
      %mul3A_15 = arith.muli %while3A_13, %mul3A_14 : i32
      %add3A_16 = arith.addi %mul3A_2, %mul3A_15 : i32
      %dma_start3A = arith.constant 0 : i32
      %dma_start3A_17 = arith.constant 0 : i32
      %dma_start3A_18 = tpu.memref_slice %arg2[%dma_start3A, %add3A_16, %dma_start3A_17] : memref<2x100000x16xf32, #tpu.memory_space<hbm>> -> memref<1x625x16xf32, #tpu.memory_space<hbm>>
      %dma_start3A_19 = tpu.memref_squeeze %dma_start3A_18 : memref<1x625x16xf32, #tpu.memory_space<hbm>> -> memref<625x16xf32, #tpu.memory_space<hbm>>
      %dma_start3A_20 = arith.constant 0 : i32
      %dma_start3A_21 = tpu.memref_slice %arg2[%dma_start3A, %add3A_16, %dma_start3A_20] : memref<2x100000x16xf32, #tpu.memory_space<hbm>> -> memref<1x625x16xf32, #tpu.memory_space<hbm>>
      %dma_start3A_22 = tpu.memref_squeeze %dma_start3A_21 : memref<1x625x16xf32, #tpu.memory_space<hbm>> -> memref<625x16xf32, #tpu.memory_space<hbm>>
      tpu.enqueue_dma source(%dma_start3A_22 : memref<625x16xf32, #tpu.memory_space<hbm>>) target(%arg4 : memref<625x16xf32, #tpu.memory_space<vmem>>) target_semaphore(%arg7 : memref<!tpu.dma_semaphore, #tpu.memory_space<semaphore_mem>>)
      %dma_start3A_23 = arith.constant 1 : i32
      %dma_start3A_24 = arith.constant 0 : i32
      %dma_start3A_25 = tpu.memref_slice %arg2[%dma_start3A_23, %add3A_16, %dma_start3A_24] : memref<2x100000x16xf32, #tpu.memory_space<hbm>> -> memref<1x625x16xf32, #tpu.memory_space<hbm>>
      %dma_start3A_26 = tpu.memref_squeeze %dma_start3A_25 : memref<1x625x16xf32, #tpu.memory_space<hbm>> -> memref<625x16xf32, #tpu.memory_space<hbm>>
      %dma_start3A_27 = arith.constant 0 : i32
      %dma_start3A_28 = tpu.memref_slice %arg2[%dma_start3A_23, %add3A_16, %dma_start3A_27] : memref<2x100000x16xf32, #tpu.memory_space<hbm>> -> memref<1x625x16xf32, #tpu.memory_space<hbm>>
      %dma_start3A_29 = tpu.memref_squeeze %dma_start3A_28 : memref<1x625x16xf32, #tpu.memory_space<hbm>> -> memref<625x16xf32, #tpu.memory_space<hbm>>
      tpu.enqueue_dma source(%dma_start3A_29 : memref<625x16xf32, #tpu.memory_space<hbm>>) target(%arg5 : memref<625x16xf32, #tpu.memory_space<vmem>>) target_semaphore(%arg7 : memref<!tpu.dma_semaphore, #tpu.memory_space<semaphore_mem>>)
      %dma_wait3A = arith.constant 0 : i32
      %dma_wait3A_30 = arith.constant 0 : i32
      %dma_wait3A_31 = arith.constant 0 : i32
      %dma_wait3A_32 = tpu.memref_slice %arg2[%dma_wait3A, %dma_wait3A_30, %dma_wait3A_31] : memref<2x100000x16xf32, #tpu.memory_space<hbm>> -> memref<1x625x16xf32, #tpu.memory_space<hbm>>
      %dma_wait3A_33 = tpu.memref_squeeze %dma_wait3A_32 : memref<1x625x16xf32, #tpu.memory_space<hbm>> -> memref<625x16xf32, #tpu.memory_space<hbm>>
      %dma_wait3A_34 = arith.constant 0 : i32
      %dma_wait3A_35 = arith.constant 0 : i32
      %dma_wait3A_36 = tpu.memref_slice %arg2[%dma_wait3A, %dma_wait3A_34, %dma_wait3A_35] : memref<2x100000x16xf32, #tpu.memory_space<hbm>> -> memref<1x625x16xf32, #tpu.memory_space<hbm>>
      %dma_wait3A_37 = tpu.memref_squeeze %dma_wait3A_36 : memref<1x625x16xf32, #tpu.memory_space<hbm>> -> memref<625x16xf32, #tpu.memory_space<hbm>>
      tpu.wait_dma2 semaphore(%arg7 : memref<!tpu.dma_semaphore, #tpu.memory_space<semaphore_mem>>) src(%dma_wait3A_37 : memref<625x16xf32, #tpu.memory_space<hbm>>) dst(%arg4 : memref<625x16xf32, #tpu.memory_space<vmem>>)
      %dma_wait3A_38 = arith.constant 1 : i32
      %dma_wait3A_39 = arith.constant 0 : i32
      %dma_wait3A_40 = arith.constant 0 : i32
      %dma_wait3A_41 = tpu.memref_slice %arg2[%dma_wait3A_38, %dma_wait3A_39, %dma_wait3A_40] : memref<2x100000x16xf32, #tpu.memory_space<hbm>> -> memref<1x625x16xf32, #tpu.memory_space<hbm>>
      %dma_wait3A_42 = tpu.memref_squeeze %dma_wait3A_41 : memref<1x625x16xf32, #tpu.memory_space<hbm>> -> memref<625x16xf32, #tpu.memory_space<hbm>>
      %dma_wait3A_43 = arith.constant 0 : i32
      %dma_wait3A_44 = arith.constant 0 : i32
      %dma_wait3A_45 = tpu.memref_slice %arg2[%dma_wait3A_38, %dma_wait3A_43, %dma_wait3A_44] : memref<2x100000x16xf32, #tpu.memory_space<hbm>> -> memref<1x625x16xf32, #tpu.memory_space<hbm>>
      %dma_wait3A_46 = tpu.memref_squeeze %dma_wait3A_45 : memref<1x625x16xf32, #tpu.memory_space<hbm>> -> memref<625x16xf32, #tpu.memory_space<hbm>>
      tpu.wait_dma2 semaphore(%arg7 : memref<!tpu.dma_semaphore, #tpu.memory_space<semaphore_mem>>) src(%dma_wait3A_46 : memref<625x16xf32, #tpu.memory_space<hbm>>) dst(%arg5 : memref<625x16xf32, #tpu.memory_space<vmem>>)
      %while3A_47 = arith.constant 0 : i32
      %while3A_48 = arith.constant 0 : i32
      %while3A_49 = arith.constant 625 : i32
      %while3A_50 = arith.subi %while3A_49, %while3A_48 : i32
      %while3A_51 = arith.addi %while3A_48, %while3A_50 : i32
      %while3A_52 = arith.constant 1 : i32
      %while3A_53 = arith.divsi %while3A_50, %while3A_52 : i32
      %while3A_54 = arith.muli %while3A_53, %while3A_52 : i32
      %while3A_55 = arith.addi %while3A_48, %while3A_54 : i32
      %while3A_56 = arith.constant 1 : i32
      scf.for %while3A_58 = %while3A_48 to %while3A_55 step %while3A_56  : i32 {
        %get3A = arith.index_cast %while3A_58 : i32 to index
        %get3A_59 = arith.constant 0 : index
        %get3A_60 = tpu.vector_load %arg4[%get3A, %get3A_59] {strides = array<i32>} : memref<625x16xf32, #tpu.memory_space<vmem>>, vector<16xf32>,
        %get3A_61 = arith.index_cast %while3A_58 : i32 to index
        %get3A_62 = arith.constant 0 : index
        %get3A_63 = tpu.vector_load %arg5[%get3A_61, %get3A_62] {strides = array<i32>} : memref<625x16xf32, #tpu.memory_space<vmem>>, vector<16xf32>,
        %add3A_64 = arith.addf %get3A_60, %get3A_63 : vector<16xf32>
        %swap3A = arith.index_cast %while3A_58 : i32 to index
        %swap3A_65 = arith.constant 0 : index
        %swap3A_66 = tpu.vector_load %arg6[%swap3A, %swap3A_65] {strides = array<i32>} : memref<625x16xf32, #tpu.memory_space<vmem>>, vector<16xf32>,
        tpu.vector_store %arg6[%swap3A, %swap3A_65], %add3A_64 {strides = array<i32>} : memref<625x16xf32, #tpu.memory_space<vmem>>, vector<16xf32>,
      }
      %while3A_57 = arith.constant 1 : i32
      scf.for %while3A_58 = %while3A_55 to %while3A_51 step %while3A_57  : i32 {
        %get3A = arith.index_cast %while3A_58 : i32 to index
        %get3A_59 = arith.constant 0 : index
        %get3A_60 = tpu.vector_load %arg4[%get3A, %get3A_59] {strides = array<i32>} : memref<625x16xf32, #tpu.memory_space<vmem>>, vector<16xf32>,
        %get3A_61 = arith.index_cast %while3A_58 : i32 to index
        %get3A_62 = arith.constant 0 : index
        %get3A_63 = tpu.vector_load %arg5[%get3A_61, %get3A_62] {strides = array<i32>} : memref<625x16xf32, #tpu.memory_space<vmem>>, vector<16xf32>,
        %add3A_64 = arith.addf %get3A_60, %get3A_63 : vector<16xf32>
        %swap3A = arith.index_cast %while3A_58 : i32 to index
        %swap3A_65 = arith.constant 0 : index
        %swap3A_66 = tpu.vector_load %arg6[%swap3A, %swap3A_65] {strides = array<i32>} : memref<625x16xf32, #tpu.memory_space<vmem>>, vector<16xf32>,
        tpu.vector_store %arg6[%swap3A, %swap3A_65], %add3A_64 {strides = array<i32>} : memref<625x16xf32, #tpu.memory_space<vmem>>, vector<16xf32>,
      }
      "tpu.region"() ({
        %run_scoped3A = tpu.sem_alloc : memref<!tpu.dma_semaphore, #tpu.memory_space<semaphore_mem>>
        %dma_start3A_58 = arith.constant 0 : i32
        %dma_start3A_59 = tpu.memref_slice %arg3[%add3A_16, %dma_start3A_58] : memref<100000x16xf32, #tpu.memory_space<hbm>> -> memref<625x16xf32, #tpu.memory_space<hbm>>
        %dma_start3A_60 = arith.constant 0 : i32
        %dma_start3A_61 = tpu.memref_slice %arg3[%add3A_16, %dma_start3A_60] : memref<100000x16xf32, #tpu.memory_space<hbm>> -> memref<625x16xf32, #tpu.memory_space<hbm>>
        tpu.enqueue_dma source(%arg6 : memref<625x16xf32, #tpu.memory_space<vmem>>) target(%dma_start3A_61 : memref<625x16xf32, #tpu.memory_space<hbm>>) target_semaphore(%run_scoped3A : memref<!tpu.dma_semaphore, #tpu.memory_space<semaphore_mem>>)
        %dma_wait3A_62 = arith.constant 0 : i32
        %dma_wait3A_63 = tpu.memref_slice %arg3[%add3A_16, %dma_wait3A_62] : memref<100000x16xf32, #tpu.memory_space<hbm>> -> memref<625x16xf32, #tpu.memory_space<hbm>>
        %dma_wait3A_64 = arith.constant 0 : i32
        %dma_wait3A_65 = tpu.memref_slice %arg3[%add3A_16, %dma_wait3A_64] : memref<100000x16xf32, #tpu.memory_space<hbm>> -> memref<625x16xf32, #tpu.memory_space<hbm>>
        tpu.wait_dma2 semaphore(%run_scoped3A : memref<!tpu.dma_semaphore, #tpu.memory_space<semaphore_mem>>) src(%arg6 : memref<625x16xf32, #tpu.memory_space<vmem>>) dst(%dma_wait3A_65 : memref<625x16xf32, #tpu.memory_space<hbm>>)
        tpu.yield
      }) : () -> ()
    }
    %while3A_12 = arith.constant 1 : i32
    scf.for %while3A_13 = %while3A_10 to %while3A_6 step %while3A_12  : i32 {
      %mul3A_14 = arith.constant 625 : i32
      %mul3A_15 = arith.muli %while3A_13, %mul3A_14 : i32
      %add3A_16 = arith.addi %mul3A_2, %mul3A_15 : i32
      %dma_start3A = arith.constant 0 : i32
      %dma_start3A_17 = arith.constant 0 : i32
      %dma_start3A_18 = tpu.memref_slice %arg2[%dma_start3A, %add3A_16, %dma_start3A_17] : memref<2x100000x16xf32, #tpu.memory_space<hbm>> -> memref<1x625x16xf32, #tpu.memory_space<hbm>>
      %dma_start3A_19 = tpu.memref_squeeze %dma_start3A_18 : memref<1x625x16xf32, #tpu.memory_space<hbm>> -> memref<625x16xf32, #tpu.memory_space<hbm>>
      %dma_start3A_20 = arith.constant 0 : i32
      %dma_start3A_21 = tpu.memref_slice %arg2[%dma_start3A, %add3A_16, %dma_start3A_20] : memref<2x100000x16xf32, #tpu.memory_space<hbm>> -> memref<1x625x16xf32, #tpu.memory_space<hbm>>
      %dma_start3A_22 = tpu.memref_squeeze %dma_start3A_21 : memref<1x625x16xf32, #tpu.memory_space<hbm>> -> memref<625x16xf32, #tpu.memory_space<hbm>>
      tpu.enqueue_dma source(%dma_start3A_22 : memref<625x16xf32, #tpu.memory_space<hbm>>) target(%arg4 : memref<625x16xf32, #tpu.memory_space<vmem>>) target_semaphore(%arg7 : memref<!tpu.dma_semaphore, #tpu.memory_space<semaphore_mem>>)
      %dma_start3A_23 = arith.constant 1 : i32
      %dma_start3A_24 = arith.constant 0 : i32
      %dma_start3A_25 = tpu.memref_slice %arg2[%dma_start3A_23, %add3A_16, %dma_start3A_24] : memref<2x100000x16xf32, #tpu.memory_space<hbm>> -> memref<1x625x16xf32, #tpu.memory_space<hbm>>
      %dma_start3A_26 = tpu.memref_squeeze %dma_start3A_25 : memref<1x625x16xf32, #tpu.memory_space<hbm>> -> memref<625x16xf32, #tpu.memory_space<hbm>>
      %dma_start3A_27 = arith.constant 0 : i32
      %dma_start3A_28 = tpu.memref_slice %arg2[%dma_start3A_23, %add3A_16, %dma_start3A_27] : memref<2x100000x16xf32, #tpu.memory_space<hbm>> -> memref<1x625x16xf32, #tpu.memory_space<hbm>>
      %dma_start3A_29 = tpu.memref_squeeze %dma_start3A_28 : memref<1x625x16xf32, #tpu.memory_space<hbm>> -> memref<625x16xf32, #tpu.memory_space<hbm>>
      tpu.enqueue_dma source(%dma_start3A_29 : memref<625x16xf32, #tpu.memory_space<hbm>>) target(%arg5 : memref<625x16xf32, #tpu.memory_space<vmem>>) target_semaphore(%arg7 : memref<!tpu.dma_semaphore, #tpu.memory_space<semaphore_mem>>)
      %dma_wait3A = arith.constant 0 : i32
      %dma_wait3A_30 = arith.constant 0 : i32
      %dma_wait3A_31 = arith.constant 0 : i32
      %dma_wait3A_32 = tpu.memref_slice %arg2[%dma_wait3A, %dma_wait3A_30, %dma_wait3A_31] : memref<2x100000x16xf32, #tpu.memory_space<hbm>> -> memref<1x625x16xf32, #tpu.memory_space<hbm>>
      %dma_wait3A_33 = tpu.memref_squeeze %dma_wait3A_32 : memref<1x625x16xf32, #tpu.memory_space<hbm>> -> memref<625x16xf32, #tpu.memory_space<hbm>>
      %dma_wait3A_34 = arith.constant 0 : i32
      %dma_wait3A_35 = arith.constant 0 : i32
      %dma_wait3A_36 = tpu.memref_slice %arg2[%dma_wait3A, %dma_wait3A_34, %dma_wait3A_35] : memref<2x100000x16xf32, #tpu.memory_space<hbm>> -> memref<1x625x16xf32, #tpu.memory_space<hbm>>
      %dma_wait3A_37 = tpu.memref_squeeze %dma_wait3A_36 : memref<1x625x16xf32, #tpu.memory_space<hbm>> -> memref<625x16xf32, #tpu.memory_space<hbm>>
      tpu.wait_dma2 semaphore(%arg7 : memref<!tpu.dma_semaphore, #tpu.memory_space<semaphore_mem>>) src(%dma_wait3A_37 : memref<625x16xf32, #tpu.memory_space<hbm>>) dst(%arg4 : memref<625x16xf32, #tpu.memory_space<vmem>>)
      %dma_wait3A_38 = arith.constant 1 : i32
      %dma_wait3A_39 = arith.constant 0 : i32
      %dma_wait3A_40 = arith.constant 0 : i32
      %dma_wait3A_41 = tpu.memref_slice %arg2[%dma_wait3A_38, %dma_wait3A_39, %dma_wait3A_40] : memref<2x100000x16xf32, #tpu.memory_space<hbm>> -> memref<1x625x16xf32, #tpu.memory_space<hbm>>
      %dma_wait3A_42 = tpu.memref_squeeze %dma_wait3A_41 : memref<1x625x16xf32, #tpu.memory_space<hbm>> -> memref<625x16xf32, #tpu.memory_space<hbm>>
      %dma_wait3A_43 = arith.constant 0 : i32
      %dma_wait3A_44 = arith.constant 0 : i32
      %dma_wait3A_45 = tpu.memref_slice %arg2[%dma_wait3A_38, %dma_wait3A_43, %dma_wait3A_44] : memref<2x100000x16xf32, #tpu.memory_space<hbm>> -> memref<1x625x16xf32, #tpu.memory_space<hbm>>
      %dma_wait3A_46 = tpu.memref_squeeze %dma_wait3A_45 : memref<1x625x16xf32, #tpu.memory_space<hbm>> -> memref<625x16xf32, #tpu.memory_space<hbm>>
      tpu.wait_dma2 semaphore(%arg7 : memref<!tpu.dma_semaphore, #tpu.memory_space<semaphore_mem>>) src(%dma_wait3A_46 : memref<625x16xf32, #tpu.memory_space<hbm>>) dst(%arg5 : memref<625x16xf32, #tpu.memory_space<vmem>>)
      %while3A_47 = arith.constant 0 : i32
      %while3A_48 = arith.constant 0 : i32
      %while3A_49 = arith.constant 625 : i32
      %while3A_50 = arith.subi %while3A_49, %while3A_48 : i32
      %while3A_51 = arith.addi %while3A_48, %while3A_50 : i32
      %while3A_52 = arith.constant 1 : i32
      %while3A_53 = arith.divsi %while3A_50, %while3A_52 : i32
      %while3A_54 = arith.muli %while3A_53, %while3A_52 : i32
      %while3A_55 = arith.addi %while3A_48, %while3A_54 : i32
      %while3A_56 = arith.constant 1 : i32
      scf.for %while3A_58 = %while3A_48 to %while3A_55 step %while3A_56  : i32 {
        %get3A = arith.index_cast %while3A_58 : i32 to index
        %get3A_59 = arith.constant 0 : index
        %get3A_60 = tpu.vector_load %arg4[%get3A, %get3A_59] {strides = array<i32>} : memref<625x16xf32, #tpu.memory_space<vmem>>, vector<16xf32>,
        %get3A_61 = arith.index_cast %while3A_58 : i32 to index
        %get3A_62 = arith.constant 0 : index
        %get3A_63 = tpu.vector_load %arg5[%get3A_61, %get3A_62] {strides = array<i32>} : memref<625x16xf32, #tpu.memory_space<vmem>>, vector<16xf32>,
        %add3A_64 = arith.addf %get3A_60, %get3A_63 : vector<16xf32>
        %swap3A = arith.index_cast %while3A_58 : i32 to index
        %swap3A_65 = arith.constant 0 : index
        %swap3A_66 = tpu.vector_load %arg6[%swap3A, %swap3A_65] {strides = array<i32>} : memref<625x16xf32, #tpu.memory_space<vmem>>, vector<16xf32>,
        tpu.vector_store %arg6[%swap3A, %swap3A_65], %add3A_64 {strides = array<i32>} : memref<625x16xf32, #tpu.memory_space<vmem>>, vector<16xf32>,
      }
      %while3A_57 = arith.constant 1 : i32
      scf.for %while3A_58 = %while3A_55 to %while3A_51 step %while3A_57  : i32 {
        %get3A = arith.index_cast %while3A_58 : i32 to index
        %get3A_59 = arith.constant 0 : index
        %get3A_60 = tpu.vector_load %arg4[%get3A, %get3A_59] {strides = array<i32>} : memref<625x16xf32, #tpu.memory_space<vmem>>, vector<16xf32>,
        %get3A_61 = arith.index_cast %while3A_58 : i32 to index
        %get3A_62 = arith.constant 0 : index
        %get3A_63 = tpu.vector_load %arg5[%get3A_61, %get3A_62] {strides = array<i32>} : memref<625x16xf32, #tpu.memory_space<vmem>>, vector<16xf32>,
        %add3A_64 = arith.addf %get3A_60, %get3A_63 : vector<16xf32>
        %swap3A = arith.index_cast %while3A_58 : i32 to index
        %swap3A_65 = arith.constant 0 : index
        %swap3A_66 = tpu.vector_load %arg6[%swap3A, %swap3A_65] {strides = array<i32>} : memref<625x16xf32, #tpu.memory_space<vmem>>, vector<16xf32>,
        tpu.vector_store %arg6[%swap3A, %swap3A_65], %add3A_64 {strides = array<i32>} : memref<625x16xf32, #tpu.memory_space<vmem>>, vector<16xf32>,
      }
      "tpu.region"() ({
        %run_scoped3A = tpu.sem_alloc : memref<!tpu.dma_semaphore, #tpu.memory_space<semaphore_mem>>
        %dma_start3A_58 = arith.constant 0 : i32
        %dma_start3A_59 = tpu.memref_slice %arg3[%add3A_16, %dma_start3A_58] : memref<100000x16xf32, #tpu.memory_space<hbm>> -> memref<625x16xf32, #tpu.memory_space<hbm>>
        %dma_start3A_60 = arith.constant 0 : i32
        %dma_start3A_61 = tpu.memref_slice %arg3[%add3A_16, %dma_start3A_60] : memref<100000x16xf32, #tpu.memory_space<hbm>> -> memref<625x16xf32, #tpu.memory_space<hbm>>
        tpu.enqueue_dma source(%arg6 : memref<625x16xf32, #tpu.memory_space<vmem>>) target(%dma_start3A_61 : memref<625x16xf32, #tpu.memory_space<hbm>>) target_semaphore(%run_scoped3A : memref<!tpu.dma_semaphore, #tpu.memory_space<semaphore_mem>>)
        %dma_wait3A_62 = arith.constant 0 : i32
        %dma_wait3A_63 = tpu.memref_slice %arg3[%add3A_16, %dma_wait3A_62] : memref<100000x16xf32, #tpu.memory_space<hbm>> -> memref<625x16xf32, #tpu.memory_space<hbm>>
        %dma_wait3A_64 = arith.constant 0 : i32
        %dma_wait3A_65 = tpu.memref_slice %arg3[%add3A_16, %dma_wait3A_64] : memref<100000x16xf32, #tpu.memory_space<hbm>> -> memref<625x16xf32, #tpu.memory_space<hbm>>
        tpu.wait_dma2 semaphore(%run_scoped3A : memref<!tpu.dma_semaphore, #tpu.memory_space<semaphore_mem>>) src(%arg6 : memref<625x16xf32, #tpu.memory_space<vmem>>) dst(%dma_wait3A_65 : memref<625x16xf32, #tpu.memory_space<hbm>>)
        tpu.yield
      }) : () -> ()
    }
    return
  }
}

</mosaic_0001>

<sc_bundles>
// kernel: kernel.4.cloned.1.call-start
scs
__scs_entry_jumppad:
0x0: {  	(pc) =	sbr.rel $0x88, $3  }
0x1: {  	(tag) =	ssettag $0x0;
	lr =	simm.s32 $0x1  }
0x2: {  	[smem:$0x3F9F] =	sst lr;
	_ =	strace $0xD0000000  }
0x3: {  	_ = 	snop  }
0x4: {  	_ = 	snop  }
0x5: {  	_ = 	snop  }
0x6: {  	_ = 	snop  }
0x7: {  	_ = 	snop  }
__scs_overlays_trampoline_lowered:
0x8: {  	[smem:$0x3FAE] =	sst s0  }
0x9: {  	[smem:$0x3FAF] =	sst s1  }
0xa: {  	[smem:$0x3FB0] =	sst s2  }
0xb: {  	[smem:$0x3FB1] =	sst s3  }
0xc: {  	[smem:$0x3FB2] =	sst s4  }
0xd: {  	[smem:$0x3FB3] =	sst s5  }
0xe: {  	[smem:$0x3FB4] =	sst s6  }
0xf: {  	[smem:$0x3FB5] =	sst s7  }
0x10: {  	[smem:$0x3FB6] =	sst s8  }
0x11: {  	[smem:$0x3FB7] =	sst s9;
	s0 =	simm.s32 @!p0 $0x0  }
0x12: {  	s1 =	sld [smem:$0x3F9D];
	s0 =	simm.s32 @p0 $0x1  }
0x13: {  	[smem:$0x3FB8] =	sst s0;
	s0 =	simm.s32 @!p1 $0x0  }
0x14: {  	s2 =	sld [smem:$0x3F9C];
	s0 =	simm.s32 @p1 $0x1  }
0x15: {  	[smem:$0x3FB9] =	sst s0;
	s0 =	simm.s32 @!p2 $0x0  }
0x16: {  	s3 =	sld [smem:$0x3FDB];
	s0 =	simm.s32 @p2 $0x1  }
0x17: {  	s4 =	simm.s32 $0x1BF5;
	[smem:$0x3FBB] =	sst s0  }
0x18: {  	s0 =	sld [smem:$0x3F9E];
	_ =	swait.ge [sflag:s4], $0x0  }
0x19: {  	s7 =	sld [smem:$0x3F9F]  }
0x1a: {  	s8 =	sadd.s32 $0xFFFFE003, lr  }
0x1b: {  	s9 =	sadd.s32 $0xFFFFFEF7, lr;
	s5 =	simm.s32 $0xFFFFFFFF;
	p2 =	slt.u32 s8, $0xFFFFF086  }
0x1c: {  	p1 =	slt.u32 s9, $0xF7A;
	s5 =	simm.s32 @!p2 $0x0  }
0x1d: {  	s5 =	simm.s32 @p1 $0x1;
	p0 =	seq.s32 s7, s2  }
0x1e: {  	s7 =	smul.u32 @!p0 $0xF7A, s2;
	p2 =	seq.s32 @!p0 s5, $0x0  }
0x1f: {  	s9 =	smul.u32 $0xF7A, s1;
	s8 =	simm.s32 @!p0 $0x1BF5;
	p2 =	por !p2, p0  }
0x20: {  	[sflag:s8] =	ssyncset.s32 @!p0 $0xFFFFF086;
	s6 =	sadd.s32 @!p0 s3, s7;
	s7 =	simm.s32 @!p0 $0x108  }
0x21: {  	s3 =	sadd.s32 s3, s9;
	s6 =	sadd.s32 @!p0 $0x88, s6;
	s7 =	simm.s32 @p2 $0x1082  }
0x22: {  	[simem:s7], [sflag:s8] =	dma.local @!p0 [hbm:s6], $0xF7A  }
0x23: {  	s9 =	sor.u32 $0xD0000000, s2;
	s6 =	simm.s32 $0x108;
	_ =	swait.ge @!p0 [sflag:s8], $0x0  }
0x24: {  	s3 =	sadd.s32 $0x88, s3;
	s6 =	simm.s32 @!p1 $0x1082;
	[sflag:s4] =	ssyncset.s32 $0xFFFFF086  }
0x25: {  	[simem:s6], [sflag:s4] =	dma.local [hbm:s3], $0xF7A  }
0x26: {  	[smem:$0x3F9F] =	sst s1;
	(tag) =	ssettag s2;
	_ =	strace s9  }
0x27: {  	s1 =	sld [smem:$0x3FAF]  }
0x28: {  	s2 =	sld [smem:$0x3FB0]  }
0x29: {  	s4 =	sld [smem:$0x3FB2]  }
0x2a: {  	p0 =	seq.s32 s5, $0x0;
	s5 =	sld [smem:$0x3FB3]  }
0x2b: {  	s6 =	sld [smem:$0x3FB4]  }
0x2c: {  	s7 =	sld [smem:$0x3FB5]  }
0x2d: {  	s3 =	simm.s32 $0x108;
	s8 =	sld [smem:$0x3FB6]  }
0x2e: {  	s3 =	simm.s32 @!p0 $0x1082;
	s9 =	sld [smem:$0x3FB7]  }
0x2f: {  	lr =	sadd.s32 s0, s3;
	s0 =	sld [smem:$0x3FAE]  }
0x30: {  	s3 =	sld [smem:$0x3FB1]  }
0x31: {  	[smem:$0x3FBA] =	sst s10  }
0x32: {  	s10 =	sld [smem:$0x3FB8];
	_ =	sdelay $0x3  }
0x33: {  	p0 =	seq.s32 s10, $0x1;
	s10 =	sld [smem:$0x3FBA];
	_ =	sdelay $0x3  }
0x34: {  	[smem:$0x3FBA] =	sst s10  }
0x35: {  	s10 =	sld [smem:$0x3FB9];
	_ =	sdelay $0x3  }
0x36: {  	p1 =	seq.s32 s10, $0x1;
	s10 =	sld [smem:$0x3FBA];
	_ =	sdelay $0x3  }
0x37: {  	[smem:$0x3FBA] =	sst s10  }
0x38: {  	s10 =	sld [smem:$0x3FBB]  }
0x39: {  	_ = 	snop;
	(pc) =	sbr.ind lr, $3  }
0x3a: {  	_ = 	snop  }
0x3b: {  	_ = 	snop  }
0x3c: {  	p2 =	seq.s32 s10, $0x1;
	s10 =	sld [smem:$0x3FBA]  }
0x3d: {  	_ =	shalt  }
0x3e: {  	_ =	shalt  }
0x3f: {  	_ =	shalt  }
0x40: {  	_ =	shalt  }
0x41: {  	_ =	shalt  }
0x42: {  	_ =	shalt  }
0x43: {  	_ =	shalt  }
0x44: {  	_ =	shalt  }
0x45: {  	_ =	shalt  }
0x46: {  	_ =	shalt  }
0x47: {  	_ =	shalt  }
0x48: {  	_ =	shalt  }
0x49: {  	_ =	shalt  }
0x4a: {  	_ =	shalt  }
0x4b: {  	_ =	shalt  }
0x4c: {  	_ =	shalt  }
0x4d: {  	_ =	shalt  }
0x4e: {  	_ =	shalt  }
0x4f: {  	_ =	shalt  }
0x50: {  	_ =	shalt  }
0x51: {  	_ =	shalt  }
0x52: {  	_ =	shalt  }
0x53: {  	_ =	shalt  }
0x54: {  	_ =	shalt  }
0x55: {  	_ =	shalt  }
0x56: {  	_ =	shalt  }
0x57: {  	_ =	shalt  }
0x58: {  	_ =	shalt  }
0x59: {  	_ =	shalt  }
0x5a: {  	_ =	shalt  }
0x5b: {  	_ =	shalt  }
0x5c: {  	_ =	shalt  }
0x5d: {  	_ =	shalt  }
0x5e: {  	_ =	shalt  }
0x5f: {  	_ =	shalt  }
0x60: {  	_ =	shalt  }
0x61: {  	_ =	shalt  }
0x62: {  	_ =	shalt  }
0x63: {  	_ =	shalt  }
0x64: {  	_ =	shalt  }
0x65: {  	_ =	shalt  }
0x66: {  	_ =	shalt  }
0x67: {  	_ =	shalt  }
0x68: {  	_ =	shalt  }
0x69: {  	_ =	shalt  }
0x6a: {  	_ =	shalt  }
0x6b: {  	_ =	shalt  }
0x6c: {  	_ =	shalt  }
0x6d: {  	_ =	shalt  }
0x6e: {  	_ =	shalt  }
0x6f: {  	_ =	shalt  }
0x70: {  	_ =	shalt  }
0x71: {  	_ =	shalt  }
0x72: {  	_ =	shalt  }
0x73: {  	_ =	shalt  }
0x74: {  	_ =	shalt  }
0x75: {  	_ =	shalt  }
0x76: {  	_ =	shalt  }
0x77: {  	_ =	shalt  }
0x78: {  	_ =	shalt  }
0x79: {  	_ =	shalt  }
0x7a: {  	_ =	shalt  }
0x7b: {  	_ =	shalt  }
0x7c: {  	_ =	shalt  }
0x7d: {  	_ =	shalt  }
0x7e: {  	_ =	shalt  }
0x7f: {  	_ =	shalt  }
0x80: {  	_ =	shalt  }
0x81: {  	_ =	shalt  }
0x82: {  	_ =	shalt  }
0x83: {  	_ =	shalt  }
0x84: {  	_ =	shalt  }
0x85: {  	_ =	shalt  }
0x86: {  	_ =	shalt  }
0x87: {  	_ =	shalt  }
.Lfunc_end0:
.L_simem_size_0:
called_computation_lowered:
.L_overlay_start_0:
0x88: {  	s2 =	sld [smem:$0x3FD9]  }
0x89: {  	s3 =	sld [smem:$0x3FFE];
	_ =	sdelay $0x1  }
0x8a: {  	s1 =	srdreg.scid  }
0x8b: {  	s0 =	sand.u32 $0x1, s1  }
0x8c: {  	s16 =	sshll.u32 s0, $0xA;
	s2 =	sadd.s32 s3, s2  }
0x8d: {  	s2 =	sadd.s32 s2, s16  }
0x8e: {  	[smem:$0x3FC6] =	sst s2  }
0x8f: {  	_ = 	snop  }
0x90: {  	(tm) =	ssettm $0x1  }
0x91: {  	s17 =	sld [smem:$0x3FFB];
	_ =	sdelay $0x3  }
0x92: {  	_ =	strace s17  }
0x93: {  	s2 =	sld [smem:$0x3FFC];
	_ =	sdelay $0x3  }
0x94: {  	_ =	strace s2  }
0x95: {  	s2 =	sld [smem:$0x3FFD];
	_ =	sdelay $0x3  }
0x96: {  	_ =	strace s2  }
0x97: {  	_ =	strace $0x8FFFFFFF  }
0x98: {  	s18 =	sld [smem:$0x3FDB];
	_ =	sdelay $0x1  }
0x99: {  	s19 =	simm.s32 $_scs_section_size  }
0x9a: {  	s4 =	simm.s32 $_size__tile_overlayer_lowered;
	s5 =	simm.s32 $_tile_overlayer_lowered  }
0x9b: {  	s22 =	simm.s32 $0x1BFF;
	s21 =	sshll.u32 s5, $0x1;
	s2 =	sadd.s32 s19, s18  }
0x9c: {  	s6 =	simm.s32 $0x0;
	s20 =	sshll.u32 s4, $0x1;
	s4 =	sadd.s32 s21, s2  }
0x9d: {  	[timem:s6], [sflag:s22] =	dma.local [hbm:s4], s20  }
0x9e: {  	_ =	swait.ge [sflag:s22], s20  }
0x9f: {  	s3 =	ssub.s32 $0x0, s20;
	[sflag:s22] =	ssyncset.done $0x0  }
0xa0: {  	[sflag:s22] =	ssyncadd.s32 s3;
	_ =	sdelay $0x1  }
0xa1: {  	s23 =	simm.s32 $0x1B8B  }
0xa2: {  	_ =	swait.ge [sflag:s23], $0x1  }
0xa3: {  	[sflag:s23] =	ssyncset.done $0x0  }
0xa4: {  	s25 =	simm.s32 $0x1B8E;
	s24 =	sld [smem:$0x3FFE];
	[sflag:s23] =	ssyncadd.s32 $0xFFFFFFFF  }
0xa5: {  	s26 =	simm.s32 $execute0_lowered;
	[smem:$0x3FD2] =	sst s25  }
0xa6: {  	s4 =	sshll.u32 s26, $0x1;
	_ =	strace $0x80000046;
	[dreg:$0x1] =	wrdreg $0xFFFFFFFF  }
0xa7: {  	s28 =	simm.s32 $_size_execute0_lowered;
	s2 =	sadd.s32 s2, s4;
	[dreg:$0x0] =	wrdreg $0x0  }
0xa8: {  	s4 =	sshll.u32 s28, $0x1;
	[dreg:$0x2] =	wrdreg s2  }
0xa9: {  	[dreg:$0x3] =	wrdreg s4  }
0xaa: {  	[dreg:$0x4] =	wrdreg $0xC0  }
0xab: {  	_ =	task [dreg:s6], $0x5FFFF  }
0xac: {  	[dreg:$0x1] =	wrdreg $0xFFFFFFFF  }
0xad: {  	[dreg:$0x0] =	wrdreg $0x60  }
0xae: {  	[dreg:$0x2] =	wrdreg s24  }
0xaf: {  	[dreg:$0x3] =	wrdreg $0x0  }
0xb0: {  	[dreg:$0x4] =	wrdreg $0x9  }
0xb1: {  	_ =	task.clear_ibuf [dreg:s6], $0x5FFFF;
	_ =	strace $0x90000046  }
0xb2: {  	s29 =	simm.s32 $0x9;
	_ =	strace $0x80000048  }
0xb3: {  	_ =	swait.ge [sflag:s29], $0x1  }
0xb4: {  	[sflag:s29] =	ssyncadd.s32 $0xFFFFFFFF  }
0xb5: {  	_ =	strace $0x90000048  }
0xb6: {  	_ =	sfence  }
0xb7: {  	s30 =	sld [smem:$0x0];
	_ =	sdelay $0x2  }
0xb8: {  	s31 =	sshll.u32 s1, $0xD;
	s1 =	sshrl.u32 s1, $0x2  }
0xb9: {  	s3 =	sand.u32 $0x4000, s31;
	s1 =	sadd.s32 s1, s30  }
0xba: {  	s0 =	sor.u32 s3, s0;
	s1 =	sshll.u32 s1, $0x11  }
0xbb: {  	s0 =	sor.u32 s1, s0  }
0xbc: {  	s0 =	sadd.s32 $0x8F2B, s0  }
0xbd: {  	[sflag:s0] =	ssyncadd.remote.s32 $0x1  }
0xbe: {  	_ =	sfence.sel $0xFFFF  }
0xbf: {  	[dreg:$0x0] =	wrdreg $0xFFFFFFFF;
	(pc) =	sbr.abs _section_cstart, $3  }
0xc0: {  	[dreg:$0x1] =	wrdreg $0xFFFFFFFF  }
0xc1: {  	_ =	task.clear_ibuf [dreg:s6], $0x2FFFF;
	_ =	strace $0x9FFFFFFF  }
0xc2: {  	(tm) =	ssettm $0x7FFFFFFF  }
0xc3: {  	_ =	shalt  }
tec
execute0_lowered:
.L_overlay_start_1:
0x0: {  	(tag) =	ssettag $0x1  }
0x1: {  	s0 =	rddreg [dreg:$0x0]  }
0x2: {  	s1 =	rddreg [dreg:$0x1]  }
0x3: {  	s2 =	srdreg.scid;
	s13 =	stileid.u32  }
0x4: {  	s3 =	simm.s32 $0x0;
	s2 =	sand.u32 $0x1, s2;
	s6 =	smul.u32 $0x186A0, s13  }
0x5: {  	[smem:$0x7FF] =	sst s3;
	s4 =	sadd.s32 $0x800, s0;
	s9 =	smul.u32 $0x61A80, s13  }
0x6: {  	s5 =	smul.u32 $0x186A00, s2;
	s7 =	sshll.u32 s2, $0x4;
	s17 =	ssub.s32 $0x2, s2  }
0x7: {  	_ =	strace $0x80000047;
	s7 =	sor.u32 s13, s7;
	s12 =	sshrl.u32 s17, $0x1  }
0x8: {  	s9 =	sshrl.u32 s9, $0x2;
	s8 =	sadd.s32 s6, s5;
	s5 =	sadd.s32 $0x30D4800, s0  }
0x9: {  	s10 =	smul.u32 $0x30D, s7;
	s11 =	smin.u32 s7, $0x8;
	s15 =	sadd.s32 s9, s1  }
0xa: {  	p0 =	slt.u32 s7, $0x8;
	s6 =	sadd.s32 s6, s1;
	s8 =	sshrl.u32 s8, $0x3  }
0xb: {  	s6 =	sshrl.u32 s6, $0x3;
	[dreg:$0x3] =	wrdreg s15;
	s0 =	sadd.s32 s8, s0  }
0xc: {  	s10 =	sadd.s32 s11, s10;
	s8 =	ssub.s32 s17, s12;
	s12 =	simm.s32 $0x2  }
0xd: {  	[dreg:$0x1c] =	wrdreg s6;
	s18 =	sshll.u32 s10, $0x4;
	s12 =	simm.s32 @!p0 $0x1  }
0xe: {  	s10 =	sshll.u32 s10, $0x8;
	s0 =	sadd.s32 $0xC3E00, s0;
	[dreg:$0x4] =	wrdreg s12  }
0xf: {  	s7 =	sadd.s32 s4, s18;
	s16 =	sadd.s32 s5, s10;
	[dreg:$0x12] =	wrdreg s0  }
0x10: {  	s9 =	sadd.s32 $0x61A80, s7;
	[dreg:$0xb] =	wrdreg s16  }
0x11: {  	s19 =	sadd.s32 $0x61A90, s7;
	[dreg:$0x5] =	wrdreg s9  }
0x12: {  	s30 =	simm.s32 $0x189A0;
	s20 =	sadd.s32 $0x61AA0, s7;
	[dreg:$0x6] =	wrdreg s19  }
0x13: {  	s31 =	simm.s32 $0x18AA0;
	s21 =	sadd.s32 $0x61AB0, s7;
	[dreg:$0x7] =	wrdreg s20  }
0x14: {  	s23 =	smul.u32 $0x18680, s13;
	s22 =	sadd.s32 $0x61AC0, s7;
	[dreg:$0x8] =	wrdreg s21  }
0x15: {  	s13 =	smul.u32 $0x30D, s13;
	s14 =	sadd.s32 $0x61AD0, s7;
	[dreg:$0x9] =	wrdreg s22  }
0x16: {  	s24 =	sshll.u32 s11, $0x7;
	s25 =	sadd.s32 $0x61AE0, s7;
	[dreg:$0xa] =	wrdreg s14  }
0x17: {  	s6 =	simm.s32 $0x18A20;
	s17 =	sadd.s32 $0x61AF0, s7;
	[dreg:$0xc] =	wrdreg s25  }
0x18: {  	s9 =	smul.u32 $0x30D0, s2;
	[dreg:$0xd] =	wrdreg s17;
	s19 =	sadd.s32 $0x61B00, s7  }
0x19: {  	s2 =	smul.u32 $0x186800, s2;
	s20 =	sadd.s32 $0x61B10, s7;
	[dreg:$0xe] =	wrdreg s19  }
0x1a: {  	s21 =	sadd.s32 $0x61B20, s7;
	s7 =	sadd.s32 $0x61B30, s7;
	[dreg:$0xf] =	wrdreg s20  }
0x1b: {  	s22 =	smax.u32 s8, $0x1;
	[dreg:$0x10] =	wrdreg s21;
	s2 =	sadd.s32 s23, s2  }
0x1c: {  	s26 =	sadd.s32 s13, s9;
	s9 =	sor.u32 s9, s11;
	s14 =	sadd.s32 s24, s2  }
0x1d: {  	s18 =	sadd.s32 s11, s26;
	s24 =	sadd.s32 $0x30DF80, s14;
	s25 =	sadd.s32 $0x30DF00, s14  }
0x1e: {  	s11 =	sadd.s32 s13, s9;
	s26 =	sadd.s32 $0x30DE80, s14;
	s9 =	sadd.s32 $0x30DE00, s14  }
0x1f: {  	[dreg:$0x11] =	wrdreg s7;
	s10 =	sadd.s32 $0x30DD80, s14;
	s12 =	sadd.s32 $0x30DD00, s14  }
0x20: {  	s23 =	sshll.u32 s18, $0x8;
	s18 =	sadd.s32 $0x30DC80, s14;
	s20 =	sadd.s32 $0x30DC00, s14  }
0x21: {  	[dreg:$0x13] =	wrdreg s22;
	s21 =	sadd.s32 $0x30DB80, s14;
	s22 =	sadd.s32 $0x30DB00, s14  }
0x22: {  	s0 =	sadd.s32 s23, s5;
	s2 =	sshrl.u32 s24, $0x3;
	s7 =	sshrl.u32 s25, $0x3  }
0x23: {  	s8 =	sshrl.u32 s26, $0x3;
	s13 =	sshrl.u32 s12, $0x3;
	s19 =	sshrl.u32 s18, $0x3  }
0x24: {  	s23 =	sshrl.u32 s22, $0x3;
	s24 =	sadd.s32 $0x30DA80, s14;
	s26 =	sadd.s32 $0x30DA00, s14  }
0x25: {  	s18 =	sadd.s32 $0x600, s16;
	s22 =	sadd.s32 $0xC000, s15;
	s16 =	simm.s32 $0x3  }
0x26: {  	s2 =	sadd.s32 s2, s4;
	s7 =	sadd.s32 s7, s4;
	s29 =	sadd.s32 s13, s4  }
0x27: {  	s17 =	sadd.s32 $0x1200, s0;
	s0 =	sadd.s32 $0xC00, s0;
	[dreg:$0x1e] =	wrdreg s18  }
0x28: {  	s25 =	sshrl.u32 s24, $0x3;
	s12 =	sshrl.u32 s26, $0x3;
	[smem:$0x7FA] =	sst s22  }
0x29: {  	s13 =	sshll.u32 s11, $0x8;
	s26 =	sadd.s32 $0x325A00, s14;
	[dreg:$0x14] =	wrdreg s2  }
0x2a: {  	s24 =	sadd.s32 $0x12000, s15;
	s18 =	simm.s32 $0x186A0;
	[dreg:$0x15] =	wrdreg s7  }
0x2b: {  	s2 =	sadd.s32 s8, s4;
	s7 =	sshrl.u32 s10, $0x3;
	[dreg:$0x18] =	wrdreg s17  }
0x2c: {  	[dreg:$0x19] =	wrdreg s0;
	s0 =	sadd.s32 s19, s4;
	s10 =	sadd.s32 s25, s4  }
0x2d: {  	s11 =	sadd.s32 s12, s4;
	s14 =	sadd.s32 $0x30C00, s13;
	[smem:$0x7FC] =	sst s24  }
0x2e: {  	s17 =	sadd.s32 $0x18000, s15;
	s19 =	sadd.s32 $0x3000, s15;
	[dreg:$0x1a] =	wrdreg s26  }
0x2f: {  	s25 =	sadd.s32 $0x15000, s15;
	s12 =	simm.s32 $0x18BA0;
	[dreg:$0x16] =	wrdreg s2  }
0x30: {  	s13 =	simm.s32 $0x18C20;
	s2 =	sshrl.u32 s9, $0x3;
	[dreg:$0x1b] =	wrdreg s14  }
0x31: {  	s28 =	sadd.s32 s7, s4;
	s7 =	sshrl.u32 s21, $0x3;
	[dreg:$0x1d] =	wrdreg s17  }
0x32: {  	s9 =	sadd.s32 s23, s4;
	s17 =	simm.s32 $0x2;
	[dreg:$0x1f] =	wrdreg s19  }
0x33: {  	s21 =	sadd.s32 $0x9000, s15;
	s23 =	sadd.s32 $0xF000, s15;
	[smem:$0x7FD] =	sst s25  }
0x34: {  	s19 =	simm.s32 $0x1BCA0;
	s14 =	simm.s32 $0x1;
	[smem:$0x7F9] =	sst s21  }
0x35: {  	s25 =	simm.s32 $0x0;
	s2 =	sadd.s32 s2, s4;
	[smem:$0x7FB] =	sst s23  }
0x36: {  	s8 =	sadd.s32 s7, s4;
	s7 =	simm.s32 $0x18B20;
	[dreg:$0x17] =	wrdreg s2  }
0x37: {  	s2 =	sshrl.u32 s20, $0x3;
	s20 =	sadd.s32 $0x6000, s15;
	s15 =	simm.s32 $0x18CA0  }
0x38: {  	v0 =	vimm.f32 $0.0e+00;
	s2 =	sadd.s32 s2, s4;
	[smem:$0x7F8] =	sst s20;
	s20 =	simm.s32 $0x80  }
.LBB2_1:
0x39: {  	[smem:$0x7F7] =	sst s25;
	s21 =	simm.s32 $0x40;
	s22 =	simm.s32 $0x0  }
.LBB2_2:
0x3a: {  	p0 =	sne.s32 s21, $0xBFC0;
	[tilespmem:s22+$0x18CA0] =	vst v0;
	s22 =	smov.u32 s21;
	s21 =	sadd.s32 $0x40, s21  }
.Ltmp0:
0x3b: {  	(pc) =	sbr.rel @p0 .LBB2_2-.Ltmp0, $2  }
0x3c: {  	_ =	sdelay $0x2  }
0x3d: {  	s22 =	sshra.s32 s22, $0x2  }
0x3e: {  	[tilespmem:s22+$0x18CA0] =	vst v0;
	s21 =	rddreg [dreg:$0x3]  }
0x3f: {  	[spmem:s21] =	stream.linear.scatter [tilespmem:s15], [sflag:$0x3], $0x3000, $0x38;
	[tilespmem:$0x1ECA0] =	vst v63  }
0x40: {  	_ =	swait.ge [sflag:s16], $0x3000  }
0x41: {  	[sflag:s16] =	ssyncset.done $0x0  }
0x42: {  	s22 =	rddreg [dreg:$0x1f];
	[sflag:s16] =	ssyncadd.s32 $0xFFFFD000  }
0x43: {  	[spmem:s22] =	stream.linear.scatter [tilespmem:s15], [sflag:$0x3], $0x3000, $0x38;
	[tilespmem:$0x1ECA0] =	vst v63  }
0x44: {  	_ =	swait.ge [sflag:s16], $0x3000  }
0x45: {  	s23 =	sld [smem:$0x7F8]  }
0x46: {  	[sflag:s16] =	ssyncset.done $0x0  }
0x47: {  	[sflag:s16] =	ssyncadd.s32 $0xFFFFD000  }
0x48: {  	[spmem:s23] =	stream.linear.scatter [tilespmem:s15], [sflag:$0x3], $0x3000, $0x38;
	[tilespmem:$0x1ECA0] =	vst v63  }
0x49: {  	_ =	swait.ge [sflag:s16], $0x3000  }
0x4a: {  	s24 =	sld [smem:$0x7F9]  }
0x4b: {  	[sflag:s16] =	ssyncset.done $0x0  }
0x4c: {  	[sflag:s16] =	ssyncadd.s32 $0xFFFFD000  }
0x4d: {  	[spmem:s24] =	stream.linear.scatter [tilespmem:s15], [sflag:$0x3], $0x3000, $0x38;
	[tilespmem:$0x1ECA0] =	vst v63  }
0x4e: {  	_ =	swait.ge [sflag:s16], $0x3000  }
0x4f: {  	s25 =	sld [smem:$0x7FA]  }
0x50: {  	[sflag:s16] =	ssyncset.done $0x0  }
0x51: {  	[sflag:s16] =	ssyncadd.s32 $0xFFFFD000  }
0x52: {  	[spmem:s25] =	stream.linear.scatter [tilespmem:s15], [sflag:$0x3], $0x3000, $0x38;
	[tilespmem:$0x1ECA0] =	vst v63  }
0x53: {  	_ =	swait.ge [sflag:s16], $0x3000  }
0x54: {  	s26 =	sld [smem:$0x7FB]  }
0x55: {  	[sflag:s16] =	ssyncset.done $0x0  }
0x56: {  	[sflag:s16] =	ssyncadd.s32 $0xFFFFD000  }
0x57: {  	[spmem:s26] =	stream.linear.scatter [tilespmem:s15], [sflag:$0x3], $0x3000, $0x38;
	[tilespmem:$0x1ECA0] =	vst v63  }
0x58: {  	_ =	swait.ge [sflag:s16], $0x3000  }
0x59: {  	s22 =	sld [smem:$0x7FC]  }
0x5a: {  	[sflag:s16] =	ssyncset.done $0x0  }
0x5b: {  	[sflag:s16] =	ssyncadd.s32 $0xFFFFD000  }
0x5c: {  	[spmem:s22] =	stream.linear.scatter [tilespmem:s15], [sflag:$0x3], $0x3000, $0x38;
	[tilespmem:$0x1ECA0] =	vst v63  }
0x5d: {  	_ =	swait.ge [sflag:s16], $0x3000  }
0x5e: {  	s23 =	sld [smem:$0x7FD]  }
0x5f: {  	[sflag:s16] =	ssyncset.done $0x0  }
0x60: {  	[sflag:s16] =	ssyncadd.s32 $0xFFFFD000  }
0x61: {  	[spmem:s23] =	stream.linear.scatter [tilespmem:s15], [sflag:$0x3], $0x3000, $0x38;
	[tilespmem:$0x1ECA0] =	vst v63  }
0x62: {  	_ =	swait.ge [sflag:s16], $0x3000  }
0x63: {  	[sflag:s16] =	ssyncset.done $0x0  }
0x64: {  	s24 =	rddreg [dreg:$0x1d];
	[sflag:s16] =	ssyncadd.s32 $0xFFFFD000  }
0x65: {  	[spmem:s24] =	stream.linear.scatter [tilespmem:s15], [sflag:$0x3], $0x6A0, $0x38;
	[tilespmem:$0x1ECA0] =	vst v63  }
0x66: {  	_ =	swait.ge [sflag:s16], $0x6A0  }
0x67: {  	[sflag:s16] =	ssyncset.done $0x0  }
0x68: {  	[sflag:s16] =	ssyncadd.s32 $0xFFFFF960  }
0x69: {  	[bflag:$0x0] =	sbarrier.arrive $0xFFFF  }
0x6a: {  	s25 =	rddreg [dreg:$0x5]  }
0x6b: {  	s26 =	rddreg [dreg:$0x6]  }
0x6c: {  	s22 =	simm.s32 $0x0;
	s21 =	rddreg [dreg:$0x19]  }
0x6d: {  	[tilespmem:s18], [sflag:$0x1] =	stream.linear.gather [hbm4b:s25+s22], $0x80, $0x38;
	[tilespmem:$0x1ECA0] =	vst v63  }
0x6e: {  	s23 =	simm.s32 $0x18720;
	s25 =	rddreg [dreg:$0x8]  }
0x6f: {  	[tilespmem:s23], [sflag:$0x1] =	stream.linear.gather [hbm4b:s26+s22], $0x80, $0x38;
	[tilespmem:$0x1ECA0] =	vst v63  }
0x70: {  	s24 =	simm.s32 $0x187A0;
	s23 =	rddreg [dreg:$0x7]  }
0x71: {  	[tilespmem:s24], [sflag:$0x1] =	stream.linear.gather [hbm4b:s23+s22], $0x80, $0x38;
	[tilespmem:$0x1ECA0] =	vst v63  }
0x72: {  	s26 =	simm.s32 $0x18820;
	s23 =	rddreg [dreg:$0x9]  }
0x73: {  	[tilespmem:s26], [sflag:$0x1] =	stream.linear.gather [hbm4b:s25+s22], $0x80, $0x38;
	[tilespmem:$0x1ECA0] =	vst v63  }
0x74: {  	s24 =	simm.s32 $0x188A0;
	s25 =	rddreg [dreg:$0xa]  }
0x75: {  	[tilespmem:s24], [sflag:$0x1] =	stream.linear.gather [hbm4b:s23+s22], $0x80, $0x38;
	[tilespmem:$0x1ECA0] =	vst v63  }
0x76: {  	s26 =	simm.s32 $0x18920;
	s23 =	rddreg [dreg:$0xb]  }
0x77: {  	[tilespmem:s26], [sflag:$0x1] =	stream.linear.gather [hbm4b:s25+s22], $0x80, $0x38;
	[tilespmem:$0x1ECA0] =	vst v63  }
0x78: {  	s24 =	rddreg [dreg:$0xc]  }
0x79: {  	[tilespmem:s15], [sflag:$0x1] =	stream.linear.gather [hbm4b:s23+s22], $0x3000, $0x38;
	[tilespmem:$0x1ECA0] =	vst v63  }
0x7a: {  	s25 =	rddreg [dreg:$0xd]  }
0x7b: {  	[tilespmem:s30], [sflag:$0x2] =	stream.linear.gather [hbm4b:s24+s22], $0x80, $0x38;
	[tilespmem:$0x1ECA0] =	vst v63  }
0x7c: {  	s26 =	rddreg [dreg:$0xe]  }
0x7d: {  	[tilespmem:s6], [sflag:$0x2] =	stream.linear.gather [hbm4b:s25+s22], $0x80, $0x38;
	[tilespmem:$0x1ECA0] =	vst v63  }
0x7e: {  	s23 =	rddreg [dreg:$0xf]  }
0x7f: {  	[tilespmem:s31], [sflag:$0x2] =	stream.linear.gather [hbm4b:s26+s22], $0x80, $0x38;
	[tilespmem:$0x1ECA0] =	vst v63  }
0x80: {  	s24 =	rddreg [dreg:$0x10]  }
0x81: {  	[tilespmem:s7], [sflag:$0x2] =	stream.linear.gather [hbm4b:s23+s22], $0x80, $0x38;
	[tilespmem:$0x1ECA0] =	vst v63  }
0x82: {  	s25 =	rddreg [dreg:$0x11]  }
0x83: {  	[tilespmem:s12], [sflag:$0x2] =	stream.linear.gather [hbm4b:s24+s22], $0x80, $0x38;
	[tilespmem:$0x1ECA0] =	vst v63  }
0x84: {  	s26 =	rddreg [dreg:$0x1e]  }
0x85: {  	[tilespmem:s13], [sflag:$0x2] =	stream.linear.gather [hbm4b:s25+s22], $0x80, $0x38;
	[tilespmem:$0x1ECA0] =	vst v63  }
0x86: {  	s23 =	rddreg [dreg:$0x18]  }
0x87: {  	[tilespmem:s19], [sflag:$0x2] =	stream.linear.gather [hbm4b:s26+s22], $0x3000, $0x38;
	[tilespmem:$0x1ECA0] =	vst v63  }
.LBB2_4:
0x88: {  	_ =	swait.ge [sflag:s14], $0x80  }
0x89: {  	[sflag:s14] =	ssyncset.done $0x0  }
0x8a: {  	[sflag:s14] =	ssyncadd.s32 $0xFFFFFF80  }
0x8b: {  	_ =	swait.ge [sflag:s14], $0x80  }
0x8c: {  	[sflag:s14] =	ssyncset.done $0x0  }
0x8d: {  	[sflag:s14] =	ssyncadd.s32 $0xFFFFFF80  }
0x8e: {  	_ =	swait.ge [sflag:s14], $0x80  }
0x8f: {  	[sflag:s14] =	ssyncset.done $0x0  }
0x90: {  	[sflag:s14] =	ssyncadd.s32 $0xFFFFFF80  }
0x91: {  	_ =	swait.ge [sflag:s14], $0x80  }
0x92: {  	[sflag:s14] =	ssyncset.done $0x0  }
0x93: {  	[sflag:s14] =	ssyncadd.s32 $0xFFFFFF80  }
0x94: {  	_ =	swait.ge [sflag:s14], $0x80  }
0x95: {  	[sflag:s14] =	ssyncset.done $0x0  }
0x96: {  	[sflag:s14] =	ssyncadd.s32 $0xFFFFFF80  }
0x97: {  	_ =	swait.ge [sflag:s14], $0x80  }
0x98: {  	[sflag:s14] =	ssyncset.done $0x0  }
0x99: {  	[sflag:s14] =	ssyncadd.s32 $0xFFFFFF80  }
0x9a: {  	_ =	swait.ge [sflag:s14], $0x3000  }
0x9b: {  	[sflag:s14] =	ssyncset.done $0x0  }
0x9c: {  	[sflag:s14] =	ssyncadd.s32 $0xFFFFD000  }
0x9d: {  	[spmem:s1] =	stream.indirect.scatter.add.f32 [tilespmem:s15], [sflag:$0x3], $0x10, s18, s20, $0xb8;
	[tilespmem:$0x1ECA0] =	vst v63  }
0x9e: {  	_ =	swait.ge [sflag:s16], $0x800  }
0x9f: {  	[sflag:s16] =	ssyncset.done $0x0  }
0xa0: {  	s24 =	simm.s32 $0x18720;
	s25 =	simm.s32 $0x194A0;
	[sflag:s16] =	ssyncadd.s32 $0xFFFFF800  }
0xa1: {  	[spmem:s1] =	stream.indirect.scatter.add.f32 [tilespmem:s25], [sflag:$0x3], $0x10, s24, s20, $0xb8;
	[tilespmem:$0x1ECA0] =	vst v63  }
0xa2: {  	_ =	swait.ge [sflag:s16], $0x800  }
0xa3: {  	[sflag:s16] =	ssyncset.done $0x0  }
0xa4: {  	s26 =	simm.s32 $0x19CA0;
	s25 =	simm.s32 $0x187A0;
	[sflag:s16] =	ssyncadd.s32 $0xFFFFF800  }
0xa5: {  	[spmem:s1] =	stream.indirect.scatter.add.f32 [tilespmem:s26], [sflag:$0x3], $0x10, s25, s20, $0xb8;
	[tilespmem:$0x1ECA0] =	vst v63  }
0xa6: {  	_ =	swait.ge [sflag:s16], $0x800  }
0xa7: {  	[sflag:s16] =	ssyncset.done $0x0  }
0xa8: {  	s25 =	simm.s32 $0x18820;
	s26 =	simm.s32 $0x1A4A0;
	[sflag:s16] =	ssyncadd.s32 $0xFFFFF800  }
0xa9: {  	[spmem:s1] =	stream.indirect.scatter.add.f32 [tilespmem:s26], [sflag:$0x3], $0x10, s25, s20, $0xb8;
	[tilespmem:$0x1ECA0] =	vst v63  }
0xaa: {  	_ =	swait.ge [sflag:s16], $0x800  }
0xab: {  	[sflag:s16] =	ssyncset.done $0x0  }
0xac: {  	s25 =	simm.s32 $0x188A0;
	s26 =	simm.s32 $0x1ACA0;
	[sflag:s16] =	ssyncadd.s32 $0xFFFFF800  }
0xad: {  	[spmem:s1] =	stream.indirect.scatter.add.f32 [tilespmem:s26], [sflag:$0x3], $0x10, s25, s20, $0xb8;
	[tilespmem:$0x1ECA0] =	vst v63  }
0xae: {  	_ =	swait.ge [sflag:s16], $0x800  }
0xaf: {  	[sflag:s16] =	ssyncset.done $0x0  }
0xb0: {  	s25 =	simm.s32 $0x18920;
	s26 =	simm.s32 $0x1B4A0;
	[sflag:s16] =	ssyncadd.s32 $0xFFFFF800  }
0xb1: {  	[spmem:s1] =	stream.indirect.scatter.add.f32 [tilespmem:s26], [sflag:$0x3], $0x10, s25, s20, $0xb8;
	[tilespmem:$0x1ECA0] =	vst v63  }
0xb2: {  	p0 =	seq.s32 s22, $0x3000;
	_ =	swait.ge [sflag:s16], $0x800  }
0xb3: {  	s24 =	sadd.s32 @!p0 s22, s11;
	[sflag:s16] =	ssyncset.done $0x0  }
0xb4: {  	s25 =	simm.s32 @!p0 $0x0;
	s26 =	simm.s32 @!p0 $0x186A0;
	[sflag:s16] =	ssyncadd.s32 $0xFFFFF800  }
0xb5: {  	[tilespmem:s26], [sflag:$0x1] =	stream.linear.gather @!p0 [hbm4b:s24+s25], $0x80, $0x38;
	[tilespmem:$0x1ECA0] =	vst v63  }
0xb6: {  	s24 =	sadd.s32 @!p0 s22, s10;
	s26 =	simm.s32 @!p0 $0x18720  }
0xb7: {  	[tilespmem:s26], [sflag:$0x1] =	stream.linear.gather @!p0 [hbm4b:s24+s25], $0x80, $0x38;
	[tilespmem:$0x1ECA0] =	vst v63  }
0xb8: {  	s24 =	sadd.s32 @!p0 s22, s9;
	s26 =	simm.s32 @!p0 $0x187A0  }
0xb9: {  	[tilespmem:s26], [sflag:$0x1] =	stream.linear.gather @!p0 [hbm4b:s24+s25], $0x80, $0x38;
	[tilespmem:$0x1ECA0] =	vst v63  }
0xba: {  	s24 =	sadd.s32 @!p0 s22, s8;
	s26 =	simm.s32 @!p0 $0x18820  }
0xbb: {  	[tilespmem:s26], [sflag:$0x1] =	stream.linear.gather @!p0 [hbm4b:s24+s25], $0x80, $0x38;
	[tilespmem:$0x1ECA0] =	vst v63  }
0xbc: {  	s24 =	sadd.s32 @!p0 s22, s2;
	s26 =	simm.s32 @!p0 $0x188A0  }
0xbd: {  	[tilespmem:s26], [sflag:$0x1] =	stream.linear.gather @!p0 [hbm4b:s24+s25], $0x80, $0x38;
	[tilespmem:$0x1ECA0] =	vst v63  }
0xbe: {  	s24 =	sadd.s32 @!p0 s22, s0;
	s26 =	simm.s32 @!p0 $0x18920  }
0xbf: {  	[tilespmem:s26], [sflag:$0x1] =	stream.linear.gather @!p0 [hbm4b:s24+s25], $0x80, $0x38;
	[tilespmem:$0x1ECA0] =	vst v63  }
0xc0: {  	s24 =	simm.s32 @!p0 $0x18CA0  }
0xc1: {  	[tilespmem:s24], [sflag:$0x1] =	stream.linear.gather @!p0 [hbm4b:s21+s25], $0x3000, $0x38;
	[tilespmem:$0x1ECA0] =	vst v63  }
0xc2: {  	_ =	swait.ge [sflag:s17], $0x80  }
0xc3: {  	[sflag:s17] =	ssyncset.done $0x0  }
0xc4: {  	[sflag:s17] =	ssyncadd.s32 $0xFFFFFF80  }
0xc5: {  	_ =	swait.ge [sflag:s17], $0x80  }
0xc6: {  	[sflag:s17] =	ssyncset.done $0x0  }
0xc7: {  	[sflag:s17] =	ssyncadd.s32 $0xFFFFFF80  }
0xc8: {  	_ =	swait.ge [sflag:s17], $0x80  }
0xc9: {  	[sflag:s17] =	ssyncset.done $0x0  }
0xca: {  	[sflag:s17] =	ssyncadd.s32 $0xFFFFFF80  }
0xcb: {  	_ =	swait.ge [sflag:s17], $0x80  }
0xcc: {  	[sflag:s17] =	ssyncset.done $0x0  }
0xcd: {  	[sflag:s17] =	ssyncadd.s32 $0xFFFFFF80  }
0xce: {  	_ =	swait.ge [sflag:s17], $0x80  }
0xcf: {  	[sflag:s17] =	ssyncset.done $0x0  }
0xd0: {  	[sflag:s17] =	ssyncadd.s32 $0xFFFFFF80  }
0xd1: {  	_ =	swait.ge [sflag:s17], $0x80  }
0xd2: {  	[sflag:s17] =	ssyncset.done $0x0  }
0xd3: {  	[sflag:s17] =	ssyncadd.s32 $0xFFFFFF80  }
0xd4: {  	_ =	swait.ge [sflag:s17], $0x3000  }
0xd5: {  	[sflag:s17] =	ssyncset.done $0x0  }
0xd6: {  	[sflag:s17] =	ssyncadd.s32 $0xFFFFD000  }
0xd7: {  	[spmem:s1] =	stream.indirect.scatter.add.f32 [tilespmem:s19], [sflag:$0x3], $0x10, s30, s20, $0xb8;
	[tilespmem:$0x1ECA0] =	vst v63  }
0xd8: {  	_ =	swait.ge [sflag:s16], $0x800  }
0xd9: {  	[sflag:s16] =	ssyncset.done $0x0  }
0xda: {  	s26 =	simm.s32 $0x1C4A0;
	[sflag:s16] =	ssyncadd.s32 $0xFFFFF800  }
0xdb: {  	[spmem:s1] =	stream.indirect.scatter.add.f32 [tilespmem:s26], [sflag:$0x3], $0x10, s6, s20, $0xb8;
	[tilespmem:$0x1ECA0] =	vst v63  }
0xdc: {  	_ =	swait.ge [sflag:s16], $0x800  }
0xdd: {  	[sflag:s16] =	ssyncset.done $0x0  }
0xde: {  	s25 =	simm.s32 $0x1CCA0;
	[sflag:s16] =	ssyncadd.s32 $0xFFFFF800  }
0xdf: {  	[spmem:s1] =	stream.indirect.scatter.add.f32 [tilespmem:s25], [sflag:$0x3], $0x10, s31, s20, $0xb8;
	[tilespmem:$0x1ECA0] =	vst v63  }
0xe0: {  	_ =	swait.ge [sflag:s16], $0x800  }
0xe1: {  	[sflag:s16] =	ssyncset.done $0x0  }
0xe2: {  	s26 =	simm.s32 $0x1D4A0;
	[sflag:s16] =	ssyncadd.s32 $0xFFFFF800  }
0xe3: {  	[spmem:s1] =	stream.indirect.scatter.add.f32 [tilespmem:s26], [sflag:$0x3], $0x10, s7, s20, $0xb8;
	[tilespmem:$0x1ECA0] =	vst v63  }
0xe4: {  	_ =	swait.ge [sflag:s16], $0x800  }
0xe5: {  	[sflag:s16] =	ssyncset.done $0x0  }
0xe6: {  	s25 =	simm.s32 $0x1DCA0;
	[sflag:s16] =	ssyncadd.s32 $0xFFFFF800  }
0xe7: {  	[spmem:s1] =	stream.indirect.scatter.add.f32 [tilespmem:s25], [sflag:$0x3], $0x10, s12, s20, $0xb8;
	[tilespmem:$0x1ECA0] =	vst v63  }
0xe8: {  	_ =	swait.ge [sflag:s16], $0x800  }
0xe9: {  	[sflag:s16] =	ssyncset.done $0x0  }
.Ltmp1:
0xea: {  	s26 =	simm.s32 $0x1E4A0;
	[sflag:s16] =	ssyncadd.s32 $0xFFFFF800;
	(pc) =	sbr.rel @p0 .LBB2_6-.Ltmp1, $4  }
0xeb: {  	[spmem:s1] =	stream.indirect.scatter.add.f32 [tilespmem:s26], [sflag:$0x3], $0x10, s13, s20, $0xb8;
	[tilespmem:$0x1ECA0] =	vst v63  }
0xec: {  	_ =	swait.ge [sflag:s16], $0x800  }
0xed: {  	[sflag:s16] =	ssyncset.done $0x0  }
0xee: {  	[sflag:s16] =	ssyncadd.s32 $0xFFFFF800  }
0xef: {  	s24 =	sadd.s32 s22, s29  }
0xf0: {  	[tilespmem:s30], [sflag:$0x2] =	stream.linear.gather [hbm4b:s24+s3], $0x80, $0x38;
	[tilespmem:$0x1ECA0] =	vst v63  }
0xf1: {  	s26 =	sadd.s32 s22, s28;
	s25 =	rddreg [dreg:$0x17]  }
0xf2: {  	[tilespmem:s6], [sflag:$0x2] =	stream.linear.gather [hbm4b:s26+s3], $0x80, $0x38;
	[tilespmem:$0x1ECA0] =	vst v63  }
0xf3: {  	s24 =	sadd.s32 s22, s25;
	s26 =	rddreg [dreg:$0x16]  }
0xf4: {  	[tilespmem:s31], [sflag:$0x2] =	stream.linear.gather [hbm4b:s24+s3], $0x80, $0x38;
	[tilespmem:$0x1ECA0] =	vst v63  }
0xf5: {  	s25 =	rddreg [dreg:$0x15];
	s24 =	sadd.s32 s22, s26  }
0xf6: {  	[tilespmem:s7], [sflag:$0x2] =	stream.linear.gather [hbm4b:s24+s3], $0x80, $0x38;
	[tilespmem:$0x1ECA0] =	vst v63  }
0xf7: {  	s26 =	rddreg [dreg:$0x14];
	s24 =	sadd.s32 s22, s25  }
0xf8: {  	[tilespmem:s12], [sflag:$0x2] =	stream.linear.gather [hbm4b:s24+s3], $0x80, $0x38;
	[tilespmem:$0x1ECA0] =	vst v63  }
.Ltmp2:
0xf9: {  	s24 =	sadd.s32 s22, s26;
	(pc) =	sbr.rel .LBB2_4-.Ltmp2, $4  }
0xfa: {  	[tilespmem:s13], [sflag:$0x2] =	stream.linear.gather [hbm4b:s24+s3], $0x80, $0x38;
	[tilespmem:$0x1ECA0] =	vst v63  }
0xfb: {  	_ = 	snop  }
0xfc: {  	[tilespmem:s19], [sflag:$0x2] =	stream.linear.gather [hbm4b:s23+s3], $0x3000, $0x38;
	[tilespmem:$0x1ECA0] =	vst v63  }
0xfd: {  	s21 =	sadd.s32 $0xC00, s21;
	s22 =	sadd.s32 $0xC0, s22;
	s23 =	sadd.s32 $0xC00, s23  }
.LBB2_6:
0xfe: {  	s21 =	rddreg [dreg:$0x4]  }
0xff: {  	p1 =	sne.s32 s21, $0x1  }
.Ltmp3:
0x100: {  	_ = 	snop;
	(pc) =	sbr.rel @!p1 .LBB2_7-.Ltmp3, $3  }
0x101: {  	_ =	sdelay $0x1  }
0x102: {  	s26 =	rddreg [dreg:$0x1a]  }
0x103: {  	p0 =	por $0x0, $0x0;
	s21 =	sadd.s32 $0xFFFFFFFF, s21;
	s24 =	sshrl.u32 s26, $0x3  }
0x104: {  	s25 =	rddreg [dreg:$0x1b]  }
0x105: {  	s22 =	sadd.s32 s4, s24;
	s23 =	sand.u32 $0x1FFFFF00, s25  }
0x106: {  	[tilespmem:s18], [sflag:$0x1] =	stream.linear.gather [hbm4b:s22+s3], $0x80, $0x38;
	[tilespmem:$0x1ECA0] =	vst v63  }
0x107: {  	s24 =	sadd.s32 s5, s23  }
0x108: {  	[tilespmem:s15], [sflag:$0x1] =	stream.linear.gather [hbm4b:s24+s3], $0x800, $0x38;
	[tilespmem:$0x1ECA0] =	vst v63  }
0x109: {  	_ =	swait.ge [sflag:s14], $0x80  }
0x10a: {  	[sflag:s14] =	ssyncset.done $0x0  }
0x10b: {  	[sflag:s14] =	ssyncadd.s32 $0xFFFFFF80  }
0x10c: {  	p1 =	sne.s32 s21, $0x1;
	_ =	swait.ge [sflag:s14], $0x800  }
.Ltmp4:
0x10d: {  	[sflag:s14] =	ssyncset.done $0x0;
	(pc) =	sbr.rel @!p1 .LBB2_9-.Ltmp4, $4  }
0x10e: {  	p0 =	por $0x1, $0x1;
	[sflag:s14] =	ssyncadd.s32 $0xFFFFF800  }
0x10f: {  	[spmem:s1] =	stream.indirect.scatter.add.f32 [tilespmem:s15], [sflag:$0x3], $0x10, s18, s20, $0xb8;
	[tilespmem:$0x1ECA0] =	vst v63  }
0x110: {  	s22 =	sadd.s32 $0x80, s26;
	s23 =	sadd.s32 $0xFFFFFFFF, s21;
	_ =	swait.ge [sflag:s16], $0x800  }
0x111: {  	s21 =	sadd.s32 $0x100, s25;
	s24 =	sshrl.u32 s22, $0x3;
	[sflag:s16] =	ssyncset.done $0x0  }
.LBB2_10:
0x112: {  	s24 =	sadd.s32 s4, s24;
	s25 =	sand.u32 $0x1FFFFF00, s21;
	[sflag:s16] =	ssyncadd.s32 $0xFFFFF800  }
0x113: {  	[tilespmem:s18], [sflag:$0x1] =	stream.linear.gather [hbm4b:s24+s3], $0x80, $0x38;
	[tilespmem:$0x1ECA0] =	vst v63  }
0x114: {  	p1 =	sne.s32 s23, $0x1;
	s23 =	sadd.s32 $0xFFFFFFFF, s23;
	s24 =	sadd.s32 s5, s25  }
0x115: {  	[tilespmem:s15], [sflag:$0x1] =	stream.linear.gather [hbm4b:s24+s3], $0x800, $0x38;
	[tilespmem:$0x1ECA0] =	vst v63  }
0x116: {  	_ =	swait.ge [sflag:s14], $0x80  }
0x117: {  	[sflag:s14] =	ssyncset.done $0x0  }
0x118: {  	[sflag:s14] =	ssyncadd.s32 $0xFFFFFF80  }
0x119: {  	_ =	swait.ge [sflag:s14], $0x800  }
.Ltmp5:
0x11a: {  	[sflag:s14] =	ssyncset.done $0x0;
	(pc) =	sbr.rel @p1 .LBB2_10-.Ltmp5, $4  }
0x11b: {  	[sflag:s14] =	ssyncadd.s32 $0xFFFFF800  }
0x11c: {  	[spmem:s1] =	stream.indirect.scatter.add.f32 [tilespmem:s15], [sflag:$0x3], $0x10, s18, s20, $0xb8;
	[tilespmem:$0x1ECA0] =	vst v63  }
0x11d: {  	s22 =	sadd.s32 $0x80, s22;
	_ =	swait.ge [sflag:s16], $0x800  }
0x11e: {  	s21 =	sadd.s32 $0x100, s21;
	s24 =	sshrl.u32 s22, $0x3;
	[sflag:s16] =	ssyncset.done $0x0  }
0x11f: {  	s25 =	sld [smem:$0x7F7]  }
.LBB2_12:
0x120: {  	s22 =	sadd.s32 s4, s24;
	s21 =	sand.u32 $0x1FFFFF00, s21;
	[sflag:s16] =	ssyncadd.s32 @p0 $0xFFFFF800  }
0x121: {  	[tilespmem:s18], [sflag:$0x1] =	stream.linear.gather [hbm4b:s22+s3], $0x80, $0x38;
	[tilespmem:$0x1ECA0] =	vst v63  }
0x122: {  	s21 =	sadd.s32 s5, s21  }
0x123: {  	[tilespmem:s15], [sflag:$0x1] =	stream.linear.gather [hbm4b:s21+s3], $0x800, $0x38;
	[tilespmem:$0x1ECA0] =	vst v63  }
0x124: {  	_ =	swait.ge [sflag:s14], $0x80  }
0x125: {  	[sflag:s14] =	ssyncset.done $0x0  }
0x126: {  	[sflag:s14] =	ssyncadd.s32 $0xFFFFFF80  }
0x127: {  	_ =	swait.ge [sflag:s14], $0x800  }
0x128: {  	[sflag:s14] =	ssyncset.done $0x0  }
0x129: {  	[sflag:s14] =	ssyncadd.s32 $0xFFFFF800  }
0x12a: {  	[spmem:s1] =	stream.indirect.scatter.add.f32 [tilespmem:s15], [sflag:$0x3], $0x10, s18, s20, $0xb8;
	[tilespmem:$0x1ECA0] =	vst v63  }
0x12b: {  	_ =	swait.ge [sflag:s16], $0x800  }
0x12c: {  	[sflag:s16] =	ssyncset.done $0x0  }
0x12d: {  	[sflag:s16] =	ssyncadd.s32 $0xFFFFF800  }
0x12e: {  	s23 =	stileid.u32;
	[bflag:$0x0] =	sbarrier.arrive $0xFFFF  }
0x12f: {  	s21 =	sshll.u32 s23, $0x6;
	s24 =	rddreg [dreg:$0x12]  }
0x130: {  	s21 =	sor.u32 $0x1C03, s21;
	s23 =	rddreg [dreg:$0x1c]  }
0x131: {  	[hbm:s24], [sflag:s21] =	dma.local [spmem:s23], $0x30D4  }
0x132: {  	_ =	swait.ge [sflag:s16], $0x30D4  }
0x133: {  	s25 =	sadd.s32 $0x1, s25;
	s26 =	rddreg [dreg:$0x13]  }
0x134: {  	p0 =	sne.s32 s25, s26  }
.Ltmp6:
0x135: {  	_ = 	snop;
	(pc) =	sbr.rel @p0 .LBB2_1-.Ltmp6, $4  }
.Ltmp7:
0x136: {  	_ = 	snop;
	(pc) =	sbr.rel @!p0 .LBB2_13-.Ltmp7, $4  }
0x137: {  	_ = 	snop  }
0x138: {  	[sflag:s16] =	ssyncset.done $0x0  }
0x139: {  	[sflag:s16] =	ssyncadd.s32 $0xFFFFCF2C  }
0x13a: {  	_ = 	snop  }
.LBB2_7:
.Ltmp8:
0x13b: {  	(pc) =	sbr.rel .LBB2_12-.Ltmp8, $3  }
0x13c: {  	_ =	sdelay $0x1  }
0x13d: {  	s21 =	rddreg [dreg:$0x1b]  }
0x13e: {  	s25 =	sld [smem:$0x7F7]  }
.LBB2_9:
.Ltmp9:
0x13f: {  	(pc) =	sbr.rel .LBB2_12-.Ltmp9, $2  }
0x140: {  	_ =	sdelay $0x2  }
0x141: {  	s25 =	sld [smem:$0x7F7]  }
.LBB2_13:
0x142: {  	_ =	sfence.sel $0x180000  }
0x143: {  	[bflag:$0x0] =	sbarrier.arrive $0xFFFF  }
0x144: {  	_ =	strace $0x90000047  }
0x145: {  	s0 =	stileid.u32;
	[bflag:$0x2] =	sbarrier.arrive $0xFFFF  }
0x146: {  	p0 =	sne.s32 s0, $0x0;
	s0 =	rddreg [dreg:$0x2]  }
0x147: {  	s0 =	sadd.s32 @!p0 $0x100000, s0  }
0x148: {  	[sflag:s0] =	ssyncadd.tile.s32 @!p0 $0x1;
	_ =	shalt  }
.Lfunc_end2:
_tile_overlayer_lowered:
.L_overlay_start_2:
0x149: {  	(tag) =	ssettag $0x2  }
0x14a: {  	s0 =	rddreg [dreg:$0x0];
	s2 =	stileid.u32  }
0x14b: {  	s1 =	rddreg [dreg:$0x1];
	p0 =	sne.s32 s2, $0x0  }
0x14c: {  	s3 =	rddreg [dreg:$0x2];
	[bflag:$0x3] =	sbarrier.arrive $0xFFFF;
	s2 =	simm.s32 @!p0 $0x1C03  }
0x14d: {  	[timem:s3], [sflag:s2] =	dma.local @!p0 [hbm:s0], s1  }
0x14e: {  	s0 =	simm.s32 @!p0 $0x3  }
0x14f: {  	_ =	swait.ge @!p0 [sflag:s0], s1  }
0x150: {  	s1 =	ssub.s32 @!p0 $0x0, s1;
	[sflag:s0] =	ssyncset.done @!p0 $0x0  }
0x151: {  	[sflag:s0] =	ssyncadd.s32 @!p0 s1  }
0x152: {  	[bflag:$0x3] =	sbarrier.arrive $0xFFFF  }
0x153: {  	_ =	shalt  }

// kernel: kernel.7.cloned.1.call-start
scs
__scs_entry_jumppad:
0x0: {  	(pc) =	sbr.rel $0x88, $3  }
0x1: {  	(tag) =	ssettag $0x0;
	lr =	simm.s32 $0x1  }
0x2: {  	[smem:$0x3F9F] =	sst lr;
	_ =	strace $0xD0000000  }
0x3: {  	_ = 	snop  }
0x4: {  	_ = 	snop  }
0x5: {  	_ = 	snop  }
0x6: {  	_ = 	snop  }
0x7: {  	_ = 	snop  }
__scs_overlays_trampoline_lowered:
0x8: {  	[smem:$0x3FAE] =	sst s0  }
0x9: {  	[smem:$0x3FAF] =	sst s1  }
0xa: {  	[smem:$0x3FB0] =	sst s2  }
0xb: {  	[smem:$0x3FB1] =	sst s3  }
0xc: {  	[smem:$0x3FB2] =	sst s4  }
0xd: {  	[smem:$0x3FB3] =	sst s5  }
0xe: {  	[smem:$0x3FB4] =	sst s6  }
0xf: {  	[smem:$0x3FB5] =	sst s7  }
0x10: {  	[smem:$0x3FB6] =	sst s8  }
0x11: {  	[smem:$0x3FB7] =	sst s9;
	s0 =	simm.s32 @!p0 $0x0  }
0x12: {  	s1 =	sld [smem:$0x3F9D];
	s0 =	simm.s32 @p0 $0x1  }
0x13: {  	[smem:$0x3FB8] =	sst s0;
	s0 =	simm.s32 @!p1 $0x0  }
0x14: {  	s2 =	sld [smem:$0x3F9C];
	s0 =	simm.s32 @p1 $0x1  }
0x15: {  	[smem:$0x3FB9] =	sst s0;
	s0 =	simm.s32 @!p2 $0x0  }
0x16: {  	s3 =	sld [smem:$0x3FDB];
	s0 =	simm.s32 @p2 $0x1  }
0x17: {  	s4 =	simm.s32 $0x1BF5;
	[smem:$0x3FBB] =	sst s0  }
0x18: {  	s0 =	sld [smem:$0x3F9E];
	_ =	swait.ge [sflag:s4], $0x0  }
0x19: {  	s7 =	sld [smem:$0x3F9F]  }
0x1a: {  	s8 =	sadd.s32 $0xFFFFE003, lr  }
0x1b: {  	s9 =	sadd.s32 $0xFFFFFEF7, lr;
	s5 =	simm.s32 $0xFFFFFFFF;
	p2 =	slt.u32 s8, $0xFFFFF086  }
0x1c: {  	p1 =	slt.u32 s9, $0xF7A;
	s5 =	simm.s32 @!p2 $0x0  }
0x1d: {  	s5 =	simm.s32 @p1 $0x1;
	p0 =	seq.s32 s7, s2  }
0x1e: {  	s7 =	smul.u32 @!p0 $0xF7A, s2;
	p2 =	seq.s32 @!p0 s5, $0x0  }
0x1f: {  	s9 =	smul.u32 $0xF7A, s1;
	s8 =	simm.s32 @!p0 $0x1BF5;
	p2 =	por !p2, p0  }
0x20: {  	[sflag:s8] =	ssyncset.s32 @!p0 $0xFFFFF086;
	s6 =	sadd.s32 @!p0 s3, s7;
	s7 =	simm.s32 @!p0 $0x108  }
0x21: {  	s3 =	sadd.s32 s3, s9;
	s6 =	sadd.s32 @!p0 $0x88, s6;
	s7 =	simm.s32 @p2 $0x1082  }
0x22: {  	[simem:s7], [sflag:s8] =	dma.local @!p0 [hbm:s6], $0xF7A  }
0x23: {  	s9 =	sor.u32 $0xD0000000, s2;
	s6 =	simm.s32 $0x108;
	_ =	swait.ge @!p0 [sflag:s8], $0x0  }
0x24: {  	s3 =	sadd.s32 $0x88, s3;
	s6 =	simm.s32 @!p1 $0x1082;
	[sflag:s4] =	ssyncset.s32 $0xFFFFF086  }
0x25: {  	[simem:s6], [sflag:s4] =	dma.local [hbm:s3], $0xF7A  }
0x26: {  	[smem:$0x3F9F] =	sst s1;
	(tag) =	ssettag s2;
	_ =	strace s9  }
0x27: {  	s1 =	sld [smem:$0x3FAF]  }
0x28: {  	s2 =	sld [smem:$0x3FB0]  }
0x29: {  	s4 =	sld [smem:$0x3FB2]  }
0x2a: {  	p0 =	seq.s32 s5, $0x0;
	s5 =	sld [smem:$0x3FB3]  }
0x2b: {  	s6 =	sld [smem:$0x3FB4]  }
0x2c: {  	s7 =	sld [smem:$0x3FB5]  }
0x2d: {  	s3 =	simm.s32 $0x108;
	s8 =	sld [smem:$0x3FB6]  }
0x2e: {  	s3 =	simm.s32 @!p0 $0x1082;
	s9 =	sld [smem:$0x3FB7]  }
0x2f: {  	lr =	sadd.s32 s0, s3;
	s0 =	sld [smem:$0x3FAE]  }
0x30: {  	s3 =	sld [smem:$0x3FB1]  }
0x31: {  	[smem:$0x3FBA] =	sst s10  }
0x32: {  	s10 =	sld [smem:$0x3FB8];
	_ =	sdelay $0x3  }
0x33: {  	p0 =	seq.s32 s10, $0x1;
	s10 =	sld [smem:$0x3FBA];
	_ =	sdelay $0x3  }
0x34: {  	[smem:$0x3FBA] =	sst s10  }
0x35: {  	s10 =	sld [smem:$0x3FB9];
	_ =	sdelay $0x3  }
0x36: {  	p1 =	seq.s32 s10, $0x1;
	s10 =	sld [smem:$0x3FBA];
	_ =	sdelay $0x3  }
0x37: {  	[smem:$0x3FBA] =	sst s10  }
0x38: {  	s10 =	sld [smem:$0x3FBB]  }
0x39: {  	_ = 	snop;
	(pc) =	sbr.ind lr, $3  }
0x3a: {  	_ = 	snop  }
0x3b: {  	_ = 	snop  }
0x3c: {  	p2 =	seq.s32 s10, $0x1;
	s10 =	sld [smem:$0x3FBA]  }
0x3d: {  	_ =	shalt  }
0x3e: {  	_ =	shalt  }
0x3f: {  	_ =	shalt  }
0x40: {  	_ =	shalt  }
0x41: {  	_ =	shalt  }
0x42: {  	_ =	shalt  }
0x43: {  	_ =	shalt  }
0x44: {  	_ =	shalt  }
0x45: {  	_ =	shalt  }
0x46: {  	_ =	shalt  }
0x47: {  	_ =	shalt  }
0x48: {  	_ =	shalt  }
0x49: {  	_ =	shalt  }
0x4a: {  	_ =	shalt  }
0x4b: {  	_ =	shalt  }
0x4c: {  	_ =	shalt  }
0x4d: {  	_ =	shalt  }
0x4e: {  	_ =	shalt  }
0x4f: {  	_ =	shalt  }
0x50: {  	_ =	shalt  }
0x51: {  	_ =	shalt  }
0x52: {  	_ =	shalt  }
0x53: {  	_ =	shalt  }
0x54: {  	_ =	shalt  }
0x55: {  	_ =	shalt  }
0x56: {  	_ =	shalt  }
0x57: {  	_ =	shalt  }
0x58: {  	_ =	shalt  }
0x59: {  	_ =	shalt  }
0x5a: {  	_ =	shalt  }
0x5b: {  	_ =	shalt  }
0x5c: {  	_ =	shalt  }
0x5d: {  	_ =	shalt  }
0x5e: {  	_ =	shalt  }
0x5f: {  	_ =	shalt  }
0x60: {  	_ =	shalt  }
0x61: {  	_ =	shalt  }
0x62: {  	_ =	shalt  }
0x63: {  	_ =	shalt  }
0x64: {  	_ =	shalt  }
0x65: {  	_ =	shalt  }
0x66: {  	_ =	shalt  }
0x67: {  	_ =	shalt  }
0x68: {  	_ =	shalt  }
0x69: {  	_ =	shalt  }
0x6a: {  	_ =	shalt  }
0x6b: {  	_ =	shalt  }
0x6c: {  	_ =	shalt  }
0x6d: {  	_ =	shalt  }
0x6e: {  	_ =	shalt  }
0x6f: {  	_ =	shalt  }
0x70: {  	_ =	shalt  }
0x71: {  	_ =	shalt  }
0x72: {  	_ =	shalt  }
0x73: {  	_ =	shalt  }
0x74: {  	_ =	shalt  }
0x75: {  	_ =	shalt  }
0x76: {  	_ =	shalt  }
0x77: {  	_ =	shalt  }
0x78: {  	_ =	shalt  }
0x79: {  	_ =	shalt  }
0x7a: {  	_ =	shalt  }
0x7b: {  	_ =	shalt  }
0x7c: {  	_ =	shalt  }
0x7d: {  	_ =	shalt  }
0x7e: {  	_ =	shalt  }
0x7f: {  	_ =	shalt  }
0x80: {  	_ =	shalt  }
0x81: {  	_ =	shalt  }
0x82: {  	_ =	shalt  }
0x83: {  	_ =	shalt  }
0x84: {  	_ =	shalt  }
0x85: {  	_ =	shalt  }
0x86: {  	_ =	shalt  }
0x87: {  	_ =	shalt  }
.Lfunc_end0:
.L_simem_size_0:
called_computation.1_lowered:
.L_overlay_start_0:
0x88: {  	s2 =	sld [smem:$0x3FD9]  }
0x89: {  	s3 =	sld [smem:$0x3FFE];
	_ =	sdelay $0x1  }
0x8a: {  	s1 =	srdreg.scid  }
0x8b: {  	s0 =	sand.u32 $0x1, s1  }
0x8c: {  	s17 =	sshll.u32 s0, $0xA;
	s2 =	sadd.s32 s3, s2  }
0x8d: {  	s2 =	sadd.s32 s2, s17  }
0x8e: {  	[smem:$0x3FC6] =	sst s2  }
0x8f: {  	_ = 	snop  }
0x90: {  	s2 =	sld [smem:$0x3FD0];
	(tm) =	ssettm $0x1  }
0x91: {  	s18 =	sld [smem:$0x3FFB];
	_ =	sdelay $0x3  }
0x92: {  	_ =	strace s18  }
0x93: {  	s3 =	sld [smem:$0x3FFC];
	_ =	sdelay $0x3  }
0x94: {  	_ =	strace s3  }
0x95: {  	s3 =	sld [smem:$0x3FFD];
	_ =	sdelay $0x3  }
0x96: {  	_ =	strace s3  }
0x97: {  	_ =	strace $0x8FFFFFFF  }
0x98: {  	s19 =	sld [smem:$0x3FDB];
	_ =	sdelay $0x1  }
0x99: {  	s4 =	simm.s32 $_scs_section_size  }
0x9a: {  	s5 =	simm.s32 $_size__tile_overlayer_lowered;
	s6 =	simm.s32 $_tile_overlayer_lowered  }
0x9b: {  	s22 =	simm.s32 $0x1BFF;
	s21 =	sshll.u32 s6, $0x1;
	s3 =	sadd.s32 s4, s19  }
0x9c: {  	s7 =	simm.s32 $0x0;
	s20 =	sshll.u32 s5, $0x1;
	s5 =	sadd.s32 s21, s3  }
0x9d: {  	[timem:s7], [sflag:s22] =	dma.local [hbm:s5], s20  }
0x9e: {  	_ =	swait.ge [sflag:s22], s20  }
0x9f: {  	s4 =	ssub.s32 $0x0, s20;
	[sflag:s22] =	ssyncset.done $0x0  }
0xa0: {  	[sflag:s22] =	ssyncadd.s32 s4;
	_ =	sdelay $0x1  }
0xa1: {  	s23 =	simm.s32 $0x1B8B  }
0xa2: {  	_ =	swait.ge [sflag:s23], $0x1  }
0xa3: {  	[sflag:s23] =	ssyncset.done $0x0  }
0xa4: {  	s25 =	simm.s32 $0x1B8E;
	s24 =	sld [smem:$0x3FFE];
	[sflag:s23] =	ssyncadd.s32 $0xFFFFFFFF  }
0xa5: {  	s26 =	simm.s32 $execute0_lowered;
	[smem:$0x3FD2] =	sst s25  }
0xa6: {  	s5 =	sshll.u32 s26, $0x1;
	_ =	strace $0x80000049;
	[dreg:$0x1] =	wrdreg $0xFFFFFFFF  }
0xa7: {  	s28 =	simm.s32 $_size_execute0_lowered;
	s3 =	sadd.s32 s3, s5;
	[dreg:$0x0] =	wrdreg $0x0  }
0xa8: {  	s5 =	sshll.u32 s28, $0x1;
	[dreg:$0x2] =	wrdreg s3  }
0xa9: {  	[dreg:$0x3] =	wrdreg s5  }
0xaa: {  	[dreg:$0x4] =	wrdreg $0xC0  }
0xab: {  	_ =	task [dreg:s7], $0x5FFFF  }
0xac: {  	[dreg:$0x1] =	wrdreg $0xFFFFFFFF  }
0xad: {  	[dreg:$0x0] =	wrdreg $0x60  }
0xae: {  	[dreg:$0x2] =	wrdreg s24  }
0xaf: {  	[dreg:$0x3] =	wrdreg s2  }
0xb0: {  	[dreg:$0x4] =	wrdreg $0x9  }
0xb1: {  	_ =	task.clear_ibuf [dreg:s7], $0x5FFFF;
	_ =	strace $0x90000049  }
0xb2: {  	s29 =	simm.s32 $0x9;
	_ =	strace $0x8000004B  }
0xb3: {  	_ =	swait.ge [sflag:s29], $0x1  }
0xb4: {  	[sflag:s29] =	ssyncadd.s32 $0xFFFFFFFF  }
0xb5: {  	_ =	strace $0x9000004B  }
0xb6: {  	_ =	sfence  }
0xb7: {  	s30 =	sld [smem:$0x0];
	_ =	sdelay $0x2  }
0xb8: {  	s31 =	sshll.u32 s1, $0xD;
	s1 =	sshrl.u32 s1, $0x2  }
0xb9: {  	s3 =	sand.u32 $0x4000, s31;
	s1 =	sadd.s32 s1, s30  }
0xba: {  	s0 =	sor.u32 s3, s0;
	s1 =	sshll.u32 s1, $0x11  }
0xbb: {  	s0 =	sor.u32 s1, s0  }
0xbc: {  	s0 =	sadd.s32 $0x8F2B, s0  }
0xbd: {  	[sflag:s0] =	ssyncadd.remote.s32 $0x1  }
0xbe: {  	_ =	sfence.sel $0xFFFF  }
0xbf: {  	[dreg:$0x0] =	wrdreg $0xFFFFFFFF;
	(pc) =	sbr.abs _section_cstart, $3  }
0xc0: {  	[dreg:$0x1] =	wrdreg $0xFFFFFFFF  }
0xc1: {  	_ =	task.clear_ibuf [dreg:s7], $0x2FFFF;
	_ =	strace $0x9FFFFFFF  }
0xc2: {  	(tm) =	ssettm $0x7FFFFFFF  }
0xc3: {  	_ =	shalt  }
tec
execute0_lowered:
.L_overlay_start_1:
0x0: {  	(tag) =	ssettag $0x1  }
0x1: {  	s6 =	rddreg [dreg:$0x0]  }
0x2: {  	s1 =	rddreg [dreg:$0x1]  }
0x3: {  	s0 =	rddreg [dreg:$0x2];
	s2 =	simm.s32 $0x0;
	s3 =	srdreg.scid  }
0x4: {  	s9 =	simm.s32 $0x1;
	s10 =	simm.s32 $0x4E20;
	s11 =	simm.s32 $0x2  }
0x5: {  	s12 =	simm.s32 $0x0;
	[smem:$0x7FF] =	sst s2;
	s4 =	sand.u32 $0x1, s3  }
0x6: {  	s3 =	stileid.u32;
	_ =	strace $0x8000004A;
	s5 =	ssub.s32 $0x2, s4  }
0x7: {  	s7 =	sshll.u32 s4, $0x4;
	s4 =	sadd.s32 $0xC3E00, s6;
	s8 =	sshrl.u32 s5, $0x1  }
0x8: {  	s6 =	sadd.s32 $0xF4B40, s6;
	s7 =	sor.u32 s3, s7;
	s8 =	ssub.s32 s5, s8  }
0x9: {  	s5 =	smul.u32 $0xC35, s7;
	s7 =	smax.u32 s8, $0x1;
	s8 =	simm.s32 $0x2710  }
.LBB2_1:
0xa: {  	s13 =	simm.s32 $0x0  }
.LBB2_2:
0xb: {  	s14 =	smul.u32 $0x271, s13;
	_ =	sdelay $0x1  }
0xc: {  	s14 =	sadd.s32 s5, s14  }
0xd: {  	s14 =	sshll.u32 s14, $0x1  }
0xe: {  	s16 =	simm.s32 $0x0;
	s15 =	sadd.s32 s4, s14  }
0xf: {  	[tilespmem:s16], [sflag:$0x1] =	stream.linear.gather [hbm4b:s15+s16], $0x2710, $0x38;
	[tilespmem:$0x7530] =	vst v63  }
0x10: {  	s31 =	sadd.s32 s14, s6  }
0x11: {  	[tilespmem:s8], [sflag:$0x1] =	stream.linear.gather [hbm4b:s31+s16], $0x2710, $0x38;
	[tilespmem:$0x7530] =	vst v63  }
0x12: {  	_ =	swait.ge [sflag:s9], $0x2710  }
0x13: {  	[sflag:s9] =	ssyncset.done $0x0  }
0x14: {  	[sflag:s9] =	ssyncadd.s32 $0xFFFFD8F0  }
0x15: {  	_ =	swait.ge [sflag:s9], $0x2710  }
0x16: {  	[sflag:s9] =	ssyncset.done $0x0  }
0x17: {  	s15 =	simm.s32 $0x0;
	[sflag:s9] =	ssyncadd.s32 $0xFFFFD8F0  }
0x18: {  	v0 =	vld [tilespmem:s15+$0x0]  }
0x19: {  	s16 =	simm.s32 $0x40;
	v1 =	vld [tilespmem:s15+$0x2710]  }
.LBB2_3:
0x1a: {  	_ = 	snop  }
0x1b: {  	p0 =	sne.s32 s16, $0x9C00  }
.Ltmp0:
0x1c: {  	_ = 	snop;
	(pc) =	sbr.rel @p0 .LBB2_3-.Ltmp0, $4  }
0x1d: {  	_ = 	snop  }
0x1e: {  	s17 =	sshra.s32 s16, $0x2;
	v2 =	vadd.f32 v1, v0  }
0x1f: {  	v0 =	vld [tilespmem:s17+$0x0]  }
0x20: {  	s16 =	sadd.s32 $0x40, s16;
	v1 =	vld [tilespmem:s17+$0x2710];
	[tilespmem:s15+$0x4E20] =	vst v2;
	s15 =	smov.u32 s17  }
0x21: {  	_ =	sdelay $0x3  }
0x22: {  	s13 =	sadd.s32 $0x1, s13;
	v0 =	vadd.f32 v1, v0  }
0x23: {  	p0 =	sne.s32 s13, $0x5  }
.Ltmp1:
0x24: {  	s14 =	sadd.s32 s1, s14;
	[tilespmem:s15+$0x4E20] =	vst v0;
	(pc) =	sbr.rel @p0 .LBB2_2-.Ltmp1, $4  }
0x25: {  	[hbm4b:s14+s2] =	stream.linear.scatter [tilespmem:s10], [sflag:$0x2], $0x2710, $0x38;
	[tilespmem:$0x7530] =	vst v63  }
0x26: {  	_ =	swait.ge [sflag:s11], $0x2710  }
0x27: {  	[sflag:s11] =	ssyncset.done $0x0  }
0x28: {  	[sflag:s11] =	ssyncadd.s32 $0xFFFFD8F0  }
0x29: {  	s12 =	sadd.s32 $0x1, s12  }
0x2a: {  	p0 =	sne.s32 s12, s7  }
.Ltmp2:
0x2b: {  	_ = 	snop;
	(pc) =	sbr.rel @p0 .LBB2_1-.Ltmp2, $1  }
0x2c: {  	_ =	sdelay $0x3  }
0x2d: {  	_ =	sfence.sel $0x180000  }
0x2e: {  	[bflag:$0x0] =	sbarrier.arrive $0xFFFF  }
0x2f: {  	p0 =	sne.s32 s3, $0x0;
	_ =	strace $0x9000004A  }
0x30: {  	s0 =	sadd.s32 @!p0 $0x100000, s0;
	[bflag:$0x2] =	sbarrier.arrive $0xFFFF  }
0x31: {  	[sflag:s0] =	ssyncadd.tile.s32 @!p0 $0x1;
	_ =	shalt  }
.Lfunc_end2:
_tile_overlayer_lowered:
.L_overlay_start_2:
0x32: {  	(tag) =	ssettag $0x2  }
0x33: {  	s0 =	rddreg [dreg:$0x0];
	s2 =	stileid.u32  }
0x34: {  	s1 =	rddreg [dreg:$0x1];
	p0 =	sne.s32 s2, $0x0  }
0x35: {  	s3 =	rddreg [dreg:$0x2];
	[bflag:$0x3] =	sbarrier.arrive $0xFFFF;
	s2 =	simm.s32 @!p0 $0x1C02  }
0x36: {  	[timem:s3], [sflag:s2] =	dma.local @!p0 [hbm:s0], s1  }
0x37: {  	s0 =	simm.s32 @!p0 $0x2  }
0x38: {  	_ =	swait.ge @!p0 [sflag:s0], s1  }
0x39: {  	s1 =	ssub.s32 @!p0 $0x0, s1;
	[sflag:s0] =	ssyncset.done @!p0 $0x0  }
0x3a: {  	[sflag:s0] =	ssyncadd.s32 @!p0 s1  }
0x3b: {  	[bflag:$0x3] =	sbarrier.arrive $0xFFFF  }
0x3c: {  	_ =	shalt  }

</sc_bundles>
